<compile_context>
chip_gen: v7x
topology: tpu7x:2x2x1
jax: 0.10.2.dev20260603
libtpu: 0.0.44.dev20260713+nightly
codegen_flags: <defaults>
</compile_context>

<pallas_src>
import jax
import jax.numpy as jnp
from jax import lax
from jax.experimental import pallas as pl
from jax.experimental.pallas import tpu as pltpu
from jax.experimental.pallas import tpu_sc as plsc

N = 10000
E = 160000
D_IN = 256
D_H = 512
HALF = 128
NP = 10240
WIN = 96
EP = 165888
NROWS = EP // WIN
NC, NS = 2, 16
SUB = NP // NS
WSUB = NROWS // NS
WDEG = NROWS // (NC * NS)
NACC = 10112
SACC = NACC // NS
NPASS = 3
WPASS = WSUB // NPASS

_MESH = plsc.VectorSubcoreMesh(
    core_axis_name="c", subcore_axis_name="s", num_cores=NC, num_subcores=NS)


def _deg_body(edges_hbm, deg_hbm, idxs, ones_v, zeros_v, acc, sem):
  c = lax.axis_index("c")
  s = lax.axis_index("s")
  for k in range(WIN // 16):
    ones_v[pl.ds(k * 16, 16)] = jnp.ones((16,), jnp.float32)
  for k in range(SUB // 16):
    zeros_v[pl.ds(k * 16, 16)] = jnp.zeros((16,), jnp.float32)
  wid = c * NS + s
  pltpu.sync_copy(edges_hbm.at[wid], idxs)
  pltpu.sync_copy(zeros_v, acc.at[pl.ds(s * SUB, SUB)])
  plsc.subcore_barrier()

  cps = [pltpu.async_copy(ones_v, acc.at[idxs.at[w]], sem, add=True)
         for w in range(WDEG)]
  for cp in cps:
    cp.wait()

  plsc.subcore_barrier()
  pltpu.sync_copy(acc.at[pl.ds(s * SUB, SUB)],
                  deg_hbm.at[pl.ds(c * NP + s * SUB, SUB)])


_deg = pl.kernel(
    _deg_body,
    out_type=jax.ShapeDtypeStruct((NC * NP,), jnp.float32),
    mesh=_MESH,
    scratch_types=[
        pltpu.VMEM((WDEG, WIN), jnp.int32),
        pltpu.VMEM((WIN,), jnp.float32),
        pltpu.VMEM((SUB,), jnp.float32),
        pltpu.VMEM_SHARED((NP,), jnp.float32),
        pltpu.SemaphoreType.DMA,
    ],
)


def _agg_body(edges_hbm, xs0_hbm, xs1_hbm, y_hbm, idxs, r0, r1, r2,
              acc, g0, g1, g2, s0, s1, s2):
  c = lax.axis_index("c")
  s = lax.axis_index("s")
  rows = (r0, r1, r2)
  gsem = (g0, g1, g2)
  ssem = (s0, s1, s2)

  for k, xs_hbm in ((0, xs0_hbm), (1, xs1_hbm)):
    @pl.when(c == k)
    def _core():
      pltpu.sync_copy(xs_hbm.at[pl.ds(s * SACC, SACC), :],
                      acc.at[pl.ds(s * SACC, SACC), :])
      plsc.subcore_barrier()

      def gather(w, b):
        return pltpu.async_copy(xs_hbm.at[idxs.at[0, w]], rows[b], gsem[b])

      def scatter(w, b):
        return pltpu.async_copy(rows[b], acc.at[idxs.at[1, w]], ssem[b],
                                add=True)

      def wait_gather(w, b):
        pltpu.make_async_copy(xs_hbm.at[idxs.at[0, w]], rows[b],
                              gsem[b]).wait()

      def wait_scatter(w, b):
        pltpu.make_async_copy(rows[b], acc.at[idxs.at[1, w]], ssem[b]).wait()

      nblk = WPASS // 3

      @pl.loop(0, NPASS)
      def _pass(p):
        @pl.when(p > 0)
        def _():
          wait_scatter(WPASS - 1, 2)
        pltpu.sync_copy(edges_hbm.at[s * NPASS + p], idxs)
        gather(0, 0)
        gather(1, 1)

        @pl.loop(0, nblk)
        def _block(j):
          w0 = 3 * j
          @pl.when(j > 0)
          def _():
            wait_scatter(w0 - 1, 2)
          wait_gather(w0, 0)
          scatter(w0, 0)
          gather(w0 + 2, 2)
          wait_scatter(w0, 0)
          wait_gather(w0 + 1, 1)
          scatter(w0 + 1, 1)
          @pl.when(j < nblk - 1)
          def _():
            gather(w0 + 3, 0)
          wait_scatter(w0 + 1, 1)
          wait_gather(w0 + 2, 2)
          scatter(w0 + 2, 2)
          @pl.when(j < nblk - 1)
          def _():
            gather(w0 + 4, 1)

      wait_scatter(WPASS - 1, 2)
      plsc.subcore_barrier()

  pltpu.sync_copy(acc.at[pl.ds(s * SACC, SACC), :],
                  y_hbm.at[pl.ds(c * NACC + s * SACC, SACC), :])


_agg = pl.kernel(
    _agg_body,
    out_type=jax.ShapeDtypeStruct((NC * NACC, HALF), jnp.float32),
    mesh=_MESH,
    scratch_types=[
        pltpu.VMEM((2, WPASS, WIN), jnp.int32),
        pltpu.VMEM((WIN, HALF), jnp.float32),
        pltpu.VMEM((WIN, HALF), jnp.float32),
        pltpu.VMEM((WIN, HALF), jnp.float32),
        pltpu.VMEM_SHARED((NACC, HALF), jnp.float32),
        pltpu.SemaphoreType.DMA,
        pltpu.SemaphoreType.DMA,
        pltpu.SemaphoreType.DMA,
        pltpu.SemaphoreType.DMA,
        pltpu.SemaphoreType.DMA,
        pltpu.SemaphoreType.DMA,
    ],
)

_BLK = 256


def _scale_body(x_ref, deg_ref, xs0_ref, xs1_ref, dinv_ref):
  d = deg_ref[0, :] + deg_ref[1, :] + 1.0
  di = lax.rsqrt(d)
  xs = x_ref[...] * di[:, None]
  xs0_ref[...] = xs[:, :HALF]
  xs1_ref[...] = xs[:, HALF:]
  dinv_ref[...] = di


def _scale(x, deg2):
  return pl.pallas_call(
      _scale_body,
      grid=(NP // _BLK,),
      in_specs=[
          pl.BlockSpec((_BLK, D_IN), lambda i: (i, 0)),
          pl.BlockSpec((2, _BLK), lambda i: (0, i)),
      ],
      out_specs=[
          pl.BlockSpec((_BLK, HALF), lambda i: (i, 0)),
          pl.BlockSpec((_BLK, HALF), lambda i: (i, 0)),
          pl.BlockSpec((_BLK,), lambda i: (i,)),
      ],
      out_shape=[
          jax.ShapeDtypeStruct((NP, HALF), jnp.float32),
          jax.ShapeDtypeStruct((NP, HALF), jnp.float32),
          jax.ShapeDtypeStruct((NP,), jnp.float32),
      ],
  )(x, deg2)


def _matmul_body(y_ref, dinv_ref, w_ref, b_ref, a_ref, out_ref):
  di = dinv_ref[...][:, None]
  y0 = y_ref[0] * di
  y1 = y_ref[1] * di
  h = jnp.dot(y0, w_ref[:HALF, :], preferred_element_type=jnp.float32)
  h = h + jnp.dot(y1, w_ref[HALF:, :], preferred_element_type=jnp.float32)
  h = h + b_ref[...][None, :]
  out_ref[...] = jnp.where(h > 0, h, a_ref[...][None, :] * h)


def _matmul(y, dinv, W, b, prelu_a):
  return pl.pallas_call(
      _matmul_body,
      grid=(NP // _BLK,),
      in_specs=[
          pl.BlockSpec((2, _BLK, HALF), lambda i: (0, i, 0)),
          pl.BlockSpec((_BLK,), lambda i: (i,)),
          pl.BlockSpec((D_IN, D_H), lambda i: (0, 0)),
          pl.BlockSpec((D_H,), lambda i: (0,)),
          pl.BlockSpec((D_H,), lambda i: (0,)),
      ],
      out_specs=pl.BlockSpec((_BLK, D_H), lambda i: (i, 0)),
      out_shape=jax.ShapeDtypeStruct((N, D_H), jnp.float32),
  )(y, dinv, W, b, prelu_a)


@jax.jit
def kernel(x, edge_index, W, b, prelu_a):
  src = edge_index[0].astype(jnp.int32)
  dst = edge_index[1].astype(jnp.int32)
  npad = EP - E
  ar = jnp.arange(npad, dtype=jnp.int32)
  psrc = (ar * 911) % N
  pdst = N + (ar % (NACC - N))
  src_pad = jnp.concatenate([src, psrc])
  dst_pad = jnp.concatenate([dst, pdst])
  e5 = jnp.stack([src_pad, dst_pad]).reshape(2, NS, NPASS, WPASS, WIN)
  eagg = jnp.transpose(e5, (1, 2, 0, 3, 4)).reshape(NS * NPASS, 2, WPASS, WIN)
  edeg = dst_pad.reshape(NC * NS, WDEG, WIN)

  deg = _deg(edeg).reshape(2, NP)
  xs0, xs1, dinv = _scale(x, deg)
  y = _agg(eagg, xs0, xs1).reshape(2, NACC, HALF)
  return _matmul(y, dinv, W, b, prelu_a)

# --- scband reference (transcript-rebuilt; emitter-appended) ---
"""Pipeline reference for scband-encoder-41661182771754 (READ-ONLY COPY).

The authoritative reference and input builder live on the scoring server;
editing this copy changes nothing except your own understanding.
"""

import jax, jax.numpy as jnp
import numpy as np

N = 10000
E = 160000
D_IN = 256
D_H = 512


def setup_inputs(seed: int = 0) -> dict:
    key = jax.random.key(seed)
    k1, k2, k3, k4 = jax.random.split(key, 4)
    x = jax.random.normal(k1, (N, D_IN), dtype=jnp.float32)
    edge_index = jax.random.randint(k2, (2, E), 0, N)
    W = jax.random.normal(k3, (D_IN, D_H), dtype=jnp.float32) * (1.0 / np.sqrt(D_IN))
    b = jnp.zeros((D_H,), dtype=jnp.float32)
    prelu_a = jnp.full((D_H,), 0.25, dtype=jnp.float32)
    return {"x": x, "edge_index": edge_index, "W": W, "b": b, "prelu_a": prelu_a}


def reference(x, edge_index, W, b, prelu_a):
    # GCNConv: add self-loops, symmetric normalization, then aggregate.
    src = edge_index[0]
    dst = edge_index[1]
    loop = jnp.arange(N, dtype=src.dtype)
    src = jnp.concatenate([src, loop])
    dst = jnp.concatenate([dst, loop])
    # Linear transform first (in_dim -> hidden_dim)
    h = x @ W
    # Degree (including self-loops), computed on dst
    deg = jax.ops.segment_sum(jnp.ones_like(dst, dtype=h.dtype), dst, num_segments=N)
    dinv = jnp.where(deg > 0, jax.lax.rsqrt(deg), 0.0)
    norm = dinv[src] * dinv[dst]
    # Gather messages, scale, scatter-add to destination nodes
    msgs = h[src] * norm[:, None]
    out = jax.ops.segment_sum(msgs, dst, num_segments=N)
    out = out + b
    # PReLU with per-channel parameter
    out = jnp.where(out > 0, out, prelu_a * out)
    return out

if __name__ == "__main__":
    import jax
    _d = setup_inputs()
    print(jax.jit(kernel)(*tuple(_d.values())))

</pallas_src>

<mosaic_0001>
#map = affine_map<(d0, d1) -> (0, 0, 0)>
#map1 = affine_map<(d0, d1) -> (0)>
module attributes {stable_mosaic.version = 14 : i64} {
  func.func @_deg_body(%arg0: i32, %arg1: i32, %arg2: memref<32x54x96xi32, #tpu.memory_space<hbm>>, %arg3: memref<20480xf32, #tpu.memory_space<hbm>>, %arg4: memref<54x96xi32, #tpu.memory_space<vmem>>, %arg5: memref<96xf32, #tpu.memory_space<vmem>>, %arg6: memref<640xf32, #tpu.memory_space<vmem>>, %arg7: memref<10240xf32, #tpu.memory_space<vmem_shared>>, %arg8: memref<!tpu.dma_semaphore, #tpu.memory_space<semaphore_mem>>) attributes {dimension_semantics = [#tpu.dimension_semantics<core_parallel>, #tpu.dimension_semantics<subcore_parallel>], iteration_bounds = array<i64: 2, 16>, scalar_prefetch = 0 : i64, scratch_operands = 5 : i64, tpu.core_type = #tpu.core_type<sc_vector_subcore>, window_params = [{transform_indices = #map}, {transform_indices = #map1}]} {
    %broadcast_in_dim3A = arith.constant 1.000000e+00 : f32
    %broadcast_in_dim3A_0 = vector.broadcast %broadcast_in_dim3A : f32 to vector<16xf32>
    %swap3A = arith.constant 0 : index
    %swap3A_1 = tpu.vector_load %arg5[%swap3A] {strides = array<i32>} : memref<96xf32, #tpu.memory_space<vmem>>, vector<16xf32>,
    %swap3A_2 = vector.shape_cast %swap3A_1 : vector<16xf32> to vector<16xf32>
    %swap3A_3 = vector.shape_cast %broadcast_in_dim3A_0 : vector<16xf32> to vector<16xf32>
    tpu.vector_store %arg5[%swap3A], %swap3A_3 {strides = array<i32>} : memref<96xf32, #tpu.memory_space<vmem>>, vector<16xf32>,
    %broadcast_in_dim3A_4 = arith.constant 1.000000e+00 : f32
    %broadcast_in_dim3A_5 = vector.broadcast %broadcast_in_dim3A_4 : f32 to vector<16xf32>
    %swap3A_6 = arith.constant 16 : index
    %swap3A_7 = tpu.vector_load %arg5[%swap3A_6] {strides = array<i32>} : memref<96xf32, #tpu.memory_space<vmem>>, vector<16xf32>,
    %swap3A_8 = vector.shape_cast %swap3A_7 : vector<16xf32> to vector<16xf32>
    %swap3A_9 = vector.shape_cast %broadcast_in_dim3A_5 : vector<16xf32> to vector<16xf32>
    tpu.vector_store %arg5[%swap3A_6], %swap3A_9 {strides = array<i32>} : memref<96xf32, #tpu.memory_space<vmem>>, vector<16xf32>,
    %broadcast_in_dim3A_10 = arith.constant 1.000000e+00 : f32
    %broadcast_in_dim3A_11 = vector.broadcast %broadcast_in_dim3A_10 : f32 to vector<16xf32>
    %swap3A_12 = arith.constant 32 : index
    %swap3A_13 = tpu.vector_load %arg5[%swap3A_12] {strides = array<i32>} : memref<96xf32, #tpu.memory_space<vmem>>, vector<16xf32>,
    %swap3A_14 = vector.shape_cast %swap3A_13 : vector<16xf32> to vector<16xf32>
    %swap3A_15 = vector.shape_cast %broadcast_in_dim3A_11 : vector<16xf32> to vector<16xf32>
    tpu.vector_store %arg5[%swap3A_12], %swap3A_15 {strides = array<i32>} : memref<96xf32, #tpu.memory_space<vmem>>, vector<16xf32>,
    %broadcast_in_dim3A_16 = arith.constant 1.000000e+00 : f32
    %broadcast_in_dim3A_17 = vector.broadcast %broadcast_in_dim3A_16 : f32 to vector<16xf32>
    %swap3A_18 = arith.constant 48 : index
    %swap3A_19 = tpu.vector_load %arg5[%swap3A_18] {strides = array<i32>} : memref<96xf32, #tpu.memory_space<vmem>>, vector<16xf32>,
    %swap3A_20 = vector.shape_cast %swap3A_19 : vector<16xf32> to vector<16xf32>
    %swap3A_21 = vector.shape_cast %broadcast_in_dim3A_17 : vector<16xf32> to vector<16xf32>
    tpu.vector_store %arg5[%swap3A_18], %swap3A_21 {strides = array<i32>} : memref<96xf32, #tpu.memory_space<vmem>>, vector<16xf32>,
    %broadcast_in_dim3A_22 = arith.constant 1.000000e+00 : f32
    %broadcast_in_dim3A_23 = vector.broadcast %broadcast_in_dim3A_22 : f32 to vector<16xf32>
    %swap3A_24 = arith.constant 64 : index
    %swap3A_25 = tpu.vector_load %arg5[%swap3A_24] {strides = array<i32>} : memref<96xf32, #tpu.memory_space<vmem>>, vector<16xf32>,
    %swap3A_26 = vector.shape_cast %swap3A_25 : vector<16xf32> to vector<16xf32>
    %swap3A_27 = vector.shape_cast %broadcast_in_dim3A_23 : vector<16xf32> to vector<16xf32>
    tpu.vector_store %arg5[%swap3A_24], %swap3A_27 {strides = array<i32>} : memref<96xf32, #tpu.memory_space<vmem>>, vector<16xf32>,
    %broadcast_in_dim3A_28 = arith.constant 1.000000e+00 : f32
    %broadcast_in_dim3A_29 = vector.broadcast %broadcast_in_dim3A_28 : f32 to vector<16xf32>
    %swap3A_30 = arith.constant 80 : index
    %swap3A_31 = tpu.vector_load %arg5[%swap3A_30] {strides = array<i32>} : memref<96xf32, #tpu.memory_space<vmem>>, vector<16xf32>,
    %swap3A_32 = vector.shape_cast %swap3A_31 : vector<16xf32> to vector<16xf32>
    %swap3A_33 = vector.shape_cast %broadcast_in_dim3A_29 : vector<16xf32> to vector<16xf32>
    tpu.vector_store %arg5[%swap3A_30], %swap3A_33 {strides = array<i32>} : memref<96xf32, #tpu.memory_space<vmem>>, vector<16xf32>,
    %broadcast_in_dim3A_34 = arith.constant 0.000000e+00 : f32
    %broadcast_in_dim3A_35 = vector.broadcast %broadcast_in_dim3A_34 : f32 to vector<16xf32>
    %swap3A_36 = arith.constant 0 : index
    %swap3A_37 = tpu.vector_load %arg6[%swap3A_36] {strides = array<i32>} : memref<640xf32, #tpu.memory_space<vmem>>, vector<16xf32>,
    %swap3A_38 = vector.shape_cast %swap3A_37 : vector<16xf32> to vector<16xf32>
    %swap3A_39 = vector.shape_cast %broadcast_in_dim3A_35 : vector<16xf32> to vector<16xf32>
    tpu.vector_store %arg6[%swap3A_36], %swap3A_39 {strides = array<i32>} : memref<640xf32, #tpu.memory_space<vmem>>, vector<16xf32>,
    %broadcast_in_dim3A_40 = arith.constant 0.000000e+00 : f32
    %broadcast_in_dim3A_41 = vector.broadcast %broadcast_in_dim3A_40 : f32 to vector<16xf32>
    %swap3A_42 = arith.constant 16 : index
    %swap3A_43 = tpu.vector_load %arg6[%swap3A_42] {strides = array<i32>} : memref<640xf32, #tpu.memory_space<vmem>>, vector<16xf32>,
    %swap3A_44 = vector.shape_cast %swap3A_43 : vector<16xf32> to vector<16xf32>
    %swap3A_45 = vector.shape_cast %broadcast_in_dim3A_41 : vector<16xf32> to vector<16xf32>
    tpu.vector_store %arg6[%swap3A_42], %swap3A_45 {strides = array<i32>} : memref<640xf32, #tpu.memory_space<vmem>>, vector<16xf32>,
    %broadcast_in_dim3A_46 = arith.constant 0.000000e+00 : f32
    %broadcast_in_dim3A_47 = vector.broadcast %broadcast_in_dim3A_46 : f32 to vector<16xf32>
    %swap3A_48 = arith.constant 32 : index
    %swap3A_49 = tpu.vector_load %arg6[%swap3A_48] {strides = array<i32>} : memref<640xf32, #tpu.memory_space<vmem>>, vector<16xf32>,
    %swap3A_50 = vector.shape_cast %swap3A_49 : vector<16xf32> to vector<16xf32>
    %swap3A_51 = vector.shape_cast %broadcast_in_dim3A_47 : vector<16xf32> to vector<16xf32>
    tpu.vector_store %arg6[%swap3A_48], %swap3A_51 {strides = array<i32>} : memref<640xf32, #tpu.memory_space<vmem>>, vector<16xf32>,
    %broadcast_in_dim3A_52 = arith.constant 0.000000e+00 : f32
    %broadcast_in_dim3A_53 = vector.broadcast %broadcast_in_dim3A_52 : f32 to vector<16xf32>
    %swap3A_54 = arith.constant 48 : index
    %swap3A_55 = tpu.vector_load %arg6[%swap3A_54] {strides = array<i32>} : memref<640xf32, #tpu.memory_space<vmem>>, vector<16xf32>,
    %swap3A_56 = vector.shape_cast %swap3A_55 : vector<16xf32> to vector<16xf32>
    %swap3A_57 = vector.shape_cast %broadcast_in_dim3A_53 : vector<16xf32> to vector<16xf32>
    tpu.vector_store %arg6[%swap3A_54], %swap3A_57 {strides = array<i32>} : memref<640xf32, #tpu.memory_space<vmem>>, vector<16xf32>,
    %broadcast_in_dim3A_58 = arith.constant 0.000000e+00 : f32
    %broadcast_in_dim3A_59 = vector.broadcast %broadcast_in_dim3A_58 : f32 to vector<16xf32>
    %swap3A_60 = arith.constant 64 : index
    %swap3A_61 = tpu.vector_load %arg6[%swap3A_60] {strides = array<i32>} : memref<640xf32, #tpu.memory_space<vmem>>, vector<16xf32>,
    %swap3A_62 = vector.shape_cast %swap3A_61 : vector<16xf32> to vector<16xf32>
    %swap3A_63 = vector.shape_cast %broadcast_in_dim3A_59 : vector<16xf32> to vector<16xf32>
    tpu.vector_store %arg6[%swap3A_60], %swap3A_63 {strides = array<i32>} : memref<640xf32, #tpu.memory_space<vmem>>, vector<16xf32>,
    %broadcast_in_dim3A_64 = arith.constant 0.000000e+00 : f32
    %broadcast_in_dim3A_65 = vector.broadcast %broadcast_in_dim3A_64 : f32 to vector<16xf32>
    %swap3A_66 = arith.constant 80 : index
    %swap3A_67 = tpu.vector_load %arg6[%swap3A_66] {strides = array<i32>} : memref<640xf32, #tpu.memory_space<vmem>>, vector<16xf32>,
    %swap3A_68 = vector.shape_cast %swap3A_67 : vector<16xf32> to vector<16xf32>
    %swap3A_69 = vector.shape_cast %broadcast_in_dim3A_65 : vector<16xf32> to vector<16xf32>
    tpu.vector_store %arg6[%swap3A_66], %swap3A_69 {strides = array<i32>} : memref<640xf32, #tpu.memory_space<vmem>>, vector<16xf32>,
    %broadcast_in_dim3A_70 = arith.constant 0.000000e+00 : f32
    %broadcast_in_dim3A_71 = vector.broadcast %broadcast_in_dim3A_70 : f32 to vector<16xf32>
    %swap3A_72 = arith.constant 96 : index
    %swap3A_73 = tpu.vector_load %arg6[%swap3A_72] {strides = array<i32>} : memref<640xf32, #tpu.memory_space<vmem>>, vector<16xf32>,
    %swap3A_74 = vector.shape_cast %swap3A_73 : vector<16xf32> to vector<16xf32>
    %swap3A_75 = vector.shape_cast %broadcast_in_dim3A_71 : vector<16xf32> to vector<16xf32>
    tpu.vector_store %arg6[%swap3A_72], %swap3A_75 {strides = array<i32>} : memref<640xf32, #tpu.memory_space<vmem>>, vector<16xf32>,
    %broadcast_in_dim3A_76 = arith.constant 0.000000e+00 : f32
    %broadcast_in_dim3A_77 = vector.broadcast %broadcast_in_dim3A_76 : f32 to vector<16xf32>
    %swap3A_78 = arith.constant 112 : index
    %swap3A_79 = tpu.vector_load %arg6[%swap3A_78] {strides = array<i32>} : memref<640xf32, #tpu.memory_space<vmem>>, vector<16xf32>,
    %swap3A_80 = vector.shape_cast %swap3A_79 : vector<16xf32> to vector<16xf32>
    %swap3A_81 = vector.shape_cast %broadcast_in_dim3A_77 : vector<16xf32> to vector<16xf32>
    tpu.vector_store %arg6[%swap3A_78], %swap3A_81 {strides = array<i32>} : memref<640xf32, #tpu.memory_space<vmem>>, vector<16xf32>,
    %broadcast_in_dim3A_82 = arith.constant 0.000000e+00 : f32
    %broadcast_in_dim3A_83 = vector.broadcast %broadcast_in_dim3A_82 : f32 to vector<16xf32>
    %swap3A_84 = arith.constant 128 : index
    %swap3A_85 = tpu.vector_load %arg6[%swap3A_84] {strides = array<i32>} : memref<640xf32, #tpu.memory_space<vmem>>, vector<16xf32>,
    %swap3A_86 = vector.shape_cast %swap3A_85 : vector<16xf32> to vector<16xf32>
    %swap3A_87 = vector.shape_cast %broadcast_in_dim3A_83 : vector<16xf32> to vector<16xf32>
    tpu.vector_store %arg6[%swap3A_84], %swap3A_87 {strides = array<i32>} : memref<640xf32, #tpu.memory_space<vmem>>, vector<16xf32>,
    %broadcast_in_dim3A_88 = arith.constant 0.000000e+00 : f32
    %broadcast_in_dim3A_89 = vector.broadcast %broadcast_in_dim3A_88 : f32 to vector<16xf32>
    %swap3A_90 = arith.constant 144 : index
    %swap3A_91 = tpu.vector_load %arg6[%swap3A_90] {strides = array<i32>} : memref<640xf32, #tpu.memory_space<vmem>>, vector<16xf32>,
    %swap3A_92 = vector.shape_cast %swap3A_91 : vector<16xf32> to vector<16xf32>
    %swap3A_93 = vector.shape_cast %broadcast_in_dim3A_89 : vector<16xf32> to vector<16xf32>
    tpu.vector_store %arg6[%swap3A_90], %swap3A_93 {strides = array<i32>} : memref<640xf32, #tpu.memory_space<vmem>>, vector<16xf32>,
    %broadcast_in_dim3A_94 = arith.constant 0.000000e+00 : f32
    %broadcast_in_dim3A_95 = vector.broadcast %broadcast_in_dim3A_94 : f32 to vector<16xf32>
    %swap3A_96 = arith.constant 160 : index
    %swap3A_97 = tpu.vector_load %arg6[%swap3A_96] {strides = array<i32>} : memref<640xf32, #tpu.memory_space<vmem>>, vector<16xf32>,
    %swap3A_98 = vector.shape_cast %swap3A_97 : vector<16xf32> to vector<16xf32>
    %swap3A_99 = vector.shape_cast %broadcast_in_dim3A_95 : vector<16xf32> to vector<16xf32>
    tpu.vector_store %arg6[%swap3A_96], %swap3A_99 {strides = array<i32>} : memref<640xf32, #tpu.memory_space<vmem>>, vector<16xf32>,
    %broadcast_in_dim3A_100 = arith.constant 0.000000e+00 : f32
    %broadcast_in_dim3A_101 = vector.broadcast %broadcast_in_dim3A_100 : f32 to vector<16xf32>
    %swap3A_102 = arith.constant 176 : index
    %swap3A_103 = tpu.vector_load %arg6[%swap3A_102] {strides = array<i32>} : memref<640xf32, #tpu.memory_space<vmem>>, vector<16xf32>,
    %swap3A_104 = vector.shape_cast %swap3A_103 : vector<16xf32> to vector<16xf32>
    %swap3A_105 = vector.shape_cast %broadcast_in_dim3A_101 : vector<16xf32> to vector<16xf32>
    tpu.vector_store %arg6[%swap3A_102], %swap3A_105 {strides = array<i32>} : memref<640xf32, #tpu.memory_space<vmem>>, vector<16xf32>,
    %broadcast_in_dim3A_106 = arith.constant 0.000000e+00 : f32
    %broadcast_in_dim3A_107 = vector.broadcast %broadcast_in_dim3A_106 : f32 to vector<16xf32>
    %swap3A_108 = arith.constant 192 : index
    %swap3A_109 = tpu.vector_load %arg6[%swap3A_108] {strides = array<i32>} : memref<640xf32, #tpu.memory_space<vmem>>, vector<16xf32>,
    %swap3A_110 = vector.shape_cast %swap3A_109 : vector<16xf32> to vector<16xf32>
    %swap3A_111 = vector.shape_cast %broadcast_in_dim3A_107 : vector<16xf32> to vector<16xf32>
    tpu.vector_store %arg6[%swap3A_108], %swap3A_111 {strides = array<i32>} : memref<640xf32, #tpu.memory_space<vmem>>, vector<16xf32>,
    %broadcast_in_dim3A_112 = arith.constant 0.000000e+00 : f32
    %broadcast_in_dim3A_113 = vector.broadcast %broadcast_in_dim3A_112 : f32 to vector<16xf32>
    %swap3A_114 = arith.constant 208 : index
    %swap3A_115 = tpu.vector_load %arg6[%swap3A_114] {strides = array<i32>} : memref<640xf32, #tpu.memory_space<vmem>>, vector<16xf32>,
    %swap3A_116 = vector.shape_cast %swap3A_115 : vector<16xf32> to vector<16xf32>
    %swap3A_117 = vector.shape_cast %broadcast_in_dim3A_113 : vector<16xf32> to vector<16xf32>
    tpu.vector_store %arg6[%swap3A_114], %swap3A_117 {strides = array<i32>} : memref<640xf32, #tpu.memory_space<vmem>>, vector<16xf32>,
    %broadcast_in_dim3A_118 = arith.constant 0.000000e+00 : f32
    %broadcast_in_dim3A_119 = vector.broadcast %broadcast_in_dim3A_118 : f32 to vector<16xf32>
    %swap3A_120 = arith.constant 224 : index
    %swap3A_121 = tpu.vector_load %arg6[%swap3A_120] {strides = array<i32>} : memref<640xf32, #tpu.memory_space<vmem>>, vector<16xf32>,
    %swap3A_122 = vector.shape_cast %swap3A_121 : vector<16xf32> to vector<16xf32>
    %swap3A_123 = vector.shape_cast %broadcast_in_dim3A_119 : vector<16xf32> to vector<16xf32>
    tpu.vector_store %arg6[%swap3A_120], %swap3A_123 {strides = array<i32>} : memref<640xf32, #tpu.memory_space<vmem>>, vector<16xf32>,
    %broadcast_in_dim3A_124 = arith.constant 0.000000e+00 : f32
    %broadcast_in_dim3A_125 = vector.broadcast %broadcast_in_dim3A_124 : f32 to vector<16xf32>
    %swap3A_126 = arith.constant 240 : index
    %swap3A_127 = tpu.vector_load %arg6[%swap3A_126] {strides = array<i32>} : memref<640xf32, #tpu.memory_space<vmem>>, vector<16xf32>,
    %swap3A_128 = vector.shape_cast %swap3A_127 : vector<16xf32> to vector<16xf32>
    %swap3A_129 = vector.shape_cast %broadcast_in_dim3A_125 : vector<16xf32> to vector<16xf32>
    tpu.vector_store %arg6[%swap3A_126], %swap3A_129 {strides = array<i32>} : memref<640xf32, #tpu.memory_space<vmem>>, vector<16xf32>,
    %broadcast_in_dim3A_130 = arith.constant 0.000000e+00 : f32
    %broadcast_in_dim3A_131 = vector.broadcast %broadcast_in_dim3A_130 : f32 to vector<16xf32>
    %swap3A_132 = arith.constant 256 : index
    %swap3A_133 = tpu.vector_load %arg6[%swap3A_132] {strides = array<i32>} : memref<640xf32, #tpu.memory_space<vmem>>, vector<16xf32>,
    %swap3A_134 = vector.shape_cast %swap3A_133 : vector<16xf32> to vector<16xf32>
    %swap3A_135 = vector.shape_cast %broadcast_in_dim3A_131 : vector<16xf32> to vector<16xf32>
    tpu.vector_store %arg6[%swap3A_132], %swap3A_135 {strides = array<i32>} : memref<640xf32, #tpu.memory_space<vmem>>, vector<16xf32>,
    %broadcast_in_dim3A_136 = arith.constant 0.000000e+00 : f32
    %broadcast_in_dim3A_137 = vector.broadcast %broadcast_in_dim3A_136 : f32 to vector<16xf32>
    %swap3A_138 = arith.constant 272 : index
    %swap3A_139 = tpu.vector_load %arg6[%swap3A_138] {strides = array<i32>} : memref<640xf32, #tpu.memory_space<vmem>>, vector<16xf32>,
    %swap3A_140 = vector.shape_cast %swap3A_139 : vector<16xf32> to vector<16xf32>
    %swap3A_141 = vector.shape_cast %broadcast_in_dim3A_137 : vector<16xf32> to vector<16xf32>
    tpu.vector_store %arg6[%swap3A_138], %swap3A_141 {strides = array<i32>} : memref<640xf32, #tpu.memory_space<vmem>>, vector<16xf32>,
    %broadcast_in_dim3A_142 = arith.constant 0.000000e+00 : f32
    %broadcast_in_dim3A_143 = vector.broadcast %broadcast_in_dim3A_142 : f32 to vector<16xf32>
    %swap3A_144 = arith.constant 288 : index
    %swap3A_145 = tpu.vector_load %arg6[%swap3A_144] {strides = array<i32>} : memref<640xf32, #tpu.memory_space<vmem>>, vector<16xf32>,
    %swap3A_146 = vector.shape_cast %swap3A_145 : vector<16xf32> to vector<16xf32>
    %swap3A_147 = vector.shape_cast %broadcast_in_dim3A_143 : vector<16xf32> to vector<16xf32>
    tpu.vector_store %arg6[%swap3A_144], %swap3A_147 {strides = array<i32>} : memref<640xf32, #tpu.memory_space<vmem>>, vector<16xf32>,
    %broadcast_in_dim3A_148 = arith.constant 0.000000e+00 : f32
    %broadcast_in_dim3A_149 = vector.broadcast %broadcast_in_dim3A_148 : f32 to vector<16xf32>
    %swap3A_150 = arith.constant 304 : index
    %swap3A_151 = tpu.vector_load %arg6[%swap3A_150] {strides = array<i32>} : memref<640xf32, #tpu.memory_space<vmem>>, vector<16xf32>,
    %swap3A_152 = vector.shape_cast %swap3A_151 : vector<16xf32> to vector<16xf32>
    %swap3A_153 = vector.shape_cast %broadcast_in_dim3A_149 : vector<16xf32> to vector<16xf32>
    tpu.vector_store %arg6[%swap3A_150], %swap3A_153 {strides = array<i32>} : memref<640xf32, #tpu.memory_space<vmem>>, vector<16xf32>,
    %broadcast_in_dim3A_154 = arith.constant 0.000000e+00 : f32
    %broadcast_in_dim3A_155 = vector.broadcast %broadcast_in_dim3A_154 : f32 to vector<16xf32>
    %swap3A_156 = arith.constant 320 : index
    %swap3A_157 = tpu.vector_load %arg6[%swap3A_156] {strides = array<i32>} : memref<640xf32, #tpu.memory_space<vmem>>, vector<16xf32>,
    %swap3A_158 = vector.shape_cast %swap3A_157 : vector<16xf32> to vector<16xf32>
    %swap3A_159 = vector.shape_cast %broadcast_in_dim3A_155 : vector<16xf32> to vector<16xf32>
    tpu.vector_store %arg6[%swap3A_156], %swap3A_159 {strides = array<i32>} : memref<640xf32, #tpu.memory_space<vmem>>, vector<16xf32>,
    %broadcast_in_dim3A_160 = arith.constant 0.000000e+00 : f32
    %broadcast_in_dim3A_161 = vector.broadcast %broadcast_in_dim3A_160 : f32 to vector<16xf32>
    %swap3A_162 = arith.constant 336 : index
    %swap3A_163 = tpu.vector_load %arg6[%swap3A_162] {strides = array<i32>} : memref<640xf32, #tpu.memory_space<vmem>>, vector<16xf32>,
    %swap3A_164 = vector.shape_cast %swap3A_163 : vector<16xf32> to vector<16xf32>
    %swap3A_165 = vector.shape_cast %broadcast_in_dim3A_161 : vector<16xf32> to vector<16xf32>
    tpu.vector_store %arg6[%swap3A_162], %swap3A_165 {strides = array<i32>} : memref<640xf32, #tpu.memory_space<vmem>>, vector<16xf32>,
    %broadcast_in_dim3A_166 = arith.constant 0.000000e+00 : f32
    %broadcast_in_dim3A_167 = vector.broadcast %broadcast_in_dim3A_166 : f32 to vector<16xf32>
    %swap3A_168 = arith.constant 352 : index
    %swap3A_169 = tpu.vector_load %arg6[%swap3A_168] {strides = array<i32>} : memref<640xf32, #tpu.memory_space<vmem>>, vector<16xf32>,
    %swap3A_170 = vector.shape_cast %swap3A_169 : vector<16xf32> to vector<16xf32>
    %swap3A_171 = vector.shape_cast %broadcast_in_dim3A_167 : vector<16xf32> to vector<16xf32>
    tpu.vector_store %arg6[%swap3A_168], %swap3A_171 {strides = array<i32>} : memref<640xf32, #tpu.memory_space<vmem>>, vector<16xf32>,
    %broadcast_in_dim3A_172 = arith.constant 0.000000e+00 : f32
    %broadcast_in_dim3A_173 = vector.broadcast %broadcast_in_dim3A_172 : f32 to vector<16xf32>
    %swap3A_174 = arith.constant 368 : index
    %swap3A_175 = tpu.vector_load %arg6[%swap3A_174] {strides = array<i32>} : memref<640xf32, #tpu.memory_space<vmem>>, vector<16xf32>,
    %swap3A_176 = vector.shape_cast %swap3A_175 : vector<16xf32> to vector<16xf32>
    %swap3A_177 = vector.shape_cast %broadcast_in_dim3A_173 : vector<16xf32> to vector<16xf32>
    tpu.vector_store %arg6[%swap3A_174], %swap3A_177 {strides = array<i32>} : memref<640xf32, #tpu.memory_space<vmem>>, vector<16xf32>,
    %broadcast_in_dim3A_178 = arith.constant 0.000000e+00 : f32
    %broadcast_in_dim3A_179 = vector.broadcast %broadcast_in_dim3A_178 : f32 to vector<16xf32>
    %swap3A_180 = arith.constant 384 : index
    %swap3A_181 = tpu.vector_load %arg6[%swap3A_180] {strides = array<i32>} : memref<640xf32, #tpu.memory_space<vmem>>, vector<16xf32>,
    %swap3A_182 = vector.shape_cast %swap3A_181 : vector<16xf32> to vector<16xf32>
    %swap3A_183 = vector.shape_cast %broadcast_in_dim3A_179 : vector<16xf32> to vector<16xf32>
    tpu.vector_store %arg6[%swap3A_180], %swap3A_183 {strides = array<i32>} : memref<640xf32, #tpu.memory_space<vmem>>, vector<16xf32>,
    %broadcast_in_dim3A_184 = arith.constant 0.000000e+00 : f32
    %broadcast_in_dim3A_185 = vector.broadcast %broadcast_in_dim3A_184 : f32 to vector<16xf32>
    %swap3A_186 = arith.constant 400 : index
    %swap3A_187 = tpu.vector_load %arg6[%swap3A_186] {strides = array<i32>} : memref<640xf32, #tpu.memory_space<vmem>>, vector<16xf32>,
    %swap3A_188 = vector.shape_cast %swap3A_187 : vector<16xf32> to vector<16xf32>
    %swap3A_189 = vector.shape_cast %broadcast_in_dim3A_185 : vector<16xf32> to vector<16xf32>
    tpu.vector_store %arg6[%swap3A_186], %swap3A_189 {strides = array<i32>} : memref<640xf32, #tpu.memory_space<vmem>>, vector<16xf32>,
    %broadcast_in_dim3A_190 = arith.constant 0.000000e+00 : f32
    %broadcast_in_dim3A_191 = vector.broadcast %broadcast_in_dim3A_190 : f32 to vector<16xf32>
    %swap3A_192 = arith.constant 416 : index
    %swap3A_193 = tpu.vector_load %arg6[%swap3A_192] {strides = array<i32>} : memref<640xf32, #tpu.memory_space<vmem>>, vector<16xf32>,
    %swap3A_194 = vector.shape_cast %swap3A_193 : vector<16xf32> to vector<16xf32>
    %swap3A_195 = vector.shape_cast %broadcast_in_dim3A_191 : vector<16xf32> to vector<16xf32>
    tpu.vector_store %arg6[%swap3A_192], %swap3A_195 {strides = array<i32>} : memref<640xf32, #tpu.memory_space<vmem>>, vector<16xf32>,
    %broadcast_in_dim3A_196 = arith.constant 0.000000e+00 : f32
    %broadcast_in_dim3A_197 = vector.broadcast %broadcast_in_dim3A_196 : f32 to vector<16xf32>
    %swap3A_198 = arith.constant 432 : index
    %swap3A_199 = tpu.vector_load %arg6[%swap3A_198] {strides = array<i32>} : memref<640xf32, #tpu.memory_space<vmem>>, vector<16xf32>,
    %swap3A_200 = vector.shape_cast %swap3A_199 : vector<16xf32> to vector<16xf32>
    %swap3A_201 = vector.shape_cast %broadcast_in_dim3A_197 : vector<16xf32> to vector<16xf32>
    tpu.vector_store %arg6[%swap3A_198], %swap3A_201 {strides = array<i32>} : memref<640xf32, #tpu.memory_space<vmem>>, vector<16xf32>,
    %broadcast_in_dim3A_202 = arith.constant 0.000000e+00 : f32
    %broadcast_in_dim3A_203 = vector.broadcast %broadcast_in_dim3A_202 : f32 to vector<16xf32>
    %swap3A_204 = arith.constant 448 : index
    %swap3A_205 = tpu.vector_load %arg6[%swap3A_204] {strides = array<i32>} : memref<640xf32, #tpu.memory_space<vmem>>, vector<16xf32>,
    %swap3A_206 = vector.shape_cast %swap3A_205 : vector<16xf32> to vector<16xf32>
    %swap3A_207 = vector.shape_cast %broadcast_in_dim3A_203 : vector<16xf32> to vector<16xf32>
    tpu.vector_store %arg6[%swap3A_204], %swap3A_207 {strides = array<i32>} : memref<640xf32, #tpu.memory_space<vmem>>, vector<16xf32>,
    %broadcast_in_dim3A_208 = arith.constant 0.000000e+00 : f32
    %broadcast_in_dim3A_209 = vector.broadcast %broadcast_in_dim3A_208 : f32 to vector<16xf32>
    %swap3A_210 = arith.constant 464 : index
    %swap3A_211 = tpu.vector_load %arg6[%swap3A_210] {strides = array<i32>} : memref<640xf32, #tpu.memory_space<vmem>>, vector<16xf32>,
    %swap3A_212 = vector.shape_cast %swap3A_211 : vector<16xf32> to vector<16xf32>
    %swap3A_213 = vector.shape_cast %broadcast_in_dim3A_209 : vector<16xf32> to vector<16xf32>
    tpu.vector_store %arg6[%swap3A_210], %swap3A_213 {strides = array<i32>} : memref<640xf32, #tpu.memory_space<vmem>>, vector<16xf32>,
    %broadcast_in_dim3A_214 = arith.constant 0.000000e+00 : f32
    %broadcast_in_dim3A_215 = vector.broadcast %broadcast_in_dim3A_214 : f32 to vector<16xf32>
    %swap3A_216 = arith.constant 480 : index
    %swap3A_217 = tpu.vector_load %arg6[%swap3A_216] {strides = array<i32>} : memref<640xf32, #tpu.memory_space<vmem>>, vector<16xf32>,
    %swap3A_218 = vector.shape_cast %swap3A_217 : vector<16xf32> to vector<16xf32>
    %swap3A_219 = vector.shape_cast %broadcast_in_dim3A_215 : vector<16xf32> to vector<16xf32>
    tpu.vector_store %arg6[%swap3A_216], %swap3A_219 {strides = array<i32>} : memref<640xf32, #tpu.memory_space<vmem>>, vector<16xf32>,
    %broadcast_in_dim3A_220 = arith.constant 0.000000e+00 : f32
    %broadcast_in_dim3A_221 = vector.broadcast %broadcast_in_dim3A_220 : f32 to vector<16xf32>
    %swap3A_222 = arith.constant 496 : index
    %swap3A_223 = tpu.vector_load %arg6[%swap3A_222] {strides = array<i32>} : memref<640xf32, #tpu.memory_space<vmem>>, vector<16xf32>,
    %swap3A_224 = vector.shape_cast %swap3A_223 : vector<16xf32> to vector<16xf32>
    %swap3A_225 = vector.shape_cast %broadcast_in_dim3A_221 : vector<16xf32> to vector<16xf32>
    tpu.vector_store %arg6[%swap3A_222], %swap3A_225 {strides = array<i32>} : memref<640xf32, #tpu.memory_space<vmem>>, vector<16xf32>,
    %broadcast_in_dim3A_226 = arith.constant 0.000000e+00 : f32
    %broadcast_in_dim3A_227 = vector.broadcast %broadcast_in_dim3A_226 : f32 to vector<16xf32>
    %swap3A_228 = arith.constant 512 : index
    %swap3A_229 = tpu.vector_load %arg6[%swap3A_228] {strides = array<i32>} : memref<640xf32, #tpu.memory_space<vmem>>, vector<16xf32>,
    %swap3A_230 = vector.shape_cast %swap3A_229 : vector<16xf32> to vector<16xf32>
    %swap3A_231 = vector.shape_cast %broadcast_in_dim3A_227 : vector<16xf32> to vector<16xf32>
    tpu.vector_store %arg6[%swap3A_228], %swap3A_231 {strides = array<i32>} : memref<640xf32, #tpu.memory_space<vmem>>, vector<16xf32>,
    %broadcast_in_dim3A_232 = arith.constant 0.000000e+00 : f32
    %broadcast_in_dim3A_233 = vector.broadcast %broadcast_in_dim3A_232 : f32 to vector<16xf32>
    %swap3A_234 = arith.constant 528 : index
    %swap3A_235 = tpu.vector_load %arg6[%swap3A_234] {strides = array<i32>} : memref<640xf32, #tpu.memory_space<vmem>>, vector<16xf32>,
    %swap3A_236 = vector.shape_cast %swap3A_235 : vector<16xf32> to vector<16xf32>
    %swap3A_237 = vector.shape_cast %broadcast_in_dim3A_233 : vector<16xf32> to vector<16xf32>
    tpu.vector_store %arg6[%swap3A_234], %swap3A_237 {strides = array<i32>} : memref<640xf32, #tpu.memory_space<vmem>>, vector<16xf32>,
    %broadcast_in_dim3A_238 = arith.constant 0.000000e+00 : f32
    %broadcast_in_dim3A_239 = vector.broadcast %broadcast_in_dim3A_238 : f32 to vector<16xf32>
    %swap3A_240 = arith.constant 544 : index
    %swap3A_241 = tpu.vector_load %arg6[%swap3A_240] {strides = array<i32>} : memref<640xf32, #tpu.memory_space<vmem>>, vector<16xf32>,
    %swap3A_242 = vector.shape_cast %swap3A_241 : vector<16xf32> to vector<16xf32>
    %swap3A_243 = vector.shape_cast %broadcast_in_dim3A_239 : vector<16xf32> to vector<16xf32>
    tpu.vector_store %arg6[%swap3A_240], %swap3A_243 {strides = array<i32>} : memref<640xf32, #tpu.memory_space<vmem>>, vector<16xf32>,
    %broadcast_in_dim3A_244 = arith.constant 0.000000e+00 : f32
    %broadcast_in_dim3A_245 = vector.broadcast %broadcast_in_dim3A_244 : f32 to vector<16xf32>
    %swap3A_246 = arith.constant 560 : index
    %swap3A_247 = tpu.vector_load %arg6[%swap3A_246] {strides = array<i32>} : memref<640xf32, #tpu.memory_space<vmem>>, vector<16xf32>,
    %swap3A_248 = vector.shape_cast %swap3A_247 : vector<16xf32> to vector<16xf32>
    %swap3A_249 = vector.shape_cast %broadcast_in_dim3A_245 : vector<16xf32> to vector<16xf32>
    tpu.vector_store %arg6[%swap3A_246], %swap3A_249 {strides = array<i32>} : memref<640xf32, #tpu.memory_space<vmem>>, vector<16xf32>,
    %broadcast_in_dim3A_250 = arith.constant 0.000000e+00 : f32
    %broadcast_in_dim3A_251 = vector.broadcast %broadcast_in_dim3A_250 : f32 to vector<16xf32>
    %swap3A_252 = arith.constant 576 : index
    %swap3A_253 = tpu.vector_load %arg6[%swap3A_252] {strides = array<i32>} : memref<640xf32, #tpu.memory_space<vmem>>, vector<16xf32>,
    %swap3A_254 = vector.shape_cast %swap3A_253 : vector<16xf32> to vector<16xf32>
    %swap3A_255 = vector.shape_cast %broadcast_in_dim3A_251 : vector<16xf32> to vector<16xf32>
    tpu.vector_store %arg6[%swap3A_252], %swap3A_255 {strides = array<i32>} : memref<640xf32, #tpu.memory_space<vmem>>, vector<16xf32>,
    %broadcast_in_dim3A_256 = arith.constant 0.000000e+00 : f32
    %broadcast_in_dim3A_257 = vector.broadcast %broadcast_in_dim3A_256 : f32 to vector<16xf32>
    %swap3A_258 = arith.constant 592 : index
    %swap3A_259 = tpu.vector_load %arg6[%swap3A_258] {strides = array<i32>} : memref<640xf32, #tpu.memory_space<vmem>>, vector<16xf32>,
    %swap3A_260 = vector.shape_cast %swap3A_259 : vector<16xf32> to vector<16xf32>
    %swap3A_261 = vector.shape_cast %broadcast_in_dim3A_257 : vector<16xf32> to vector<16xf32>
    tpu.vector_store %arg6[%swap3A_258], %swap3A_261 {strides = array<i32>} : memref<640xf32, #tpu.memory_space<vmem>>, vector<16xf32>,
    %broadcast_in_dim3A_262 = arith.constant 0.000000e+00 : f32
    %broadcast_in_dim3A_263 = vector.broadcast %broadcast_in_dim3A_262 : f32 to vector<16xf32>
    %swap3A_264 = arith.constant 608 : index
    %swap3A_265 = tpu.vector_load %arg6[%swap3A_264] {strides = array<i32>} : memref<640xf32, #tpu.memory_space<vmem>>, vector<16xf32>,
    %swap3A_266 = vector.shape_cast %swap3A_265 : vector<16xf32> to vector<16xf32>
    %swap3A_267 = vector.shape_cast %broadcast_in_dim3A_263 : vector<16xf32> to vector<16xf32>
    tpu.vector_store %arg6[%swap3A_264], %swap3A_267 {strides = array<i32>} : memref<640xf32, #tpu.memory_space<vmem>>, vector<16xf32>,
    %broadcast_in_dim3A_268 = arith.constant 0.000000e+00 : f32
    %broadcast_in_dim3A_269 = vector.broadcast %broadcast_in_dim3A_268 : f32 to vector<16xf32>
    %swap3A_270 = arith.constant 624 : index
    %swap3A_271 = tpu.vector_load %arg6[%swap3A_270] {strides = array<i32>} : memref<640xf32, #tpu.memory_space<vmem>>, vector<16xf32>,
    %swap3A_272 = vector.shape_cast %swap3A_271 : vector<16xf32> to vector<16xf32>
    %swap3A_273 = vector.shape_cast %broadcast_in_dim3A_269 : vector<16xf32> to vector<16xf32>
    tpu.vector_store %arg6[%swap3A_270], %swap3A_273 {strides = array<i32>} : memref<640xf32, #tpu.memory_space<vmem>>, vector<16xf32>,
    %mul3A = arith.constant 16 : i32
    %mul3A_274 = arith.muli %arg0, %mul3A : i32
    %add3A = arith.addi %mul3A_274, %arg1 : i32
    "tpu.region"() ({
      %run_scoped3A = tpu.sem_alloc : memref<!tpu.dma_semaphore, #tpu.memory_space<semaphore_mem>>
      %dma_start3A_931 = arith.constant 0 : i32
      %dma_start3A_932 = arith.constant 0 : i32
      %dma_start3A_933 = tpu.memref_slice %arg2[%add3A, %dma_start3A_931, %dma_start3A_932] : memref<32x54x96xi32, #tpu.memory_space<hbm>> -> memref<1x54x96xi32, #tpu.memory_space<hbm>>
      %dma_start3A_934 = tpu.memref_squeeze %dma_start3A_933 : memref<1x54x96xi32, #tpu.memory_space<hbm>> -> memref<54x96xi32, #tpu.memory_space<hbm>>
      %dma_start3A_935 = arith.constant 0 : i32
      %dma_start3A_936 = arith.constant 0 : i32
      %dma_start3A_937 = tpu.memref_slice %arg2[%add3A, %dma_start3A_935, %dma_start3A_936] : memref<32x54x96xi32, #tpu.memory_space<hbm>> -> memref<1x54x96xi32, #tpu.memory_space<hbm>>
      %dma_start3A_938 = tpu.memref_squeeze %dma_start3A_937 : memref<1x54x96xi32, #tpu.memory_space<hbm>> -> memref<54x96xi32, #tpu.memory_space<hbm>>
      tpu.enqueue_dma source(%dma_start3A_938 : memref<54x96xi32, #tpu.memory_space<hbm>>) target(%arg4 : memref<54x96xi32, #tpu.memory_space<vmem>>) target_semaphore(%run_scoped3A : memref<!tpu.dma_semaphore, #tpu.memory_space<semaphore_mem>>)
      %dma_wait3A_939 = arith.constant 0 : i32
      %dma_wait3A_940 = arith.constant 0 : i32
      %dma_wait3A_941 = tpu.memref_slice %arg2[%add3A, %dma_wait3A_939, %dma_wait3A_940] : memref<32x54x96xi32, #tpu.memory_space<hbm>> -> memref<1x54x96xi32, #tpu.memory_space<hbm>>
      %dma_wait3A_942 = tpu.memref_squeeze %dma_wait3A_941 : memref<1x54x96xi32, #tpu.memory_space<hbm>> -> memref<54x96xi32, #tpu.memory_space<hbm>>
      %dma_wait3A_943 = arith.constant 0 : i32
      %dma_wait3A_944 = arith.constant 0 : i32
      %dma_wait3A_945 = tpu.memref_slice %arg2[%add3A, %dma_wait3A_943, %dma_wait3A_944] : memref<32x54x96xi32, #tpu.memory_space<hbm>> -> memref<1x54x96xi32, #tpu.memory_space<hbm>>
      %dma_wait3A_946 = tpu.memref_squeeze %dma_wait3A_945 : memref<1x54x96xi32, #tpu.memory_space<hbm>> -> memref<54x96xi32, #tpu.memory_space<hbm>>
      tpu.wait_dma2 semaphore(%run_scoped3A : memref<!tpu.dma_semaphore, #tpu.memory_space<semaphore_mem>>) src(%dma_wait3A_946 : memref<54x96xi32, #tpu.memory_space<hbm>>) dst(%arg4 : memref<54x96xi32, #tpu.memory_space<vmem>>)
      tpu.yield
    }) : () -> ()
    %mul3A_275 = arith.constant 640 : i32
    %mul3A_276 = arith.muli %arg1, %mul3A_275 : i32
    "tpu.region"() ({
      %run_scoped3A = tpu.sem_alloc : memref<!tpu.dma_semaphore, #tpu.memory_space<semaphore_mem>>
      %dma_start3A_931 = tpu.memref_slice %arg7[%mul3A_276] : memref<10240xf32, #tpu.memory_space<vmem_shared>> -> memref<640xf32, #tpu.memory_space<vmem_shared>>
      %dma_start3A_932 = tpu.memref_slice %arg7[%mul3A_276] : memref<10240xf32, #tpu.memory_space<vmem_shared>> -> memref<640xf32, #tpu.memory_space<vmem_shared>>
      tpu.enqueue_dma source(%arg6 : memref<640xf32, #tpu.memory_space<vmem>>) target(%dma_start3A_932 : memref<640xf32, #tpu.memory_space<vmem_shared>>) target_semaphore(%run_scoped3A : memref<!tpu.dma_semaphore, #tpu.memory_space<semaphore_mem>>)
      %dma_wait3A_933 = tpu.memref_slice %arg7[%mul3A_276] : memref<10240xf32, #tpu.memory_space<vmem_shared>> -> memref<640xf32, #tpu.memory_space<vmem_shared>>
      %dma_wait3A_934 = tpu.memref_slice %arg7[%mul3A_276] : memref<10240xf32, #tpu.memory_space<vmem_shared>> -> memref<640xf32, #tpu.memory_space<vmem_shared>>
      tpu.wait_dma2 semaphore(%run_scoped3A : memref<!tpu.dma_semaphore, #tpu.memory_space<semaphore_mem>>) src(%arg6 : memref<640xf32, #tpu.memory_space<vmem>>) dst(%dma_wait3A_934 : memref<640xf32, #tpu.memory_space<vmem_shared>>)
      tpu.yield
    }) : () -> ()
    %barrier3A = arith.constant 0 : index
    tpu.barrier barrier_id(%barrier3A)
    %dma_start3A = arith.constant 0 : i32
    %dma_start3A_277 = arith.constant 0 : i32
    %dma_start3A_278 = tpu.memref_slice %arg4[%dma_start3A, %dma_start3A_277] : memref<54x96xi32, #tpu.memory_space<vmem>> -> memref<1x96xi32, #tpu.memory_space<vmem>>
    %dma_start3A_279 = tpu.memref_squeeze %dma_start3A_278 : memref<1x96xi32, #tpu.memory_space<vmem>> -> memref<96xi32, #tpu.memory_space<vmem>>
    %dma_start3A_280 = arith.constant 0 : i32
    %dma_start3A_281 = tpu.memref_slice %arg7[%dma_start3A_280] : memref<10240xf32, #tpu.memory_space<vmem_shared>> -> memref<10240xf32, #tpu.memory_space<vmem_shared>>
    tpu.enqueue_indirect_dma source(%arg5 : memref<96xf32, #tpu.memory_space<vmem>>) target(%dma_start3A_281 : memref<10240xf32, #tpu.memory_space<vmem_shared>>) offsets(%dma_start3A_279 : memref<96xi32, #tpu.memory_space<vmem>>) semaphore(%arg8 : memref<!tpu.dma_semaphore, #tpu.memory_space<semaphore_mem>>) {add = true}
    %dma_start3A_282 = arith.constant 1 : i32
    %dma_start3A_283 = arith.constant 0 : i32
    %dma_start3A_284 = tpu.memref_slice %arg4[%dma_start3A_282, %dma_start3A_283] : memref<54x96xi32, #tpu.memory_space<vmem>> -> memref<1x96xi32, #tpu.memory_space<vmem>>
    %dma_start3A_285 = tpu.memref_squeeze %dma_start3A_284 : memref<1x96xi32, #tpu.memory_space<vmem>> -> memref<96xi32, #tpu.memory_space<vmem>>
    %dma_start3A_286 = arith.constant 0 : i32
    %dma_start3A_287 = tpu.memref_slice %arg7[%dma_start3A_286] : memref<10240xf32, #tpu.memory_space<vmem_shared>> -> memref<10240xf32, #tpu.memory_space<vmem_shared>>
    tpu.enqueue_indirect_dma source(%arg5 : memref<96xf32, #tpu.memory_space<vmem>>) target(%dma_start3A_287 : memref<10240xf32, #tpu.memory_space<vmem_shared>>) offsets(%dma_start3A_285 : memref<96xi32, #tpu.memory_space<vmem>>) semaphore(%arg8 : memref<!tpu.dma_semaphore, #tpu.memory_space<semaphore_mem>>) {add = true}
    %dma_start3A_288 = arith.constant 2 : i32
    %dma_start3A_289 = arith.constant 0 : i32
    %dma_start3A_290 = tpu.memref_slice %arg4[%dma_start3A_288, %dma_start3A_289] : memref<54x96xi32, #tpu.memory_space<vmem>> -> memref<1x96xi32, #tpu.memory_space<vmem>>
    %dma_start3A_291 = tpu.memref_squeeze %dma_start3A_290 : memref<1x96xi32, #tpu.memory_space<vmem>> -> memref<96xi32, #tpu.memory_space<vmem>>
    %dma_start3A_292 = arith.constant 0 : i32
    %dma_start3A_293 = tpu.memref_slice %arg7[%dma_start3A_292] : memref<10240xf32, #tpu.memory_space<vmem_shared>> -> memref<10240xf32, #tpu.memory_space<vmem_shared>>
    tpu.enqueue_indirect_dma source(%arg5 : memref<96xf32, #tpu.memory_space<vmem>>) target(%dma_start3A_293 : memref<10240xf32, #tpu.memory_space<vmem_shared>>) offsets(%dma_start3A_291 : memref<96xi32, #tpu.memory_space<vmem>>) semaphore(%arg8 : memref<!tpu.dma_semaphore, #tpu.memory_space<semaphore_mem>>) {add = true}
    %dma_start3A_294 = arith.constant 3 : i32
    %dma_start3A_295 = arith.constant 0 : i32
    %dma_start3A_296 = tpu.memref_slice %arg4[%dma_start3A_294, %dma_start3A_295] : memref<54x96xi32, #tpu.memory_space<vmem>> -> memref<1x96xi32, #tpu.memory_space<vmem>>
    %dma_start3A_297 = tpu.memref_squeeze %dma_start3A_296 : memref<1x96xi32, #tpu.memory_space<vmem>> -> memref<96xi32, #tpu.memory_space<vmem>>
    %dma_start3A_298 = arith.constant 0 : i32
    %dma_start3A_299 = tpu.memref_slice %arg7[%dma_start3A_298] : memref<10240xf32, #tpu.memory_space<vmem_shared>> -> memref<10240xf32, #tpu.memory_space<vmem_shared>>
    tpu.enqueue_indirect_dma source(%arg5 : memref<96xf32, #tpu.memory_space<vmem>>) target(%dma_start3A_299 : memref<10240xf32, #tpu.memory_space<vmem_shared>>) offsets(%dma_start3A_297 : memref<96xi32, #tpu.memory_space<vmem>>) semaphore(%arg8 : memref<!tpu.dma_semaphore, #tpu.memory_space<semaphore_mem>>) {add = true}
    %dma_start3A_300 = arith.constant 4 : i32
    %dma_start3A_301 = arith.constant 0 : i32
    %dma_start3A_302 = tpu.memref_slice %arg4[%dma_start3A_300, %dma_start3A_301] : memref<54x96xi32, #tpu.memory_space<vmem>> -> memref<1x96xi32, #tpu.memory_space<vmem>>
    %dma_start3A_303 = tpu.memref_squeeze %dma_start3A_302 : memref<1x96xi32, #tpu.memory_space<vmem>> -> memref<96xi32, #tpu.memory_space<vmem>>
    %dma_start3A_304 = arith.constant 0 : i32
    %dma_start3A_305 = tpu.memref_slice %arg7[%dma_start3A_304] : memref<10240xf32, #tpu.memory_space<vmem_shared>> -> memref<10240xf32, #tpu.memory_space<vmem_shared>>
    tpu.enqueue_indirect_dma source(%arg5 : memref<96xf32, #tpu.memory_space<vmem>>) target(%dma_start3A_305 : memref<10240xf32, #tpu.memory_space<vmem_shared>>) offsets(%dma_start3A_303 : memref<96xi32, #tpu.memory_space<vmem>>) semaphore(%arg8 : memref<!tpu.dma_semaphore, #tpu.memory_space<semaphore_mem>>) {add = true}
    %dma_start3A_306 = arith.constant 5 : i32
    %dma_start3A_307 = arith.constant 0 : i32
    %dma_start3A_308 = tpu.memref_slice %arg4[%dma_start3A_306, %dma_start3A_307] : memref<54x96xi32, #tpu.memory_space<vmem>> -> memref<1x96xi32, #tpu.memory_space<vmem>>
    %dma_start3A_309 = tpu.memref_squeeze %dma_start3A_308 : memref<1x96xi32, #tpu.memory_space<vmem>> -> memref<96xi32, #tpu.memory_space<vmem>>
    %dma_start3A_310 = arith.constant 0 : i32
    %dma_start3A_311 = tpu.memref_slice %arg7[%dma_start3A_310] : memref<10240xf32, #tpu.memory_space<vmem_shared>> -> memref<10240xf32, #tpu.memory_space<vmem_shared>>
    tpu.enqueue_indirect_dma source(%arg5 : memref<96xf32, #tpu.memory_space<vmem>>) target(%dma_start3A_311 : memref<10240xf32, #tpu.memory_space<vmem_shared>>) offsets(%dma_start3A_309 : memref<96xi32, #tpu.memory_space<vmem>>) semaphore(%arg8 : memref<!tpu.dma_semaphore, #tpu.memory_space<semaphore_mem>>) {add = true}
    %dma_start3A_312 = arith.constant 6 : i32
    %dma_start3A_313 = arith.constant 0 : i32
    %dma_start3A_314 = tpu.memref_slice %arg4[%dma_start3A_312, %dma_start3A_313] : memref<54x96xi32, #tpu.memory_space<vmem>> -> memref<1x96xi32, #tpu.memory_space<vmem>>
    %dma_start3A_315 = tpu.memref_squeeze %dma_start3A_314 : memref<1x96xi32, #tpu.memory_space<vmem>> -> memref<96xi32, #tpu.memory_space<vmem>>
    %dma_start3A_316 = arith.constant 0 : i32
    %dma_start3A_317 = tpu.memref_slice %arg7[%dma_start3A_316] : memref<10240xf32, #tpu.memory_space<vmem_shared>> -> memref<10240xf32, #tpu.memory_space<vmem_shared>>
    tpu.enqueue_indirect_dma source(%arg5 : memref<96xf32, #tpu.memory_space<vmem>>) target(%dma_start3A_317 : memref<10240xf32, #tpu.memory_space<vmem_shared>>) offsets(%dma_start3A_315 : memref<96xi32, #tpu.memory_space<vmem>>) semaphore(%arg8 : memref<!tpu.dma_semaphore, #tpu.memory_space<semaphore_mem>>) {add = true}
    %dma_start3A_318 = arith.constant 7 : i32
    %dma_start3A_319 = arith.constant 0 : i32
    %dma_start3A_320 = tpu.memref_slice %arg4[%dma_start3A_318, %dma_start3A_319] : memref<54x96xi32, #tpu.memory_space<vmem>> -> memref<1x96xi32, #tpu.memory_space<vmem>>
    %dma_start3A_321 = tpu.memref_squeeze %dma_start3A_320 : memref<1x96xi32, #tpu.memory_space<vmem>> -> memref<96xi32, #tpu.memory_space<vmem>>
    %dma_start3A_322 = arith.constant 0 : i32
    %dma_start3A_323 = tpu.memref_slice %arg7[%dma_start3A_322] : memref<10240xf32, #tpu.memory_space<vmem_shared>> -> memref<10240xf32, #tpu.memory_space<vmem_shared>>
    tpu.enqueue_indirect_dma source(%arg5 : memref<96xf32, #tpu.memory_space<vmem>>) target(%dma_start3A_323 : memref<10240xf32, #tpu.memory_space<vmem_shared>>) offsets(%dma_start3A_321 : memref<96xi32, #tpu.memory_space<vmem>>) semaphore(%arg8 : memref<!tpu.dma_semaphore, #tpu.memory_space<semaphore_mem>>) {add = true}
    %dma_start3A_324 = arith.constant 8 : i32
    %dma_start3A_325 = arith.constant 0 : i32
    %dma_start3A_326 = tpu.memref_slice %arg4[%dma_start3A_324, %dma_start3A_325] : memref<54x96xi32, #tpu.memory_space<vmem>> -> memref<1x96xi32, #tpu.memory_space<vmem>>
    %dma_start3A_327 = tpu.memref_squeeze %dma_start3A_326 : memref<1x96xi32, #tpu.memory_space<vmem>> -> memref<96xi32, #tpu.memory_space<vmem>>
    %dma_start3A_328 = arith.constant 0 : i32
    %dma_start3A_329 = tpu.memref_slice %arg7[%dma_start3A_328] : memref<10240xf32, #tpu.memory_space<vmem_shared>> -> memref<10240xf32, #tpu.memory_space<vmem_shared>>
    tpu.enqueue_indirect_dma source(%arg5 : memref<96xf32, #tpu.memory_space<vmem>>) target(%dma_start3A_329 : memref<10240xf32, #tpu.memory_space<vmem_shared>>) offsets(%dma_start3A_327 : memref<96xi32, #tpu.memory_space<vmem>>) semaphore(%arg8 : memref<!tpu.dma_semaphore, #tpu.memory_space<semaphore_mem>>) {add = true}
    %dma_start3A_330 = arith.constant 9 : i32
    %dma_start3A_331 = arith.constant 0 : i32
    %dma_start3A_332 = tpu.memref_slice %arg4[%dma_start3A_330, %dma_start3A_331] : memref<54x96xi32, #tpu.memory_space<vmem>> -> memref<1x96xi32, #tpu.memory_space<vmem>>
    %dma_start3A_333 = tpu.memref_squeeze %dma_start3A_332 : memref<1x96xi32, #tpu.memory_space<vmem>> -> memref<96xi32, #tpu.memory_space<vmem>>
    %dma_start3A_334 = arith.constant 0 : i32
    %dma_start3A_335 = tpu.memref_slice %arg7[%dma_start3A_334] : memref<10240xf32, #tpu.memory_space<vmem_shared>> -> memref<10240xf32, #tpu.memory_space<vmem_shared>>
    tpu.enqueue_indirect_dma source(%arg5 : memref<96xf32, #tpu.memory_space<vmem>>) target(%dma_start3A_335 : memref<10240xf32, #tpu.memory_space<vmem_shared>>) offsets(%dma_start3A_333 : memref<96xi32, #tpu.memory_space<vmem>>) semaphore(%arg8 : memref<!tpu.dma_semaphore, #tpu.memory_space<semaphore_mem>>) {add = true}
    %dma_start3A_336 = arith.constant 10 : i32
    %dma_start3A_337 = arith.constant 0 : i32
    %dma_start3A_338 = tpu.memref_slice %arg4[%dma_start3A_336, %dma_start3A_337] : memref<54x96xi32, #tpu.memory_space<vmem>> -> memref<1x96xi32, #tpu.memory_space<vmem>>
    %dma_start3A_339 = tpu.memref_squeeze %dma_start3A_338 : memref<1x96xi32, #tpu.memory_space<vmem>> -> memref<96xi32, #tpu.memory_space<vmem>>
    %dma_start3A_340 = arith.constant 0 : i32
    %dma_start3A_341 = tpu.memref_slice %arg7[%dma_start3A_340] : memref<10240xf32, #tpu.memory_space<vmem_shared>> -> memref<10240xf32, #tpu.memory_space<vmem_shared>>
    tpu.enqueue_indirect_dma source(%arg5 : memref<96xf32, #tpu.memory_space<vmem>>) target(%dma_start3A_341 : memref<10240xf32, #tpu.memory_space<vmem_shared>>) offsets(%dma_start3A_339 : memref<96xi32, #tpu.memory_space<vmem>>) semaphore(%arg8 : memref<!tpu.dma_semaphore, #tpu.memory_space<semaphore_mem>>) {add = true}
    %dma_start3A_342 = arith.constant 11 : i32
    %dma_start3A_343 = arith.constant 0 : i32
    %dma_start3A_344 = tpu.memref_slice %arg4[%dma_start3A_342, %dma_start3A_343] : memref<54x96xi32, #tpu.memory_space<vmem>> -> memref<1x96xi32, #tpu.memory_space<vmem>>
    %dma_start3A_345 = tpu.memref_squeeze %dma_start3A_344 : memref<1x96xi32, #tpu.memory_space<vmem>> -> memref<96xi32, #tpu.memory_space<vmem>>
    %dma_start3A_346 = arith.constant 0 : i32
    %dma_start3A_347 = tpu.memref_slice %arg7[%dma_start3A_346] : memref<10240xf32, #tpu.memory_space<vmem_shared>> -> memref<10240xf32, #tpu.memory_space<vmem_shared>>
    tpu.enqueue_indirect_dma source(%arg5 : memref<96xf32, #tpu.memory_space<vmem>>) target(%dma_start3A_347 : memref<10240xf32, #tpu.memory_space<vmem_shared>>) offsets(%dma_start3A_345 : memref<96xi32, #tpu.memory_space<vmem>>) semaphore(%arg8 : memref<!tpu.dma_semaphore, #tpu.memory_space<semaphore_mem>>) {add = true}
    %dma_start3A_348 = arith.constant 12 : i32
    %dma_start3A_349 = arith.constant 0 : i32
    %dma_start3A_350 = tpu.memref_slice %arg4[%dma_start3A_348, %dma_start3A_349] : memref<54x96xi32, #tpu.memory_space<vmem>> -> memref<1x96xi32, #tpu.memory_space<vmem>>
    %dma_start3A_351 = tpu.memref_squeeze %dma_start3A_350 : memref<1x96xi32, #tpu.memory_space<vmem>> -> memref<96xi32, #tpu.memory_space<vmem>>
    %dma_start3A_352 = arith.constant 0 : i32
    %dma_start3A_353 = tpu.memref_slice %arg7[%dma_start3A_352] : memref<10240xf32, #tpu.memory_space<vmem_shared>> -> memref<10240xf32, #tpu.memory_space<vmem_shared>>
    tpu.enqueue_indirect_dma source(%arg5 : memref<96xf32, #tpu.memory_space<vmem>>) target(%dma_start3A_353 : memref<10240xf32, #tpu.memory_space<vmem_shared>>) offsets(%dma_start3A_351 : memref<96xi32, #tpu.memory_space<vmem>>) semaphore(%arg8 : memref<!tpu.dma_semaphore, #tpu.memory_space<semaphore_mem>>) {add = true}
    %dma_start3A_354 = arith.constant 13 : i32
    %dma_start3A_355 = arith.constant 0 : i32
    %dma_start3A_356 = tpu.memref_slice %arg4[%dma_start3A_354, %dma_start3A_355] : memref<54x96xi32, #tpu.memory_space<vmem>> -> memref<1x96xi32, #tpu.memory_space<vmem>>
    %dma_start3A_357 = tpu.memref_squeeze %dma_start3A_356 : memref<1x96xi32, #tpu.memory_space<vmem>> -> memref<96xi32, #tpu.memory_space<vmem>>
    %dma_start3A_358 = arith.constant 0 : i32
    %dma_start3A_359 = tpu.memref_slice %arg7[%dma_start3A_358] : memref<10240xf32, #tpu.memory_space<vmem_shared>> -> memref<10240xf32, #tpu.memory_space<vmem_shared>>
    tpu.enqueue_indirect_dma source(%arg5 : memref<96xf32, #tpu.memory_space<vmem>>) target(%dma_start3A_359 : memref<10240xf32, #tpu.memory_space<vmem_shared>>) offsets(%dma_start3A_357 : memref<96xi32, #tpu.memory_space<vmem>>) semaphore(%arg8 : memref<!tpu.dma_semaphore, #tpu.memory_space<semaphore_mem>>) {add = true}
    %dma_start3A_360 = arith.constant 14 : i32
    %dma_start3A_361 = arith.constant 0 : i32
    %dma_start3A_362 = tpu.memref_slice %arg4[%dma_start3A_360, %dma_start3A_361] : memref<54x96xi32, #tpu.memory_space<vmem>> -> memref<1x96xi32, #tpu.memory_space<vmem>>
    %dma_start3A_363 = tpu.memref_squeeze %dma_start3A_362 : memref<1x96xi32, #tpu.memory_space<vmem>> -> memref<96xi32, #tpu.memory_space<vmem>>
    %dma_start3A_364 = arith.constant 0 : i32
    %dma_start3A_365 = tpu.memref_slice %arg7[%dma_start3A_364] : memref<10240xf32, #tpu.memory_space<vmem_shared>> -> memref<10240xf32, #tpu.memory_space<vmem_shared>>
    tpu.enqueue_indirect_dma source(%arg5 : memref<96xf32, #tpu.memory_space<vmem>>) target(%dma_start3A_365 : memref<10240xf32, #tpu.memory_space<vmem_shared>>) offsets(%dma_start3A_363 : memref<96xi32, #tpu.memory_space<vmem>>) semaphore(%arg8 : memref<!tpu.dma_semaphore, #tpu.memory_space<semaphore_mem>>) {add = true}
    %dma_start3A_366 = arith.constant 15 : i32
    %dma_start3A_367 = arith.constant 0 : i32
    %dma_start3A_368 = tpu.memref_slice %arg4[%dma_start3A_366, %dma_start3A_367] : memref<54x96xi32, #tpu.memory_space<vmem>> -> memref<1x96xi32, #tpu.memory_space<vmem>>
    %dma_start3A_369 = tpu.memref_squeeze %dma_start3A_368 : memref<1x96xi32, #tpu.memory_space<vmem>> -> memref<96xi32, #tpu.memory_space<vmem>>
    %dma_start3A_370 = arith.constant 0 : i32
    %dma_start3A_371 = tpu.memref_slice %arg7[%dma_start3A_370] : memref<10240xf32, #tpu.memory_space<vmem_shared>> -> memref<10240xf32, #tpu.memory_space<vmem_shared>>
    tpu.enqueue_indirect_dma source(%arg5 : memref<96xf32, #tpu.memory_space<vmem>>) target(%dma_start3A_371 : memref<10240xf32, #tpu.memory_space<vmem_shared>>) offsets(%dma_start3A_369 : memref<96xi32, #tpu.memory_space<vmem>>) semaphore(%arg8 : memref<!tpu.dma_semaphore, #tpu.memory_space<semaphore_mem>>) {add = true}
    %dma_start3A_372 = arith.constant 16 : i32
    %dma_start3A_373 = arith.constant 0 : i32
    %dma_start3A_374 = tpu.memref_slice %arg4[%dma_start3A_372, %dma_start3A_373] : memref<54x96xi32, #tpu.memory_space<vmem>> -> memref<1x96xi32, #tpu.memory_space<vmem>>
    %dma_start3A_375 = tpu.memref_squeeze %dma_start3A_374 : memref<1x96xi32, #tpu.memory_space<vmem>> -> memref<96xi32, #tpu.memory_space<vmem>>
    %dma_start3A_376 = arith.constant 0 : i32
    %dma_start3A_377 = tpu.memref_slice %arg7[%dma_start3A_376] : memref<10240xf32, #tpu.memory_space<vmem_shared>> -> memref<10240xf32, #tpu.memory_space<vmem_shared>>
    tpu.enqueue_indirect_dma source(%arg5 : memref<96xf32, #tpu.memory_space<vmem>>) target(%dma_start3A_377 : memref<10240xf32, #tpu.memory_space<vmem_shared>>) offsets(%dma_start3A_375 : memref<96xi32, #tpu.memory_space<vmem>>) semaphore(%arg8 : memref<!tpu.dma_semaphore, #tpu.memory_space<semaphore_mem>>) {add = true}
    %dma_start3A_378 = arith.constant 17 : i32
    %dma_start3A_379 = arith.constant 0 : i32
    %dma_start3A_380 = tpu.memref_slice %arg4[%dma_start3A_378, %dma_start3A_379] : memref<54x96xi32, #tpu.memory_space<vmem>> -> memref<1x96xi32, #tpu.memory_space<vmem>>
    %dma_start3A_381 = tpu.memref_squeeze %dma_start3A_380 : memref<1x96xi32, #tpu.memory_space<vmem>> -> memref<96xi32, #tpu.memory_space<vmem>>
    %dma_start3A_382 = arith.constant 0 : i32
    %dma_start3A_383 = tpu.memref_slice %arg7[%dma_start3A_382] : memref<10240xf32, #tpu.memory_space<vmem_shared>> -> memref<10240xf32, #tpu.memory_space<vmem_shared>>
    tpu.enqueue_indirect_dma source(%arg5 : memref<96xf32, #tpu.memory_space<vmem>>) target(%dma_start3A_383 : memref<10240xf32, #tpu.memory_space<vmem_shared>>) offsets(%dma_start3A_381 : memref<96xi32, #tpu.memory_space<vmem>>) semaphore(%arg8 : memref<!tpu.dma_semaphore, #tpu.memory_space<semaphore_mem>>) {add = true}
    %dma_start3A_384 = arith.constant 18 : i32
    %dma_start3A_385 = arith.constant 0 : i32
    %dma_start3A_386 = tpu.memref_slice %arg4[%dma_start3A_384, %dma_start3A_385] : memref<54x96xi32, #tpu.memory_space<vmem>> -> memref<1x96xi32, #tpu.memory_space<vmem>>
    %dma_start3A_387 = tpu.memref_squeeze %dma_start3A_386 : memref<1x96xi32, #tpu.memory_space<vmem>> -> memref<96xi32, #tpu.memory_space<vmem>>
    %dma_start3A_388 = arith.constant 0 : i32
    %dma_start3A_389 = tpu.memref_slice %arg7[%dma_start3A_388] : memref<10240xf32, #tpu.memory_space<vmem_shared>> -> memref<10240xf32, #tpu.memory_space<vmem_shared>>
    tpu.enqueue_indirect_dma source(%arg5 : memref<96xf32, #tpu.memory_space<vmem>>) target(%dma_start3A_389 : memref<10240xf32, #tpu.memory_space<vmem_shared>>) offsets(%dma_start3A_387 : memref<96xi32, #tpu.memory_space<vmem>>) semaphore(%arg8 : memref<!tpu.dma_semaphore, #tpu.memory_space<semaphore_mem>>) {add = true}
    %dma_start3A_390 = arith.constant 19 : i32
    %dma_start3A_391 = arith.constant 0 : i32
    %dma_start3A_392 = tpu.memref_slice %arg4[%dma_start3A_390, %dma_start3A_391] : memref<54x96xi32, #tpu.memory_space<vmem>> -> memref<1x96xi32, #tpu.memory_space<vmem>>
    %dma_start3A_393 = tpu.memref_squeeze %dma_start3A_392 : memref<1x96xi32, #tpu.memory_space<vmem>> -> memref<96xi32, #tpu.memory_space<vmem>>
    %dma_start3A_394 = arith.constant 0 : i32
    %dma_start3A_395 = tpu.memref_slice %arg7[%dma_start3A_394] : memref<10240xf32, #tpu.memory_space<vmem_shared>> -> memref<10240xf32, #tpu.memory_space<vmem_shared>>
    tpu.enqueue_indirect_dma source(%arg5 : memref<96xf32, #tpu.memory_space<vmem>>) target(%dma_start3A_395 : memref<10240xf32, #tpu.memory_space<vmem_shared>>) offsets(%dma_start3A_393 : memref<96xi32, #tpu.memory_space<vmem>>) semaphore(%arg8 : memref<!tpu.dma_semaphore, #tpu.memory_space<semaphore_mem>>) {add = true}
    %dma_start3A_396 = arith.constant 20 : i32
    %dma_start3A_397 = arith.constant 0 : i32
    %dma_start3A_398 = tpu.memref_slice %arg4[%dma_start3A_396, %dma_start3A_397] : memref<54x96xi32, #tpu.memory_space<vmem>> -> memref<1x96xi32, #tpu.memory_space<vmem>>
    %dma_start3A_399 = tpu.memref_squeeze %dma_start3A_398 : memref<1x96xi32, #tpu.memory_space<vmem>> -> memref<96xi32, #tpu.memory_space<vmem>>
    %dma_start3A_400 = arith.constant 0 : i32
    %dma_start3A_401 = tpu.memref_slice %arg7[%dma_start3A_400] : memref<10240xf32, #tpu.memory_space<vmem_shared>> -> memref<10240xf32, #tpu.memory_space<vmem_shared>>
    tpu.enqueue_indirect_dma source(%arg5 : memref<96xf32, #tpu.memory_space<vmem>>) target(%dma_start3A_401 : memref<10240xf32, #tpu.memory_space<vmem_shared>>) offsets(%dma_start3A_399 : memref<96xi32, #tpu.memory_space<vmem>>) semaphore(%arg8 : memref<!tpu.dma_semaphore, #tpu.memory_space<semaphore_mem>>) {add = true}
    %dma_start3A_402 = arith.constant 21 : i32
    %dma_start3A_403 = arith.constant 0 : i32
    %dma_start3A_404 = tpu.memref_slice %arg4[%dma_start3A_402, %dma_start3A_403] : memref<54x96xi32, #tpu.memory_space<vmem>> -> memref<1x96xi32, #tpu.memory_space<vmem>>
    %dma_start3A_405 = tpu.memref_squeeze %dma_start3A_404 : memref<1x96xi32, #tpu.memory_space<vmem>> -> memref<96xi32, #tpu.memory_space<vmem>>
    %dma_start3A_406 = arith.constant 0 : i32
    %dma_start3A_407 = tpu.memref_slice %arg7[%dma_start3A_406] : memref<10240xf32, #tpu.memory_space<vmem_shared>> -> memref<10240xf32, #tpu.memory_space<vmem_shared>>
    tpu.enqueue_indirect_dma source(%arg5 : memref<96xf32, #tpu.memory_space<vmem>>) target(%dma_start3A_407 : memref<10240xf32, #tpu.memory_space<vmem_shared>>) offsets(%dma_start3A_405 : memref<96xi32, #tpu.memory_space<vmem>>) semaphore(%arg8 : memref<!tpu.dma_semaphore, #tpu.memory_space<semaphore_mem>>) {add = true}
    %dma_start3A_408 = arith.constant 22 : i32
    %dma_start3A_409 = arith.constant 0 : i32
    %dma_start3A_410 = tpu.memref_slice %arg4[%dma_start3A_408, %dma_start3A_409] : memref<54x96xi32, #tpu.memory_space<vmem>> -> memref<1x96xi32, #tpu.memory_space<vmem>>
    %dma_start3A_411 = tpu.memref_squeeze %dma_start3A_410 : memref<1x96xi32, #tpu.memory_space<vmem>> -> memref<96xi32, #tpu.memory_space<vmem>>
    %dma_start3A_412 = arith.constant 0 : i32
    %dma_start3A_413 = tpu.memref_slice %arg7[%dma_start3A_412] : memref<10240xf32, #tpu.memory_space<vmem_shared>> -> memref<10240xf32, #tpu.memory_space<vmem_shared>>
    tpu.enqueue_indirect_dma source(%arg5 : memref<96xf32, #tpu.memory_space<vmem>>) target(%dma_start3A_413 : memref<10240xf32, #tpu.memory_space<vmem_shared>>) offsets(%dma_start3A_411 : memref<96xi32, #tpu.memory_space<vmem>>) semaphore(%arg8 : memref<!tpu.dma_semaphore, #tpu.memory_space<semaphore_mem>>) {add = true}
    %dma_start3A_414 = arith.constant 23 : i32
    %dma_start3A_415 = arith.constant 0 : i32
    %dma_start3A_416 = tpu.memref_slice %arg4[%dma_start3A_414, %dma_start3A_415] : memref<54x96xi32, #tpu.memory_space<vmem>> -> memref<1x96xi32, #tpu.memory_space<vmem>>
    %dma_start3A_417 = tpu.memref_squeeze %dma_start3A_416 : memref<1x96xi32, #tpu.memory_space<vmem>> -> memref<96xi32, #tpu.memory_space<vmem>>
    %dma_start3A_418 = arith.constant 0 : i32
    %dma_start3A_419 = tpu.memref_slice %arg7[%dma_start3A_418] : memref<10240xf32, #tpu.memory_space<vmem_shared>> -> memref<10240xf32, #tpu.memory_space<vmem_shared>>
    tpu.enqueue_indirect_dma source(%arg5 : memref<96xf32, #tpu.memory_space<vmem>>) target(%dma_start3A_419 : memref<10240xf32, #tpu.memory_space<vmem_shared>>) offsets(%dma_start3A_417 : memref<96xi32, #tpu.memory_space<vmem>>) semaphore(%arg8 : memref<!tpu.dma_semaphore, #tpu.memory_space<semaphore_mem>>) {add = true}
    %dma_start3A_420 = arith.constant 24 : i32
    %dma_start3A_421 = arith.constant 0 : i32
    %dma_start3A_422 = tpu.memref_slice %arg4[%dma_start3A_420, %dma_start3A_421] : memref<54x96xi32, #tpu.memory_space<vmem>> -> memref<1x96xi32, #tpu.memory_space<vmem>>
    %dma_start3A_423 = tpu.memref_squeeze %dma_start3A_422 : memref<1x96xi32, #tpu.memory_space<vmem>> -> memref<96xi32, #tpu.memory_space<vmem>>
    %dma_start3A_424 = arith.constant 0 : i32
    %dma_start3A_425 = tpu.memref_slice %arg7[%dma_start3A_424] : memref<10240xf32, #tpu.memory_space<vmem_shared>> -> memref<10240xf32, #tpu.memory_space<vmem_shared>>
    tpu.enqueue_indirect_dma source(%arg5 : memref<96xf32, #tpu.memory_space<vmem>>) target(%dma_start3A_425 : memref<10240xf32, #tpu.memory_space<vmem_shared>>) offsets(%dma_start3A_423 : memref<96xi32, #tpu.memory_space<vmem>>) semaphore(%arg8 : memref<!tpu.dma_semaphore, #tpu.memory_space<semaphore_mem>>) {add = true}
    %dma_start3A_426 = arith.constant 25 : i32
    %dma_start3A_427 = arith.constant 0 : i32
    %dma_start3A_428 = tpu.memref_slice %arg4[%dma_start3A_426, %dma_start3A_427] : memref<54x96xi32, #tpu.memory_space<vmem>> -> memref<1x96xi32, #tpu.memory_space<vmem>>
    %dma_start3A_429 = tpu.memref_squeeze %dma_start3A_428 : memref<1x96xi32, #tpu.memory_space<vmem>> -> memref<96xi32, #tpu.memory_space<vmem>>
    %dma_start3A_430 = arith.constant 0 : i32
    %dma_start3A_431 = tpu.memref_slice %arg7[%dma_start3A_430] : memref<10240xf32, #tpu.memory_space<vmem_shared>> -> memref<10240xf32, #tpu.memory_space<vmem_shared>>
    tpu.enqueue_indirect_dma source(%arg5 : memref<96xf32, #tpu.memory_space<vmem>>) target(%dma_start3A_431 : memref<10240xf32, #tpu.memory_space<vmem_shared>>) offsets(%dma_start3A_429 : memref<96xi32, #tpu.memory_space<vmem>>) semaphore(%arg8 : memref<!tpu.dma_semaphore, #tpu.memory_space<semaphore_mem>>) {add = true}
    %dma_start3A_432 = arith.constant 26 : i32
    %dma_start3A_433 = arith.constant 0 : i32
    %dma_start3A_434 = tpu.memref_slice %arg4[%dma_start3A_432, %dma_start3A_433] : memref<54x96xi32, #tpu.memory_space<vmem>> -> memref<1x96xi32, #tpu.memory_space<vmem>>
    %dma_start3A_435 = tpu.memref_squeeze %dma_start3A_434 : memref<1x96xi32, #tpu.memory_space<vmem>> -> memref<96xi32, #tpu.memory_space<vmem>>
    %dma_start3A_436 = arith.constant 0 : i32
    %dma_start3A_437 = tpu.memref_slice %arg7[%dma_start3A_436] : memref<10240xf32, #tpu.memory_space<vmem_shared>> -> memref<10240xf32, #tpu.memory_space<vmem_shared>>
    tpu.enqueue_indirect_dma source(%arg5 : memref<96xf32, #tpu.memory_space<vmem>>) target(%dma_start3A_437 : memref<10240xf32, #tpu.memory_space<vmem_shared>>) offsets(%dma_start3A_435 : memref<96xi32, #tpu.memory_space<vmem>>) semaphore(%arg8 : memref<!tpu.dma_semaphore, #tpu.memory_space<semaphore_mem>>) {add = true}
    %dma_start3A_438 = arith.constant 27 : i32
    %dma_start3A_439 = arith.constant 0 : i32
    %dma_start3A_440 = tpu.memref_slice %arg4[%dma_start3A_438, %dma_start3A_439] : memref<54x96xi32, #tpu.memory_space<vmem>> -> memref<1x96xi32, #tpu.memory_space<vmem>>
    %dma_start3A_441 = tpu.memref_squeeze %dma_start3A_440 : memref<1x96xi32, #tpu.memory_space<vmem>> -> memref<96xi32, #tpu.memory_space<vmem>>
    %dma_start3A_442 = arith.constant 0 : i32
    %dma_start3A_443 = tpu.memref_slice %arg7[%dma_start3A_442] : memref<10240xf32, #tpu.memory_space<vmem_shared>> -> memref<10240xf32, #tpu.memory_space<vmem_shared>>
    tpu.enqueue_indirect_dma source(%arg5 : memref<96xf32, #tpu.memory_space<vmem>>) target(%dma_start3A_443 : memref<10240xf32, #tpu.memory_space<vmem_shared>>) offsets(%dma_start3A_441 : memref<96xi32, #tpu.memory_space<vmem>>) semaphore(%arg8 : memref<!tpu.dma_semaphore, #tpu.memory_space<semaphore_mem>>) {add = true}
    %dma_start3A_444 = arith.constant 28 : i32
    %dma_start3A_445 = arith.constant 0 : i32
    %dma_start3A_446 = tpu.memref_slice %arg4[%dma_start3A_444, %dma_start3A_445] : memref<54x96xi32, #tpu.memory_space<vmem>> -> memref<1x96xi32, #tpu.memory_space<vmem>>
    %dma_start3A_447 = tpu.memref_squeeze %dma_start3A_446 : memref<1x96xi32, #tpu.memory_space<vmem>> -> memref<96xi32, #tpu.memory_space<vmem>>
    %dma_start3A_448 = arith.constant 0 : i32
    %dma_start3A_449 = tpu.memref_slice %arg7[%dma_start3A_448] : memref<10240xf32, #tpu.memory_space<vmem_shared>> -> memref<10240xf32, #tpu.memory_space<vmem_shared>>
    tpu.enqueue_indirect_dma source(%arg5 : memref<96xf32, #tpu.memory_space<vmem>>) target(%dma_start3A_449 : memref<10240xf32, #tpu.memory_space<vmem_shared>>) offsets(%dma_start3A_447 : memref<96xi32, #tpu.memory_space<vmem>>) semaphore(%arg8 : memref<!tpu.dma_semaphore, #tpu.memory_space<semaphore_mem>>) {add = true}
    %dma_start3A_450 = arith.constant 29 : i32
    %dma_start3A_451 = arith.constant 0 : i32
    %dma_start3A_452 = tpu.memref_slice %arg4[%dma_start3A_450, %dma_start3A_451] : memref<54x96xi32, #tpu.memory_space<vmem>> -> memref<1x96xi32, #tpu.memory_space<vmem>>
    %dma_start3A_453 = tpu.memref_squeeze %dma_start3A_452 : memref<1x96xi32, #tpu.memory_space<vmem>> -> memref<96xi32, #tpu.memory_space<vmem>>
    %dma_start3A_454 = arith.constant 0 : i32
    %dma_start3A_455 = tpu.memref_slice %arg7[%dma_start3A_454] : memref<10240xf32, #tpu.memory_space<vmem_shared>> -> memref<10240xf32, #tpu.memory_space<vmem_shared>>
    tpu.enqueue_indirect_dma source(%arg5 : memref<96xf32, #tpu.memory_space<vmem>>) target(%dma_start3A_455 : memref<10240xf32, #tpu.memory_space<vmem_shared>>) offsets(%dma_start3A_453 : memref<96xi32, #tpu.memory_space<vmem>>) semaphore(%arg8 : memref<!tpu.dma_semaphore, #tpu.memory_space<semaphore_mem>>) {add = true}
    %dma_start3A_456 = arith.constant 30 : i32
    %dma_start3A_457 = arith.constant 0 : i32
    %dma_start3A_458 = tpu.memref_slice %arg4[%dma_start3A_456, %dma_start3A_457] : memref<54x96xi32, #tpu.memory_space<vmem>> -> memref<1x96xi32, #tpu.memory_space<vmem>>
    %dma_start3A_459 = tpu.memref_squeeze %dma_start3A_458 : memref<1x96xi32, #tpu.memory_space<vmem>> -> memref<96xi32, #tpu.memory_space<vmem>>
    %dma_start3A_460 = arith.constant 0 : i32
    %dma_start3A_461 = tpu.memref_slice %arg7[%dma_start3A_460] : memref<10240xf32, #tpu.memory_space<vmem_shared>> -> memref<10240xf32, #tpu.memory_space<vmem_shared>>
    tpu.enqueue_indirect_dma source(%arg5 : memref<96xf32, #tpu.memory_space<vmem>>) target(%dma_start3A_461 : memref<10240xf32, #tpu.memory_space<vmem_shared>>) offsets(%dma_start3A_459 : memref<96xi32, #tpu.memory_space<vmem>>) semaphore(%arg8 : memref<!tpu.dma_semaphore, #tpu.memory_space<semaphore_mem>>) {add = true}
    %dma_start3A_462 = arith.constant 31 : i32
    %dma_start3A_463 = arith.constant 0 : i32
    %dma_start3A_464 = tpu.memref_slice %arg4[%dma_start3A_462, %dma_start3A_463] : memref<54x96xi32, #tpu.memory_space<vmem>> -> memref<1x96xi32, #tpu.memory_space<vmem>>
    %dma_start3A_465 = tpu.memref_squeeze %dma_start3A_464 : memref<1x96xi32, #tpu.memory_space<vmem>> -> memref<96xi32, #tpu.memory_space<vmem>>
    %dma_start3A_466 = arith.constant 0 : i32
    %dma_start3A_467 = tpu.memref_slice %arg7[%dma_start3A_466] : memref<10240xf32, #tpu.memory_space<vmem_shared>> -> memref<10240xf32, #tpu.memory_space<vmem_shared>>
    tpu.enqueue_indirect_dma source(%arg5 : memref<96xf32, #tpu.memory_space<vmem>>) target(%dma_start3A_467 : memref<10240xf32, #tpu.memory_space<vmem_shared>>) offsets(%dma_start3A_465 : memref<96xi32, #tpu.memory_space<vmem>>) semaphore(%arg8 : memref<!tpu.dma_semaphore, #tpu.memory_space<semaphore_mem>>) {add = true}
    %dma_start3A_468 = arith.constant 32 : i32
    %dma_start3A_469 = arith.constant 0 : i32
    %dma_start3A_470 = tpu.memref_slice %arg4[%dma_start3A_468, %dma_start3A_469] : memref<54x96xi32, #tpu.memory_space<vmem>> -> memref<1x96xi32, #tpu.memory_space<vmem>>
    %dma_start3A_471 = tpu.memref_squeeze %dma_start3A_470 : memref<1x96xi32, #tpu.memory_space<vmem>> -> memref<96xi32, #tpu.memory_space<vmem>>
    %dma_start3A_472 = arith.constant 0 : i32
    %dma_start3A_473 = tpu.memref_slice %arg7[%dma_start3A_472] : memref<10240xf32, #tpu.memory_space<vmem_shared>> -> memref<10240xf32, #tpu.memory_space<vmem_shared>>
    tpu.enqueue_indirect_dma source(%arg5 : memref<96xf32, #tpu.memory_space<vmem>>) target(%dma_start3A_473 : memref<10240xf32, #tpu.memory_space<vmem_shared>>) offsets(%dma_start3A_471 : memref<96xi32, #tpu.memory_space<vmem>>) semaphore(%arg8 : memref<!tpu.dma_semaphore, #tpu.memory_space<semaphore_mem>>) {add = true}
    %dma_start3A_474 = arith.constant 33 : i32
    %dma_start3A_475 = arith.constant 0 : i32
    %dma_start3A_476 = tpu.memref_slice %arg4[%dma_start3A_474, %dma_start3A_475] : memref<54x96xi32, #tpu.memory_space<vmem>> -> memref<1x96xi32, #tpu.memory_space<vmem>>
    %dma_start3A_477 = tpu.memref_squeeze %dma_start3A_476 : memref<1x96xi32, #tpu.memory_space<vmem>> -> memref<96xi32, #tpu.memory_space<vmem>>
    %dma_start3A_478 = arith.constant 0 : i32
    %dma_start3A_479 = tpu.memref_slice %arg7[%dma_start3A_478] : memref<10240xf32, #tpu.memory_space<vmem_shared>> -> memref<10240xf32, #tpu.memory_space<vmem_shared>>
    tpu.enqueue_indirect_dma source(%arg5 : memref<96xf32, #tpu.memory_space<vmem>>) target(%dma_start3A_479 : memref<10240xf32, #tpu.memory_space<vmem_shared>>) offsets(%dma_start3A_477 : memref<96xi32, #tpu.memory_space<vmem>>) semaphore(%arg8 : memref<!tpu.dma_semaphore, #tpu.memory_space<semaphore_mem>>) {add = true}
    %dma_start3A_480 = arith.constant 34 : i32
    %dma_start3A_481 = arith.constant 0 : i32
    %dma_start3A_482 = tpu.memref_slice %arg4[%dma_start3A_480, %dma_start3A_481] : memref<54x96xi32, #tpu.memory_space<vmem>> -> memref<1x96xi32, #tpu.memory_space<vmem>>
    %dma_start3A_483 = tpu.memref_squeeze %dma_start3A_482 : memref<1x96xi32, #tpu.memory_space<vmem>> -> memref<96xi32, #tpu.memory_space<vmem>>
    %dma_start3A_484 = arith.constant 0 : i32
    %dma_start3A_485 = tpu.memref_slice %arg7[%dma_start3A_484] : memref<10240xf32, #tpu.memory_space<vmem_shared>> -> memref<10240xf32, #tpu.memory_space<vmem_shared>>
    tpu.enqueue_indirect_dma source(%arg5 : memref<96xf32, #tpu.memory_space<vmem>>) target(%dma_start3A_485 : memref<10240xf32, #tpu.memory_space<vmem_shared>>) offsets(%dma_start3A_483 : memref<96xi32, #tpu.memory_space<vmem>>) semaphore(%arg8 : memref<!tpu.dma_semaphore, #tpu.memory_space<semaphore_mem>>) {add = true}
    %dma_start3A_486 = arith.constant 35 : i32
    %dma_start3A_487 = arith.constant 0 : i32
    %dma_start3A_488 = tpu.memref_slice %arg4[%dma_start3A_486, %dma_start3A_487] : memref<54x96xi32, #tpu.memory_space<vmem>> -> memref<1x96xi32, #tpu.memory_space<vmem>>
    %dma_start3A_489 = tpu.memref_squeeze %dma_start3A_488 : memref<1x96xi32, #tpu.memory_space<vmem>> -> memref<96xi32, #tpu.memory_space<vmem>>
    %dma_start3A_490 = arith.constant 0 : i32
    %dma_start3A_491 = tpu.memref_slice %arg7[%dma_start3A_490] : memref<10240xf32, #tpu.memory_space<vmem_shared>> -> memref<10240xf32, #tpu.memory_space<vmem_shared>>
    tpu.enqueue_indirect_dma source(%arg5 : memref<96xf32, #tpu.memory_space<vmem>>) target(%dma_start3A_491 : memref<10240xf32, #tpu.memory_space<vmem_shared>>) offsets(%dma_start3A_489 : memref<96xi32, #tpu.memory_space<vmem>>) semaphore(%arg8 : memref<!tpu.dma_semaphore, #tpu.memory_space<semaphore_mem>>) {add = true}
    %dma_start3A_492 = arith.constant 36 : i32
    %dma_start3A_493 = arith.constant 0 : i32
    %dma_start3A_494 = tpu.memref_slice %arg4[%dma_start3A_492, %dma_start3A_493] : memref<54x96xi32, #tpu.memory_space<vmem>> -> memref<1x96xi32, #tpu.memory_space<vmem>>
    %dma_start3A_495 = tpu.memref_squeeze %dma_start3A_494 : memref<1x96xi32, #tpu.memory_space<vmem>> -> memref<96xi32, #tpu.memory_space<vmem>>
    %dma_start3A_496 = arith.constant 0 : i32
    %dma_start3A_497 = tpu.memref_slice %arg7[%dma_start3A_496] : memref<10240xf32, #tpu.memory_space<vmem_shared>> -> memref<10240xf32, #tpu.memory_space<vmem_shared>>
    tpu.enqueue_indirect_dma source(%arg5 : memref<96xf32, #tpu.memory_space<vmem>>) target(%dma_start3A_497 : memref<10240xf32, #tpu.memory_space<vmem_shared>>) offsets(%dma_start3A_495 : memref<96xi32, #tpu.memory_space<vmem>>) semaphore(%arg8 : memref<!tpu.dma_semaphore, #tpu.memory_space<semaphore_mem>>) {add = true}
    %dma_start3A_498 = arith.constant 37 : i32
    %dma_start3A_499 = arith.constant 0 : i32
    %dma_start3A_500 = tpu.memref_slice %arg4[%dma_start3A_498, %dma_start3A_499] : memref<54x96xi32, #tpu.memory_space<vmem>> -> memref<1x96xi32, #tpu.memory_space<vmem>>
    %dma_start3A_501 = tpu.memref_squeeze %dma_start3A_500 : memref<1x96xi32, #tpu.memory_space<vmem>> -> memref<96xi32, #tpu.memory_space<vmem>>
    %dma_start3A_502 = arith.constant 0 : i32
    %dma_start3A_503 = tpu.memref_slice %arg7[%dma_start3A_502] : memref<10240xf32, #tpu.memory_space<vmem_shared>> -> memref<10240xf32, #tpu.memory_space<vmem_shared>>
    tpu.enqueue_indirect_dma source(%arg5 : memref<96xf32, #tpu.memory_space<vmem>>) target(%dma_start3A_503 : memref<10240xf32, #tpu.memory_space<vmem_shared>>) offsets(%dma_start3A_501 : memref<96xi32, #tpu.memory_space<vmem>>) semaphore(%arg8 : memref<!tpu.dma_semaphore, #tpu.memory_space<semaphore_mem>>) {add = true}
    %dma_start3A_504 = arith.constant 38 : i32
    %dma_start3A_505 = arith.constant 0 : i32
    %dma_start3A_506 = tpu.memref_slice %arg4[%dma_start3A_504, %dma_start3A_505] : memref<54x96xi32, #tpu.memory_space<vmem>> -> memref<1x96xi32, #tpu.memory_space<vmem>>
    %dma_start3A_507 = tpu.memref_squeeze %dma_start3A_506 : memref<1x96xi32, #tpu.memory_space<vmem>> -> memref<96xi32, #tpu.memory_space<vmem>>
    %dma_start3A_508 = arith.constant 0 : i32
    %dma_start3A_509 = tpu.memref_slice %arg7[%dma_start3A_508] : memref<10240xf32, #tpu.memory_space<vmem_shared>> -> memref<10240xf32, #tpu.memory_space<vmem_shared>>
    tpu.enqueue_indirect_dma source(%arg5 : memref<96xf32, #tpu.memory_space<vmem>>) target(%dma_start3A_509 : memref<10240xf32, #tpu.memory_space<vmem_shared>>) offsets(%dma_start3A_507 : memref<96xi32, #tpu.memory_space<vmem>>) semaphore(%arg8 : memref<!tpu.dma_semaphore, #tpu.memory_space<semaphore_mem>>) {add = true}
    %dma_start3A_510 = arith.constant 39 : i32
    %dma_start3A_511 = arith.constant 0 : i32
    %dma_start3A_512 = tpu.memref_slice %arg4[%dma_start3A_510, %dma_start3A_511] : memref<54x96xi32, #tpu.memory_space<vmem>> -> memref<1x96xi32, #tpu.memory_space<vmem>>
    %dma_start3A_513 = tpu.memref_squeeze %dma_start3A_512 : memref<1x96xi32, #tpu.memory_space<vmem>> -> memref<96xi32, #tpu.memory_space<vmem>>
    %dma_start3A_514 = arith.constant 0 : i32
    %dma_start3A_515 = tpu.memref_slice %arg7[%dma_start3A_514] : memref<10240xf32, #tpu.memory_space<vmem_shared>> -> memref<10240xf32, #tpu.memory_space<vmem_shared>>
    tpu.enqueue_indirect_dma source(%arg5 : memref<96xf32, #tpu.memory_space<vmem>>) target(%dma_start3A_515 : memref<10240xf32, #tpu.memory_space<vmem_shared>>) offsets(%dma_start3A_513 : memref<96xi32, #tpu.memory_space<vmem>>) semaphore(%arg8 : memref<!tpu.dma_semaphore, #tpu.memory_space<semaphore_mem>>) {add = true}
    %dma_start3A_516 = arith.constant 40 : i32
    %dma_start3A_517 = arith.constant 0 : i32
    %dma_start3A_518 = tpu.memref_slice %arg4[%dma_start3A_516, %dma_start3A_517] : memref<54x96xi32, #tpu.memory_space<vmem>> -> memref<1x96xi32, #tpu.memory_space<vmem>>
    %dma_start3A_519 = tpu.memref_squeeze %dma_start3A_518 : memref<1x96xi32, #tpu.memory_space<vmem>> -> memref<96xi32, #tpu.memory_space<vmem>>
    %dma_start3A_520 = arith.constant 0 : i32
    %dma_start3A_521 = tpu.memref_slice %arg7[%dma_start3A_520] : memref<10240xf32, #tpu.memory_space<vmem_shared>> -> memref<10240xf32, #tpu.memory_space<vmem_shared>>
    tpu.enqueue_indirect_dma source(%arg5 : memref<96xf32, #tpu.memory_space<vmem>>) target(%dma_start3A_521 : memref<10240xf32, #tpu.memory_space<vmem_shared>>) offsets(%dma_start3A_519 : memref<96xi32, #tpu.memory_space<vmem>>) semaphore(%arg8 : memref<!tpu.dma_semaphore, #tpu.memory_space<semaphore_mem>>) {add = true}
    %dma_start3A_522 = arith.constant 41 : i32
    %dma_start3A_523 = arith.constant 0 : i32
    %dma_start3A_524 = tpu.memref_slice %arg4[%dma_start3A_522, %dma_start3A_523] : memref<54x96xi32, #tpu.memory_space<vmem>> -> memref<1x96xi32, #tpu.memory_space<vmem>>
    %dma_start3A_525 = tpu.memref_squeeze %dma_start3A_524 : memref<1x96xi32, #tpu.memory_space<vmem>> -> memref<96xi32, #tpu.memory_space<vmem>>
    %dma_start3A_526 = arith.constant 0 : i32
    %dma_start3A_527 = tpu.memref_slice %arg7[%dma_start3A_526] : memref<10240xf32, #tpu.memory_space<vmem_shared>> -> memref<10240xf32, #tpu.memory_space<vmem_shared>>
    tpu.enqueue_indirect_dma source(%arg5 : memref<96xf32, #tpu.memory_space<vmem>>) target(%dma_start3A_527 : memref<10240xf32, #tpu.memory_space<vmem_shared>>) offsets(%dma_start3A_525 : memref<96xi32, #tpu.memory_space<vmem>>) semaphore(%arg8 : memref<!tpu.dma_semaphore, #tpu.memory_space<semaphore_mem>>) {add = true}
    %dma_start3A_528 = arith.constant 42 : i32
    %dma_start3A_529 = arith.constant 0 : i32
    %dma_start3A_530 = tpu.memref_slice %arg4[%dma_start3A_528, %dma_start3A_529] : memref<54x96xi32, #tpu.memory_space<vmem>> -> memref<1x96xi32, #tpu.memory_space<vmem>>
    %dma_start3A_531 = tpu.memref_squeeze %dma_start3A_530 : memref<1x96xi32, #tpu.memory_space<vmem>> -> memref<96xi32, #tpu.memory_space<vmem>>
    %dma_start3A_532 = arith.constant 0 : i32
    %dma_start3A_533 = tpu.memref_slice %arg7[%dma_start3A_532] : memref<10240xf32, #tpu.memory_space<vmem_shared>> -> memref<10240xf32, #tpu.memory_space<vmem_shared>>
    tpu.enqueue_indirect_dma source(%arg5 : memref<96xf32, #tpu.memory_space<vmem>>) target(%dma_start3A_533 : memref<10240xf32, #tpu.memory_space<vmem_shared>>) offsets(%dma_start3A_531 : memref<96xi32, #tpu.memory_space<vmem>>) semaphore(%arg8 : memref<!tpu.dma_semaphore, #tpu.memory_space<semaphore_mem>>) {add = true}
    %dma_start3A_534 = arith.constant 43 : i32
    %dma_start3A_535 = arith.constant 0 : i32
    %dma_start3A_536 = tpu.memref_slice %arg4[%dma_start3A_534, %dma_start3A_535] : memref<54x96xi32, #tpu.memory_space<vmem>> -> memref<1x96xi32, #tpu.memory_space<vmem>>
    %dma_start3A_537 = tpu.memref_squeeze %dma_start3A_536 : memref<1x96xi32, #tpu.memory_space<vmem>> -> memref<96xi32, #tpu.memory_space<vmem>>
    %dma_start3A_538 = arith.constant 0 : i32
    %dma_start3A_539 = tpu.memref_slice %arg7[%dma_start3A_538] : memref<10240xf32, #tpu.memory_space<vmem_shared>> -> memref<10240xf32, #tpu.memory_space<vmem_shared>>
    tpu.enqueue_indirect_dma source(%arg5 : memref<96xf32, #tpu.memory_space<vmem>>) target(%dma_start3A_539 : memref<10240xf32, #tpu.memory_space<vmem_shared>>) offsets(%dma_start3A_537 : memref<96xi32, #tpu.memory_space<vmem>>) semaphore(%arg8 : memref<!tpu.dma_semaphore, #tpu.memory_space<semaphore_mem>>) {add = true}
    %dma_start3A_540 = arith.constant 44 : i32
    %dma_start3A_541 = arith.constant 0 : i32
    %dma_start3A_542 = tpu.memref_slice %arg4[%dma_start3A_540, %dma_start3A_541] : memref<54x96xi32, #tpu.memory_space<vmem>> -> memref<1x96xi32, #tpu.memory_space<vmem>>
    %dma_start3A_543 = tpu.memref_squeeze %dma_start3A_542 : memref<1x96xi32, #tpu.memory_space<vmem>> -> memref<96xi32, #tpu.memory_space<vmem>>
    %dma_start3A_544 = arith.constant 0 : i32
    %dma_start3A_545 = tpu.memref_slice %arg7[%dma_start3A_544] : memref<10240xf32, #tpu.memory_space<vmem_shared>> -> memref<10240xf32, #tpu.memory_space<vmem_shared>>
    tpu.enqueue_indirect_dma source(%arg5 : memref<96xf32, #tpu.memory_space<vmem>>) target(%dma_start3A_545 : memref<10240xf32, #tpu.memory_space<vmem_shared>>) offsets(%dma_start3A_543 : memref<96xi32, #tpu.memory_space<vmem>>) semaphore(%arg8 : memref<!tpu.dma_semaphore, #tpu.memory_space<semaphore_mem>>) {add = true}
    %dma_start3A_546 = arith.constant 45 : i32
    %dma_start3A_547 = arith.constant 0 : i32
    %dma_start3A_548 = tpu.memref_slice %arg4[%dma_start3A_546, %dma_start3A_547] : memref<54x96xi32, #tpu.memory_space<vmem>> -> memref<1x96xi32, #tpu.memory_space<vmem>>
    %dma_start3A_549 = tpu.memref_squeeze %dma_start3A_548 : memref<1x96xi32, #tpu.memory_space<vmem>> -> memref<96xi32, #tpu.memory_space<vmem>>
    %dma_start3A_550 = arith.constant 0 : i32
    %dma_start3A_551 = tpu.memref_slice %arg7[%dma_start3A_550] : memref<10240xf32, #tpu.memory_space<vmem_shared>> -> memref<10240xf32, #tpu.memory_space<vmem_shared>>
    tpu.enqueue_indirect_dma source(%arg5 : memref<96xf32, #tpu.memory_space<vmem>>) target(%dma_start3A_551 : memref<10240xf32, #tpu.memory_space<vmem_shared>>) offsets(%dma_start3A_549 : memref<96xi32, #tpu.memory_space<vmem>>) semaphore(%arg8 : memref<!tpu.dma_semaphore, #tpu.memory_space<semaphore_mem>>) {add = true}
    %dma_start3A_552 = arith.constant 46 : i32
    %dma_start3A_553 = arith.constant 0 : i32
    %dma_start3A_554 = tpu.memref_slice %arg4[%dma_start3A_552, %dma_start3A_553] : memref<54x96xi32, #tpu.memory_space<vmem>> -> memref<1x96xi32, #tpu.memory_space<vmem>>
    %dma_start3A_555 = tpu.memref_squeeze %dma_start3A_554 : memref<1x96xi32, #tpu.memory_space<vmem>> -> memref<96xi32, #tpu.memory_space<vmem>>
    %dma_start3A_556 = arith.constant 0 : i32
    %dma_start3A_557 = tpu.memref_slice %arg7[%dma_start3A_556] : memref<10240xf32, #tpu.memory_space<vmem_shared>> -> memref<10240xf32, #tpu.memory_space<vmem_shared>>
    tpu.enqueue_indirect_dma source(%arg5 : memref<96xf32, #tpu.memory_space<vmem>>) target(%dma_start3A_557 : memref<10240xf32, #tpu.memory_space<vmem_shared>>) offsets(%dma_start3A_555 : memref<96xi32, #tpu.memory_space<vmem>>) semaphore(%arg8 : memref<!tpu.dma_semaphore, #tpu.memory_space<semaphore_mem>>) {add = true}
    %dma_start3A_558 = arith.constant 47 : i32
    %dma_start3A_559 = arith.constant 0 : i32
    %dma_start3A_560 = tpu.memref_slice %arg4[%dma_start3A_558, %dma_start3A_559] : memref<54x96xi32, #tpu.memory_space<vmem>> -> memref<1x96xi32, #tpu.memory_space<vmem>>
    %dma_start3A_561 = tpu.memref_squeeze %dma_start3A_560 : memref<1x96xi32, #tpu.memory_space<vmem>> -> memref<96xi32, #tpu.memory_space<vmem>>
    %dma_start3A_562 = arith.constant 0 : i32
    %dma_start3A_563 = tpu.memref_slice %arg7[%dma_start3A_562] : memref<10240xf32, #tpu.memory_space<vmem_shared>> -> memref<10240xf32, #tpu.memory_space<vmem_shared>>
    tpu.enqueue_indirect_dma source(%arg5 : memref<96xf32, #tpu.memory_space<vmem>>) target(%dma_start3A_563 : memref<10240xf32, #tpu.memory_space<vmem_shared>>) offsets(%dma_start3A_561 : memref<96xi32, #tpu.memory_space<vmem>>) semaphore(%arg8 : memref<!tpu.dma_semaphore, #tpu.memory_space<semaphore_mem>>) {add = true}
    %dma_start3A_564 = arith.constant 48 : i32
    %dma_start3A_565 = arith.constant 0 : i32
    %dma_start3A_566 = tpu.memref_slice %arg4[%dma_start3A_564, %dma_start3A_565] : memref<54x96xi32, #tpu.memory_space<vmem>> -> memref<1x96xi32, #tpu.memory_space<vmem>>
    %dma_start3A_567 = tpu.memref_squeeze %dma_start3A_566 : memref<1x96xi32, #tpu.memory_space<vmem>> -> memref<96xi32, #tpu.memory_space<vmem>>
    %dma_start3A_568 = arith.constant 0 : i32
    %dma_start3A_569 = tpu.memref_slice %arg7[%dma_start3A_568] : memref<10240xf32, #tpu.memory_space<vmem_shared>> -> memref<10240xf32, #tpu.memory_space<vmem_shared>>
    tpu.enqueue_indirect_dma source(%arg5 : memref<96xf32, #tpu.memory_space<vmem>>) target(%dma_start3A_569 : memref<10240xf32, #tpu.memory_space<vmem_shared>>) offsets(%dma_start3A_567 : memref<96xi32, #tpu.memory_space<vmem>>) semaphore(%arg8 : memref<!tpu.dma_semaphore, #tpu.memory_space<semaphore_mem>>) {add = true}
    %dma_start3A_570 = arith.constant 49 : i32
    %dma_start3A_571 = arith.constant 0 : i32
    %dma_start3A_572 = tpu.memref_slice %arg4[%dma_start3A_570, %dma_start3A_571] : memref<54x96xi32, #tpu.memory_space<vmem>> -> memref<1x96xi32, #tpu.memory_space<vmem>>
    %dma_start3A_573 = tpu.memref_squeeze %dma_start3A_572 : memref<1x96xi32, #tpu.memory_space<vmem>> -> memref<96xi32, #tpu.memory_space<vmem>>
    %dma_start3A_574 = arith.constant 0 : i32
    %dma_start3A_575 = tpu.memref_slice %arg7[%dma_start3A_574] : memref<10240xf32, #tpu.memory_space<vmem_shared>> -> memref<10240xf32, #tpu.memory_space<vmem_shared>>
    tpu.enqueue_indirect_dma source(%arg5 : memref<96xf32, #tpu.memory_space<vmem>>) target(%dma_start3A_575 : memref<10240xf32, #tpu.memory_space<vmem_shared>>) offsets(%dma_start3A_573 : memref<96xi32, #tpu.memory_space<vmem>>) semaphore(%arg8 : memref<!tpu.dma_semaphore, #tpu.memory_space<semaphore_mem>>) {add = true}
    %dma_start3A_576 = arith.constant 50 : i32
    %dma_start3A_577 = arith.constant 0 : i32
    %dma_start3A_578 = tpu.memref_slice %arg4[%dma_start3A_576, %dma_start3A_577] : memref<54x96xi32, #tpu.memory_space<vmem>> -> memref<1x96xi32, #tpu.memory_space<vmem>>
    %dma_start3A_579 = tpu.memref_squeeze %dma_start3A_578 : memref<1x96xi32, #tpu.memory_space<vmem>> -> memref<96xi32, #tpu.memory_space<vmem>>
    %dma_start3A_580 = arith.constant 0 : i32
    %dma_start3A_581 = tpu.memref_slice %arg7[%dma_start3A_580] : memref<10240xf32, #tpu.memory_space<vmem_shared>> -> memref<10240xf32, #tpu.memory_space<vmem_shared>>
    tpu.enqueue_indirect_dma source(%arg5 : memref<96xf32, #tpu.memory_space<vmem>>) target(%dma_start3A_581 : memref<10240xf32, #tpu.memory_space<vmem_shared>>) offsets(%dma_start3A_579 : memref<96xi32, #tpu.memory_space<vmem>>) semaphore(%arg8 : memref<!tpu.dma_semaphore, #tpu.memory_space<semaphore_mem>>) {add = true}
    %dma_start3A_582 = arith.constant 51 : i32
    %dma_start3A_583 = arith.constant 0 : i32
    %dma_start3A_584 = tpu.memref_slice %arg4[%dma_start3A_582, %dma_start3A_583] : memref<54x96xi32, #tpu.memory_space<vmem>> -> memref<1x96xi32, #tpu.memory_space<vmem>>
    %dma_start3A_585 = tpu.memref_squeeze %dma_start3A_584 : memref<1x96xi32, #tpu.memory_space<vmem>> -> memref<96xi32, #tpu.memory_space<vmem>>
    %dma_start3A_586 = arith.constant 0 : i32
    %dma_start3A_587 = tpu.memref_slice %arg7[%dma_start3A_586] : memref<10240xf32, #tpu.memory_space<vmem_shared>> -> memref<10240xf32, #tpu.memory_space<vmem_shared>>
    tpu.enqueue_indirect_dma source(%arg5 : memref<96xf32, #tpu.memory_space<vmem>>) target(%dma_start3A_587 : memref<10240xf32, #tpu.memory_space<vmem_shared>>) offsets(%dma_start3A_585 : memref<96xi32, #tpu.memory_space<vmem>>) semaphore(%arg8 : memref<!tpu.dma_semaphore, #tpu.memory_space<semaphore_mem>>) {add = true}
    %dma_start3A_588 = arith.constant 52 : i32
    %dma_start3A_589 = arith.constant 0 : i32
    %dma_start3A_590 = tpu.memref_slice %arg4[%dma_start3A_588, %dma_start3A_589] : memref<54x96xi32, #tpu.memory_space<vmem>> -> memref<1x96xi32, #tpu.memory_space<vmem>>
    %dma_start3A_591 = tpu.memref_squeeze %dma_start3A_590 : memref<1x96xi32, #tpu.memory_space<vmem>> -> memref<96xi32, #tpu.memory_space<vmem>>
    %dma_start3A_592 = arith.constant 0 : i32
    %dma_start3A_593 = tpu.memref_slice %arg7[%dma_start3A_592] : memref<10240xf32, #tpu.memory_space<vmem_shared>> -> memref<10240xf32, #tpu.memory_space<vmem_shared>>
    tpu.enqueue_indirect_dma source(%arg5 : memref<96xf32, #tpu.memory_space<vmem>>) target(%dma_start3A_593 : memref<10240xf32, #tpu.memory_space<vmem_shared>>) offsets(%dma_start3A_591 : memref<96xi32, #tpu.memory_space<vmem>>) semaphore(%arg8 : memref<!tpu.dma_semaphore, #tpu.memory_space<semaphore_mem>>) {add = true}
    %dma_start3A_594 = arith.constant 53 : i32
    %dma_start3A_595 = arith.constant 0 : i32
    %dma_start3A_596 = tpu.memref_slice %arg4[%dma_start3A_594, %dma_start3A_595] : memref<54x96xi32, #tpu.memory_space<vmem>> -> memref<1x96xi32, #tpu.memory_space<vmem>>
    %dma_start3A_597 = tpu.memref_squeeze %dma_start3A_596 : memref<1x96xi32, #tpu.memory_space<vmem>> -> memref<96xi32, #tpu.memory_space<vmem>>
    %dma_start3A_598 = arith.constant 0 : i32
    %dma_start3A_599 = tpu.memref_slice %arg7[%dma_start3A_598] : memref<10240xf32, #tpu.memory_space<vmem_shared>> -> memref<10240xf32, #tpu.memory_space<vmem_shared>>
    tpu.enqueue_indirect_dma source(%arg5 : memref<96xf32, #tpu.memory_space<vmem>>) target(%dma_start3A_599 : memref<10240xf32, #tpu.memory_space<vmem_shared>>) offsets(%dma_start3A_597 : memref<96xi32, #tpu.memory_space<vmem>>) semaphore(%arg8 : memref<!tpu.dma_semaphore, #tpu.memory_space<semaphore_mem>>) {add = true}
    %dma_wait3A = arith.constant 0 : i32
    %dma_wait3A_600 = arith.constant 0 : i32
    %dma_wait3A_601 = tpu.memref_slice %arg4[%dma_wait3A, %dma_wait3A_600] : memref<54x96xi32, #tpu.memory_space<vmem>> -> memref<1x96xi32, #tpu.memory_space<vmem>>
    %dma_wait3A_602 = tpu.memref_squeeze %dma_wait3A_601 : memref<1x96xi32, #tpu.memory_space<vmem>> -> memref<96xi32, #tpu.memory_space<vmem>>
    %dma_wait3A_603 = arith.constant 0 : i32
    %dma_wait3A_604 = tpu.memref_slice %arg7[%dma_wait3A_603] : memref<10240xf32, #tpu.memory_space<vmem_shared>> -> memref<10240xf32, #tpu.memory_space<vmem_shared>>
    tpu.wait_indirect_dma semaphore(%arg8 : memref<!tpu.dma_semaphore, #tpu.memory_space<semaphore_mem>>) src(%arg5 : memref<96xf32, #tpu.memory_space<vmem>>) dst(%dma_wait3A_604 : memref<10240xf32, #tpu.memory_space<vmem_shared>>)
    %dma_wait3A_605 = arith.constant 1 : i32
    %dma_wait3A_606 = arith.constant 0 : i32
    %dma_wait3A_607 = tpu.memref_slice %arg4[%dma_wait3A_605, %dma_wait3A_606] : memref<54x96xi32, #tpu.memory_space<vmem>> -> memref<1x96xi32, #tpu.memory_space<vmem>>
    %dma_wait3A_608 = tpu.memref_squeeze %dma_wait3A_607 : memref<1x96xi32, #tpu.memory_space<vmem>> -> memref<96xi32, #tpu.memory_space<vmem>>
    %dma_wait3A_609 = arith.constant 0 : i32
    %dma_wait3A_610 = tpu.memref_slice %arg7[%dma_wait3A_609] : memref<10240xf32, #tpu.memory_space<vmem_shared>> -> memref<10240xf32, #tpu.memory_space<vmem_shared>>
    tpu.wait_indirect_dma semaphore(%arg8 : memref<!tpu.dma_semaphore, #tpu.memory_space<semaphore_mem>>) src(%arg5 : memref<96xf32, #tpu.memory_space<vmem>>) dst(%dma_wait3A_610 : memref<10240xf32, #tpu.memory_space<vmem_shared>>)
    %dma_wait3A_611 = arith.constant 2 : i32
    %dma_wait3A_612 = arith.constant 0 : i32
    %dma_wait3A_613 = tpu.memref_slice %arg4[%dma_wait3A_611, %dma_wait3A_612] : memref<54x96xi32, #tpu.memory_space<vmem>> -> memref<1x96xi32, #tpu.memory_space<vmem>>
    %dma_wait3A_614 = tpu.memref_squeeze %dma_wait3A_613 : memref<1x96xi32, #tpu.memory_space<vmem>> -> memref<96xi32, #tpu.memory_space<vmem>>
    %dma_wait3A_615 = arith.constant 0 : i32
    %dma_wait3A_616 = tpu.memref_slice %arg7[%dma_wait3A_615] : memref<10240xf32, #tpu.memory_space<vmem_shared>> -> memref<10240xf32, #tpu.memory_space<vmem_shared>>
    tpu.wait_indirect_dma semaphore(%arg8 : memref<!tpu.dma_semaphore, #tpu.memory_space<semaphore_mem>>) src(%arg5 : memref<96xf32, #tpu.memory_space<vmem>>) dst(%dma_wait3A_616 : memref<10240xf32, #tpu.memory_space<vmem_shared>>)
    %dma_wait3A_617 = arith.constant 3 : i32
    %dma_wait3A_618 = arith.constant 0 : i32
    %dma_wait3A_619 = tpu.memref_slice %arg4[%dma_wait3A_617, %dma_wait3A_618] : memref<54x96xi32, #tpu.memory_space<vmem>> -> memref<1x96xi32, #tpu.memory_space<vmem>>
    %dma_wait3A_620 = tpu.memref_squeeze %dma_wait3A_619 : memref<1x96xi32, #tpu.memory_space<vmem>> -> memref<96xi32, #tpu.memory_space<vmem>>
    %dma_wait3A_621 = arith.constant 0 : i32
    %dma_wait3A_622 = tpu.memref_slice %arg7[%dma_wait3A_621] : memref<10240xf32, #tpu.memory_space<vmem_shared>> -> memref<10240xf32, #tpu.memory_space<vmem_shared>>
    tpu.wait_indirect_dma semaphore(%arg8 : memref<!tpu.dma_semaphore, #tpu.memory_space<semaphore_mem>>) src(%arg5 : memref<96xf32, #tpu.memory_space<vmem>>) dst(%dma_wait3A_622 : memref<10240xf32, #tpu.memory_space<vmem_shared>>)
    %dma_wait3A_623 = arith.constant 4 : i32
    %dma_wait3A_624 = arith.constant 0 : i32
    %dma_wait3A_625 = tpu.memref_slice %arg4[%dma_wait3A_623, %dma_wait3A_624] : memref<54x96xi32, #tpu.memory_space<vmem>> -> memref<1x96xi32, #tpu.memory_space<vmem>>
    %dma_wait3A_626 = tpu.memref_squeeze %dma_wait3A_625 : memref<1x96xi32, #tpu.memory_space<vmem>> -> memref<96xi32, #tpu.memory_space<vmem>>
    %dma_wait3A_627 = arith.constant 0 : i32
    %dma_wait3A_628 = tpu.memref_slice %arg7[%dma_wait3A_627] : memref<10240xf32, #tpu.memory_space<vmem_shared>> -> memref<10240xf32, #tpu.memory_space<vmem_shared>>
    tpu.wait_indirect_dma semaphore(%arg8 : memref<!tpu.dma_semaphore, #tpu.memory_space<semaphore_mem>>) src(%arg5 : memref<96xf32, #tpu.memory_space<vmem>>) dst(%dma_wait3A_628 : memref<10240xf32, #tpu.memory_space<vmem_shared>>)
    %dma_wait3A_629 = arith.constant 5 : i32
    %dma_wait3A_630 = arith.constant 0 : i32
    %dma_wait3A_631 = tpu.memref_slice %arg4[%dma_wait3A_629, %dma_wait3A_630] : memref<54x96xi32, #tpu.memory_space<vmem>> -> memref<1x96xi32, #tpu.memory_space<vmem>>
    %dma_wait3A_632 = tpu.memref_squeeze %dma_wait3A_631 : memref<1x96xi32, #tpu.memory_space<vmem>> -> memref<96xi32, #tpu.memory_space<vmem>>
    %dma_wait3A_633 = arith.constant 0 : i32
    %dma_wait3A_634 = tpu.memref_slice %arg7[%dma_wait3A_633] : memref<10240xf32, #tpu.memory_space<vmem_shared>> -> memref<10240xf32, #tpu.memory_space<vmem_shared>>
    tpu.wait_indirect_dma semaphore(%arg8 : memref<!tpu.dma_semaphore, #tpu.memory_space<semaphore_mem>>) src(%arg5 : memref<96xf32, #tpu.memory_space<vmem>>) dst(%dma_wait3A_634 : memref<10240xf32, #tpu.memory_space<vmem_shared>>)
    %dma_wait3A_635 = arith.constant 6 : i32
    %dma_wait3A_636 = arith.constant 0 : i32
    %dma_wait3A_637 = tpu.memref_slice %arg4[%dma_wait3A_635, %dma_wait3A_636] : memref<54x96xi32, #tpu.memory_space<vmem>> -> memref<1x96xi32, #tpu.memory_space<vmem>>
    %dma_wait3A_638 = tpu.memref_squeeze %dma_wait3A_637 : memref<1x96xi32, #tpu.memory_space<vmem>> -> memref<96xi32, #tpu.memory_space<vmem>>
    %dma_wait3A_639 = arith.constant 0 : i32
    %dma_wait3A_640 = tpu.memref_slice %arg7[%dma_wait3A_639] : memref<10240xf32, #tpu.memory_space<vmem_shared>> -> memref<10240xf32, #tpu.memory_space<vmem_shared>>
    tpu.wait_indirect_dma semaphore(%arg8 : memref<!tpu.dma_semaphore, #tpu.memory_space<semaphore_mem>>) src(%arg5 : memref<96xf32, #tpu.memory_space<vmem>>) dst(%dma_wait3A_640 : memref<10240xf32, #tpu.memory_space<vmem_shared>>)
    %dma_wait3A_641 = arith.constant 7 : i32
    %dma_wait3A_642 = arith.constant 0 : i32
    %dma_wait3A_643 = tpu.memref_slice %arg4[%dma_wait3A_641, %dma_wait3A_642] : memref<54x96xi32, #tpu.memory_space<vmem>> -> memref<1x96xi32, #tpu.memory_space<vmem>>
    %dma_wait3A_644 = tpu.memref_squeeze %dma_wait3A_643 : memref<1x96xi32, #tpu.memory_space<vmem>> -> memref<96xi32, #tpu.memory_space<vmem>>
    %dma_wait3A_645 = arith.constant 0 : i32
    %dma_wait3A_646 = tpu.memref_slice %arg7[%dma_wait3A_645] : memref<10240xf32, #tpu.memory_space<vmem_shared>> -> memref<10240xf32, #tpu.memory_space<vmem_shared>>
    tpu.wait_indirect_dma semaphore(%arg8 : memref<!tpu.dma_semaphore, #tpu.memory_space<semaphore_mem>>) src(%arg5 : memref<96xf32, #tpu.memory_space<vmem>>) dst(%dma_wait3A_646 : memref<10240xf32, #tpu.memory_space<vmem_shared>>)
    %dma_wait3A_647 = arith.constant 8 : i32
    %dma_wait3A_648 = arith.constant 0 : i32
    %dma_wait3A_649 = tpu.memref_slice %arg4[%dma_wait3A_647, %dma_wait3A_648] : memref<54x96xi32, #tpu.memory_space<vmem>> -> memref<1x96xi32, #tpu.memory_space<vmem>>
    %dma_wait3A_650 = tpu.memref_squeeze %dma_wait3A_649 : memref<1x96xi32, #tpu.memory_space<vmem>> -> memref<96xi32, #tpu.memory_space<vmem>>
    %dma_wait3A_651 = arith.constant 0 : i32
    %dma_wait3A_652 = tpu.memref_slice %arg7[%dma_wait3A_651] : memref<10240xf32, #tpu.memory_space<vmem_shared>> -> memref<10240xf32, #tpu.memory_space<vmem_shared>>
    tpu.wait_indirect_dma semaphore(%arg8 : memref<!tpu.dma_semaphore, #tpu.memory_space<semaphore_mem>>) src(%arg5 : memref<96xf32, #tpu.memory_space<vmem>>) dst(%dma_wait3A_652 : memref<10240xf32, #tpu.memory_space<vmem_shared>>)
    %dma_wait3A_653 = arith.constant 9 : i32
    %dma_wait3A_654 = arith.constant 0 : i32
    %dma_wait3A_655 = tpu.memref_slice %arg4[%dma_wait3A_653, %dma_wait3A_654] : memref<54x96xi32, #tpu.memory_space<vmem>> -> memref<1x96xi32, #tpu.memory_space<vmem>>
    %dma_wait3A_656 = tpu.memref_squeeze %dma_wait3A_655 : memref<1x96xi32, #tpu.memory_space<vmem>> -> memref<96xi32, #tpu.memory_space<vmem>>
    %dma_wait3A_657 = arith.constant 0 : i32
    %dma_wait3A_658 = tpu.memref_slice %arg7[%dma_wait3A_657] : memref<10240xf32, #tpu.memory_space<vmem_shared>> -> memref<10240xf32, #tpu.memory_space<vmem_shared>>
    tpu.wait_indirect_dma semaphore(%arg8 : memref<!tpu.dma_semaphore, #tpu.memory_space<semaphore_mem>>) src(%arg5 : memref<96xf32, #tpu.memory_space<vmem>>) dst(%dma_wait3A_658 : memref<10240xf32, #tpu.memory_space<vmem_shared>>)
    %dma_wait3A_659 = arith.constant 10 : i32
    %dma_wait3A_660 = arith.constant 0 : i32
    %dma_wait3A_661 = tpu.memref_slice %arg4[%dma_wait3A_659, %dma_wait3A_660] : memref<54x96xi32, #tpu.memory_space<vmem>> -> memref<1x96xi32, #tpu.memory_space<vmem>>
    %dma_wait3A_662 = tpu.memref_squeeze %dma_wait3A_661 : memref<1x96xi32, #tpu.memory_space<vmem>> -> memref<96xi32, #tpu.memory_space<vmem>>
    %dma_wait3A_663 = arith.constant 0 : i32
    %dma_wait3A_664 = tpu.memref_slice %arg7[%dma_wait3A_663] : memref<10240xf32, #tpu.memory_space<vmem_shared>> -> memref<10240xf32, #tpu.memory_space<vmem_shared>>
    tpu.wait_indirect_dma semaphore(%arg8 : memref<!tpu.dma_semaphore, #tpu.memory_space<semaphore_mem>>) src(%arg5 : memref<96xf32, #tpu.memory_space<vmem>>) dst(%dma_wait3A_664 : memref<10240xf32, #tpu.memory_space<vmem_shared>>)
    %dma_wait3A_665 = arith.constant 11 : i32
    %dma_wait3A_666 = arith.constant 0 : i32
    %dma_wait3A_667 = tpu.memref_slice %arg4[%dma_wait3A_665, %dma_wait3A_666] : memref<54x96xi32, #tpu.memory_space<vmem>> -> memref<1x96xi32, #tpu.memory_space<vmem>>
    %dma_wait3A_668 = tpu.memref_squeeze %dma_wait3A_667 : memref<1x96xi32, #tpu.memory_space<vmem>> -> memref<96xi32, #tpu.memory_space<vmem>>
    %dma_wait3A_669 = arith.constant 0 : i32
    %dma_wait3A_670 = tpu.memref_slice %arg7[%dma_wait3A_669] : memref<10240xf32, #tpu.memory_space<vmem_shared>> -> memref<10240xf32, #tpu.memory_space<vmem_shared>>
    tpu.wait_indirect_dma semaphore(%arg8 : memref<!tpu.dma_semaphore, #tpu.memory_space<semaphore_mem>>) src(%arg5 : memref<96xf32, #tpu.memory_space<vmem>>) dst(%dma_wait3A_670 : memref<10240xf32, #tpu.memory_space<vmem_shared>>)
    %dma_wait3A_671 = arith.constant 12 : i32
    %dma_wait3A_672 = arith.constant 0 : i32
    %dma_wait3A_673 = tpu.memref_slice %arg4[%dma_wait3A_671, %dma_wait3A_672] : memref<54x96xi32, #tpu.memory_space<vmem>> -> memref<1x96xi32, #tpu.memory_space<vmem>>
    %dma_wait3A_674 = tpu.memref_squeeze %dma_wait3A_673 : memref<1x96xi32, #tpu.memory_space<vmem>> -> memref<96xi32, #tpu.memory_space<vmem>>
    %dma_wait3A_675 = arith.constant 0 : i32
    %dma_wait3A_676 = tpu.memref_slice %arg7[%dma_wait3A_675] : memref<10240xf32, #tpu.memory_space<vmem_shared>> -> memref<10240xf32, #tpu.memory_space<vmem_shared>>
    tpu.wait_indirect_dma semaphore(%arg8 : memref<!tpu.dma_semaphore, #tpu.memory_space<semaphore_mem>>) src(%arg5 : memref<96xf32, #tpu.memory_space<vmem>>) dst(%dma_wait3A_676 : memref<10240xf32, #tpu.memory_space<vmem_shared>>)
    %dma_wait3A_677 = arith.constant 13 : i32
    %dma_wait3A_678 = arith.constant 0 : i32
    %dma_wait3A_679 = tpu.memref_slice %arg4[%dma_wait3A_677, %dma_wait3A_678] : memref<54x96xi32, #tpu.memory_space<vmem>> -> memref<1x96xi32, #tpu.memory_space<vmem>>
    %dma_wait3A_680 = tpu.memref_squeeze %dma_wait3A_679 : memref<1x96xi32, #tpu.memory_space<vmem>> -> memref<96xi32, #tpu.memory_space<vmem>>
    %dma_wait3A_681 = arith.constant 0 : i32
    %dma_wait3A_682 = tpu.memref_slice %arg7[%dma_wait3A_681] : memref<10240xf32, #tpu.memory_space<vmem_shared>> -> memref<10240xf32, #tpu.memory_space<vmem_shared>>
    tpu.wait_indirect_dma semaphore(%arg8 : memref<!tpu.dma_semaphore, #tpu.memory_space<semaphore_mem>>) src(%arg5 : memref<96xf32, #tpu.memory_space<vmem>>) dst(%dma_wait3A_682 : memref<10240xf32, #tpu.memory_space<vmem_shared>>)
    %dma_wait3A_683 = arith.constant 14 : i32
    %dma_wait3A_684 = arith.constant 0 : i32
    %dma_wait3A_685 = tpu.memref_slice %arg4[%dma_wait3A_683, %dma_wait3A_684] : memref<54x96xi32, #tpu.memory_space<vmem>> -> memref<1x96xi32, #tpu.memory_space<vmem>>
    %dma_wait3A_686 = tpu.memref_squeeze %dma_wait3A_685 : memref<1x96xi32, #tpu.memory_space<vmem>> -> memref<96xi32, #tpu.memory_space<vmem>>
    %dma_wait3A_687 = arith.constant 0 : i32
    %dma_wait3A_688 = tpu.memref_slice %arg7[%dma_wait3A_687] : memref<10240xf32, #tpu.memory_space<vmem_shared>> -> memref<10240xf32, #tpu.memory_space<vmem_shared>>
    tpu.wait_indirect_dma semaphore(%arg8 : memref<!tpu.dma_semaphore, #tpu.memory_space<semaphore_mem>>) src(%arg5 : memref<96xf32, #tpu.memory_space<vmem>>) dst(%dma_wait3A_688 : memref<10240xf32, #tpu.memory_space<vmem_shared>>)
    %dma_wait3A_689 = arith.constant 15 : i32
    %dma_wait3A_690 = arith.constant 0 : i32
    %dma_wait3A_691 = tpu.memref_slice %arg4[%dma_wait3A_689, %dma_wait3A_690] : memref<54x96xi32, #tpu.memory_space<vmem>> -> memref<1x96xi32, #tpu.memory_space<vmem>>
    %dma_wait3A_692 = tpu.memref_squeeze %dma_wait3A_691 : memref<1x96xi32, #tpu.memory_space<vmem>> -> memref<96xi32, #tpu.memory_space<vmem>>
    %dma_wait3A_693 = arith.constant 0 : i32
    %dma_wait3A_694 = tpu.memref_slice %arg7[%dma_wait3A_693] : memref<10240xf32, #tpu.memory_space<vmem_shared>> -> memref<10240xf32, #tpu.memory_space<vmem_shared>>
    tpu.wait_indirect_dma semaphore(%arg8 : memref<!tpu.dma_semaphore, #tpu.memory_space<semaphore_mem>>) src(%arg5 : memref<96xf32, #tpu.memory_space<vmem>>) dst(%dma_wait3A_694 : memref<10240xf32, #tpu.memory_space<vmem_shared>>)
    %dma_wait3A_695 = arith.constant 16 : i32
    %dma_wait3A_696 = arith.constant 0 : i32
    %dma_wait3A_697 = tpu.memref_slice %arg4[%dma_wait3A_695, %dma_wait3A_696] : memref<54x96xi32, #tpu.memory_space<vmem>> -> memref<1x96xi32, #tpu.memory_space<vmem>>
    %dma_wait3A_698 = tpu.memref_squeeze %dma_wait3A_697 : memref<1x96xi32, #tpu.memory_space<vmem>> -> memref<96xi32, #tpu.memory_space<vmem>>
    %dma_wait3A_699 = arith.constant 0 : i32
    %dma_wait3A_700 = tpu.memref_slice %arg7[%dma_wait3A_699] : memref<10240xf32, #tpu.memory_space<vmem_shared>> -> memref<10240xf32, #tpu.memory_space<vmem_shared>>
    tpu.wait_indirect_dma semaphore(%arg8 : memref<!tpu.dma_semaphore, #tpu.memory_space<semaphore_mem>>) src(%arg5 : memref<96xf32, #tpu.memory_space<vmem>>) dst(%dma_wait3A_700 : memref<10240xf32, #tpu.memory_space<vmem_shared>>)
    %dma_wait3A_701 = arith.constant 17 : i32
    %dma_wait3A_702 = arith.constant 0 : i32
    %dma_wait3A_703 = tpu.memref_slice %arg4[%dma_wait3A_701, %dma_wait3A_702] : memref<54x96xi32, #tpu.memory_space<vmem>> -> memref<1x96xi32, #tpu.memory_space<vmem>>
    %dma_wait3A_704 = tpu.memref_squeeze %dma_wait3A_703 : memref<1x96xi32, #tpu.memory_space<vmem>> -> memref<96xi32, #tpu.memory_space<vmem>>
    %dma_wait3A_705 = arith.constant 0 : i32
    %dma_wait3A_706 = tpu.memref_slice %arg7[%dma_wait3A_705] : memref<10240xf32, #tpu.memory_space<vmem_shared>> -> memref<10240xf32, #tpu.memory_space<vmem_shared>>
    tpu.wait_indirect_dma semaphore(%arg8 : memref<!tpu.dma_semaphore, #tpu.memory_space<semaphore_mem>>) src(%arg5 : memref<96xf32, #tpu.memory_space<vmem>>) dst(%dma_wait3A_706 : memref<10240xf32, #tpu.memory_space<vmem_shared>>)
    %dma_wait3A_707 = arith.constant 18 : i32
    %dma_wait3A_708 = arith.constant 0 : i32
    %dma_wait3A_709 = tpu.memref_slice %arg4[%dma_wait3A_707, %dma_wait3A_708] : memref<54x96xi32, #tpu.memory_space<vmem>> -> memref<1x96xi32, #tpu.memory_space<vmem>>
    %dma_wait3A_710 = tpu.memref_squeeze %dma_wait3A_709 : memref<1x96xi32, #tpu.memory_space<vmem>> -> memref<96xi32, #tpu.memory_space<vmem>>
    %dma_wait3A_711 = arith.constant 0 : i32
    %dma_wait3A_712 = tpu.memref_slice %arg7[%dma_wait3A_711] : memref<10240xf32, #tpu.memory_space<vmem_shared>> -> memref<10240xf32, #tpu.memory_space<vmem_shared>>
    tpu.wait_indirect_dma semaphore(%arg8 : memref<!tpu.dma_semaphore, #tpu.memory_space<semaphore_mem>>) src(%arg5 : memref<96xf32, #tpu.memory_space<vmem>>) dst(%dma_wait3A_712 : memref<10240xf32, #tpu.memory_space<vmem_shared>>)
    %dma_wait3A_713 = arith.constant 19 : i32
    %dma_wait3A_714 = arith.constant 0 : i32
    %dma_wait3A_715 = tpu.memref_slice %arg4[%dma_wait3A_713, %dma_wait3A_714] : memref<54x96xi32, #tpu.memory_space<vmem>> -> memref<1x96xi32, #tpu.memory_space<vmem>>
    %dma_wait3A_716 = tpu.memref_squeeze %dma_wait3A_715 : memref<1x96xi32, #tpu.memory_space<vmem>> -> memref<96xi32, #tpu.memory_space<vmem>>
    %dma_wait3A_717 = arith.constant 0 : i32
    %dma_wait3A_718 = tpu.memref_slice %arg7[%dma_wait3A_717] : memref<10240xf32, #tpu.memory_space<vmem_shared>> -> memref<10240xf32, #tpu.memory_space<vmem_shared>>
    tpu.wait_indirect_dma semaphore(%arg8 : memref<!tpu.dma_semaphore, #tpu.memory_space<semaphore_mem>>) src(%arg5 : memref<96xf32, #tpu.memory_space<vmem>>) dst(%dma_wait3A_718 : memref<10240xf32, #tpu.memory_space<vmem_shared>>)
    %dma_wait3A_719 = arith.constant 20 : i32
    %dma_wait3A_720 = arith.constant 0 : i32
    %dma_wait3A_721 = tpu.memref_slice %arg4[%dma_wait3A_719, %dma_wait3A_720] : memref<54x96xi32, #tpu.memory_space<vmem>> -> memref<1x96xi32, #tpu.memory_space<vmem>>
    %dma_wait3A_722 = tpu.memref_squeeze %dma_wait3A_721 : memref<1x96xi32, #tpu.memory_space<vmem>> -> memref<96xi32, #tpu.memory_space<vmem>>
    %dma_wait3A_723 = arith.constant 0 : i32
    %dma_wait3A_724 = tpu.memref_slice %arg7[%dma_wait3A_723] : memref<10240xf32, #tpu.memory_space<vmem_shared>> -> memref<10240xf32, #tpu.memory_space<vmem_shared>>
    tpu.wait_indirect_dma semaphore(%arg8 : memref<!tpu.dma_semaphore, #tpu.memory_space<semaphore_mem>>) src(%arg5 : memref<96xf32, #tpu.memory_space<vmem>>) dst(%dma_wait3A_724 : memref<10240xf32, #tpu.memory_space<vmem_shared>>)
    %dma_wait3A_725 = arith.constant 21 : i32
    %dma_wait3A_726 = arith.constant 0 : i32
    %dma_wait3A_727 = tpu.memref_slice %arg4[%dma_wait3A_725, %dma_wait3A_726] : memref<54x96xi32, #tpu.memory_space<vmem>> -> memref<1x96xi32, #tpu.memory_space<vmem>>
    %dma_wait3A_728 = tpu.memref_squeeze %dma_wait3A_727 : memref<1x96xi32, #tpu.memory_space<vmem>> -> memref<96xi32, #tpu.memory_space<vmem>>
    %dma_wait3A_729 = arith.constant 0 : i32
    %dma_wait3A_730 = tpu.memref_slice %arg7[%dma_wait3A_729] : memref<10240xf32, #tpu.memory_space<vmem_shared>> -> memref<10240xf32, #tpu.memory_space<vmem_shared>>
    tpu.wait_indirect_dma semaphore(%arg8 : memref<!tpu.dma_semaphore, #tpu.memory_space<semaphore_mem>>) src(%arg5 : memref<96xf32, #tpu.memory_space<vmem>>) dst(%dma_wait3A_730 : memref<10240xf32, #tpu.memory_space<vmem_shared>>)
    %dma_wait3A_731 = arith.constant 22 : i32
    %dma_wait3A_732 = arith.constant 0 : i32
    %dma_wait3A_733 = tpu.memref_slice %arg4[%dma_wait3A_731, %dma_wait3A_732] : memref<54x96xi32, #tpu.memory_space<vmem>> -> memref<1x96xi32, #tpu.memory_space<vmem>>
    %dma_wait3A_734 = tpu.memref_squeeze %dma_wait3A_733 : memref<1x96xi32, #tpu.memory_space<vmem>> -> memref<96xi32, #tpu.memory_space<vmem>>
    %dma_wait3A_735 = arith.constant 0 : i32
    %dma_wait3A_736 = tpu.memref_slice %arg7[%dma_wait3A_735] : memref<10240xf32, #tpu.memory_space<vmem_shared>> -> memref<10240xf32, #tpu.memory_space<vmem_shared>>
    tpu.wait_indirect_dma semaphore(%arg8 : memref<!tpu.dma_semaphore, #tpu.memory_space<semaphore_mem>>) src(%arg5 : memref<96xf32, #tpu.memory_space<vmem>>) dst(%dma_wait3A_736 : memref<10240xf32, #tpu.memory_space<vmem_shared>>)
    %dma_wait3A_737 = arith.constant 23 : i32
    %dma_wait3A_738 = arith.constant 0 : i32
    %dma_wait3A_739 = tpu.memref_slice %arg4[%dma_wait3A_737, %dma_wait3A_738] : memref<54x96xi32, #tpu.memory_space<vmem>> -> memref<1x96xi32, #tpu.memory_space<vmem>>
    %dma_wait3A_740 = tpu.memref_squeeze %dma_wait3A_739 : memref<1x96xi32, #tpu.memory_space<vmem>> -> memref<96xi32, #tpu.memory_space<vmem>>
    %dma_wait3A_741 = arith.constant 0 : i32
    %dma_wait3A_742 = tpu.memref_slice %arg7[%dma_wait3A_741] : memref<10240xf32, #tpu.memory_space<vmem_shared>> -> memref<10240xf32, #tpu.memory_space<vmem_shared>>
    tpu.wait_indirect_dma semaphore(%arg8 : memref<!tpu.dma_semaphore, #tpu.memory_space<semaphore_mem>>) src(%arg5 : memref<96xf32, #tpu.memory_space<vmem>>) dst(%dma_wait3A_742 : memref<10240xf32, #tpu.memory_space<vmem_shared>>)
    %dma_wait3A_743 = arith.constant 24 : i32
    %dma_wait3A_744 = arith.constant 0 : i32
    %dma_wait3A_745 = tpu.memref_slice %arg4[%dma_wait3A_743, %dma_wait3A_744] : memref<54x96xi32, #tpu.memory_space<vmem>> -> memref<1x96xi32, #tpu.memory_space<vmem>>
    %dma_wait3A_746 = tpu.memref_squeeze %dma_wait3A_745 : memref<1x96xi32, #tpu.memory_space<vmem>> -> memref<96xi32, #tpu.memory_space<vmem>>
    %dma_wait3A_747 = arith.constant 0 : i32
    %dma_wait3A_748 = tpu.memref_slice %arg7[%dma_wait3A_747] : memref<10240xf32, #tpu.memory_space<vmem_shared>> -> memref<10240xf32, #tpu.memory_space<vmem_shared>>
    tpu.wait_indirect_dma semaphore(%arg8 : memref<!tpu.dma_semaphore, #tpu.memory_space<semaphore_mem>>) src(%arg5 : memref<96xf32, #tpu.memory_space<vmem>>) dst(%dma_wait3A_748 : memref<10240xf32, #tpu.memory_space<vmem_shared>>)
    %dma_wait3A_749 = arith.constant 25 : i32
    %dma_wait3A_750 = arith.constant 0 : i32
    %dma_wait3A_751 = tpu.memref_slice %arg4[%dma_wait3A_749, %dma_wait3A_750] : memref<54x96xi32, #tpu.memory_space<vmem>> -> memref<1x96xi32, #tpu.memory_space<vmem>>
    %dma_wait3A_752 = tpu.memref_squeeze %dma_wait3A_751 : memref<1x96xi32, #tpu.memory_space<vmem>> -> memref<96xi32, #tpu.memory_space<vmem>>
    %dma_wait3A_753 = arith.constant 0 : i32
    %dma_wait3A_754 = tpu.memref_slice %arg7[%dma_wait3A_753] : memref<10240xf32, #tpu.memory_space<vmem_shared>> -> memref<10240xf32, #tpu.memory_space<vmem_shared>>
    tpu.wait_indirect_dma semaphore(%arg8 : memref<!tpu.dma_semaphore, #tpu.memory_space<semaphore_mem>>) src(%arg5 : memref<96xf32, #tpu.memory_space<vmem>>) dst(%dma_wait3A_754 : memref<10240xf32, #tpu.memory_space<vmem_shared>>)
    %dma_wait3A_755 = arith.constant 26 : i32
    %dma_wait3A_756 = arith.constant 0 : i32
    %dma_wait3A_757 = tpu.memref_slice %arg4[%dma_wait3A_755, %dma_wait3A_756] : memref<54x96xi32, #tpu.memory_space<vmem>> -> memref<1x96xi32, #tpu.memory_space<vmem>>
    %dma_wait3A_758 = tpu.memref_squeeze %dma_wait3A_757 : memref<1x96xi32, #tpu.memory_space<vmem>> -> memref<96xi32, #tpu.memory_space<vmem>>
    %dma_wait3A_759 = arith.constant 0 : i32
    %dma_wait3A_760 = tpu.memref_slice %arg7[%dma_wait3A_759] : memref<10240xf32, #tpu.memory_space<vmem_shared>> -> memref<10240xf32, #tpu.memory_space<vmem_shared>>
    tpu.wait_indirect_dma semaphore(%arg8 : memref<!tpu.dma_semaphore, #tpu.memory_space<semaphore_mem>>) src(%arg5 : memref<96xf32, #tpu.memory_space<vmem>>) dst(%dma_wait3A_760 : memref<10240xf32, #tpu.memory_space<vmem_shared>>)
    %dma_wait3A_761 = arith.constant 27 : i32
    %dma_wait3A_762 = arith.constant 0 : i32
    %dma_wait3A_763 = tpu.memref_slice %arg4[%dma_wait3A_761, %dma_wait3A_762] : memref<54x96xi32, #tpu.memory_space<vmem>> -> memref<1x96xi32, #tpu.memory_space<vmem>>
    %dma_wait3A_764 = tpu.memref_squeeze %dma_wait3A_763 : memref<1x96xi32, #tpu.memory_space<vmem>> -> memref<96xi32, #tpu.memory_space<vmem>>
    %dma_wait3A_765 = arith.constant 0 : i32
    %dma_wait3A_766 = tpu.memref_slice %arg7[%dma_wait3A_765] : memref<10240xf32, #tpu.memory_space<vmem_shared>> -> memref<10240xf32, #tpu.memory_space<vmem_shared>>
    tpu.wait_indirect_dma semaphore(%arg8 : memref<!tpu.dma_semaphore, #tpu.memory_space<semaphore_mem>>) src(%arg5 : memref<96xf32, #tpu.memory_space<vmem>>) dst(%dma_wait3A_766 : memref<10240xf32, #tpu.memory_space<vmem_shared>>)
    %dma_wait3A_767 = arith.constant 28 : i32
    %dma_wait3A_768 = arith.constant 0 : i32
    %dma_wait3A_769 = tpu.memref_slice %arg4[%dma_wait3A_767, %dma_wait3A_768] : memref<54x96xi32, #tpu.memory_space<vmem>> -> memref<1x96xi32, #tpu.memory_space<vmem>>
    %dma_wait3A_770 = tpu.memref_squeeze %dma_wait3A_769 : memref<1x96xi32, #tpu.memory_space<vmem>> -> memref<96xi32, #tpu.memory_space<vmem>>
    %dma_wait3A_771 = arith.constant 0 : i32
    %dma_wait3A_772 = tpu.memref_slice %arg7[%dma_wait3A_771] : memref<10240xf32, #tpu.memory_space<vmem_shared>> -> memref<10240xf32, #tpu.memory_space<vmem_shared>>
    tpu.wait_indirect_dma semaphore(%arg8 : memref<!tpu.dma_semaphore, #tpu.memory_space<semaphore_mem>>) src(%arg5 : memref<96xf32, #tpu.memory_space<vmem>>) dst(%dma_wait3A_772 : memref<10240xf32, #tpu.memory_space<vmem_shared>>)
    %dma_wait3A_773 = arith.constant 29 : i32
    %dma_wait3A_774 = arith.constant 0 : i32
    %dma_wait3A_775 = tpu.memref_slice %arg4[%dma_wait3A_773, %dma_wait3A_774] : memref<54x96xi32, #tpu.memory_space<vmem>> -> memref<1x96xi32, #tpu.memory_space<vmem>>
    %dma_wait3A_776 = tpu.memref_squeeze %dma_wait3A_775 : memref<1x96xi32, #tpu.memory_space<vmem>> -> memref<96xi32, #tpu.memory_space<vmem>>
    %dma_wait3A_777 = arith.constant 0 : i32
    %dma_wait3A_778 = tpu.memref_slice %arg7[%dma_wait3A_777] : memref<10240xf32, #tpu.memory_space<vmem_shared>> -> memref<10240xf32, #tpu.memory_space<vmem_shared>>
    tpu.wait_indirect_dma semaphore(%arg8 : memref<!tpu.dma_semaphore, #tpu.memory_space<semaphore_mem>>) src(%arg5 : memref<96xf32, #tpu.memory_space<vmem>>) dst(%dma_wait3A_778 : memref<10240xf32, #tpu.memory_space<vmem_shared>>)
    %dma_wait3A_779 = arith.constant 30 : i32
    %dma_wait3A_780 = arith.constant 0 : i32
    %dma_wait3A_781 = tpu.memref_slice %arg4[%dma_wait3A_779, %dma_wait3A_780] : memref<54x96xi32, #tpu.memory_space<vmem>> -> memref<1x96xi32, #tpu.memory_space<vmem>>
    %dma_wait3A_782 = tpu.memref_squeeze %dma_wait3A_781 : memref<1x96xi32, #tpu.memory_space<vmem>> -> memref<96xi32, #tpu.memory_space<vmem>>
    %dma_wait3A_783 = arith.constant 0 : i32
    %dma_wait3A_784 = tpu.memref_slice %arg7[%dma_wait3A_783] : memref<10240xf32, #tpu.memory_space<vmem_shared>> -> memref<10240xf32, #tpu.memory_space<vmem_shared>>
    tpu.wait_indirect_dma semaphore(%arg8 : memref<!tpu.dma_semaphore, #tpu.memory_space<semaphore_mem>>) src(%arg5 : memref<96xf32, #tpu.memory_space<vmem>>) dst(%dma_wait3A_784 : memref<10240xf32, #tpu.memory_space<vmem_shared>>)
    %dma_wait3A_785 = arith.constant 31 : i32
    %dma_wait3A_786 = arith.constant 0 : i32
    %dma_wait3A_787 = tpu.memref_slice %arg4[%dma_wait3A_785, %dma_wait3A_786] : memref<54x96xi32, #tpu.memory_space<vmem>> -> memref<1x96xi32, #tpu.memory_space<vmem>>
    %dma_wait3A_788 = tpu.memref_squeeze %dma_wait3A_787 : memref<1x96xi32, #tpu.memory_space<vmem>> -> memref<96xi32, #tpu.memory_space<vmem>>
    %dma_wait3A_789 = arith.constant 0 : i32
    %dma_wait3A_790 = tpu.memref_slice %arg7[%dma_wait3A_789] : memref<10240xf32, #tpu.memory_space<vmem_shared>> -> memref<10240xf32, #tpu.memory_space<vmem_shared>>
    tpu.wait_indirect_dma semaphore(%arg8 : memref<!tpu.dma_semaphore, #tpu.memory_space<semaphore_mem>>) src(%arg5 : memref<96xf32, #tpu.memory_space<vmem>>) dst(%dma_wait3A_790 : memref<10240xf32, #tpu.memory_space<vmem_shared>>)
    %dma_wait3A_791 = arith.constant 32 : i32
    %dma_wait3A_792 = arith.constant 0 : i32
    %dma_wait3A_793 = tpu.memref_slice %arg4[%dma_wait3A_791, %dma_wait3A_792] : memref<54x96xi32, #tpu.memory_space<vmem>> -> memref<1x96xi32, #tpu.memory_space<vmem>>
    %dma_wait3A_794 = tpu.memref_squeeze %dma_wait3A_793 : memref<1x96xi32, #tpu.memory_space<vmem>> -> memref<96xi32, #tpu.memory_space<vmem>>
    %dma_wait3A_795 = arith.constant 0 : i32
    %dma_wait3A_796 = tpu.memref_slice %arg7[%dma_wait3A_795] : memref<10240xf32, #tpu.memory_space<vmem_shared>> -> memref<10240xf32, #tpu.memory_space<vmem_shared>>
    tpu.wait_indirect_dma semaphore(%arg8 : memref<!tpu.dma_semaphore, #tpu.memory_space<semaphore_mem>>) src(%arg5 : memref<96xf32, #tpu.memory_space<vmem>>) dst(%dma_wait3A_796 : memref<10240xf32, #tpu.memory_space<vmem_shared>>)
    %dma_wait3A_797 = arith.constant 33 : i32
    %dma_wait3A_798 = arith.constant 0 : i32
    %dma_wait3A_799 = tpu.memref_slice %arg4[%dma_wait3A_797, %dma_wait3A_798] : memref<54x96xi32, #tpu.memory_space<vmem>> -> memref<1x96xi32, #tpu.memory_space<vmem>>
    %dma_wait3A_800 = tpu.memref_squeeze %dma_wait3A_799 : memref<1x96xi32, #tpu.memory_space<vmem>> -> memref<96xi32, #tpu.memory_space<vmem>>
    %dma_wait3A_801 = arith.constant 0 : i32
    %dma_wait3A_802 = tpu.memref_slice %arg7[%dma_wait3A_801] : memref<10240xf32, #tpu.memory_space<vmem_shared>> -> memref<10240xf32, #tpu.memory_space<vmem_shared>>
    tpu.wait_indirect_dma semaphore(%arg8 : memref<!tpu.dma_semaphore, #tpu.memory_space<semaphore_mem>>) src(%arg5 : memref<96xf32, #tpu.memory_space<vmem>>) dst(%dma_wait3A_802 : memref<10240xf32, #tpu.memory_space<vmem_shared>>)
    %dma_wait3A_803 = arith.constant 34 : i32
    %dma_wait3A_804 = arith.constant 0 : i32
    %dma_wait3A_805 = tpu.memref_slice %arg4[%dma_wait3A_803, %dma_wait3A_804] : memref<54x96xi32, #tpu.memory_space<vmem>> -> memref<1x96xi32, #tpu.memory_space<vmem>>
    %dma_wait3A_806 = tpu.memref_squeeze %dma_wait3A_805 : memref<1x96xi32, #tpu.memory_space<vmem>> -> memref<96xi32, #tpu.memory_space<vmem>>
    %dma_wait3A_807 = arith.constant 0 : i32
    %dma_wait3A_808 = tpu.memref_slice %arg7[%dma_wait3A_807] : memref<10240xf32, #tpu.memory_space<vmem_shared>> -> memref<10240xf32, #tpu.memory_space<vmem_shared>>
    tpu.wait_indirect_dma semaphore(%arg8 : memref<!tpu.dma_semaphore, #tpu.memory_space<semaphore_mem>>) src(%arg5 : memref<96xf32, #tpu.memory_space<vmem>>) dst(%dma_wait3A_808 : memref<10240xf32, #tpu.memory_space<vmem_shared>>)
    %dma_wait3A_809 = arith.constant 35 : i32
    %dma_wait3A_810 = arith.constant 0 : i32
    %dma_wait3A_811 = tpu.memref_slice %arg4[%dma_wait3A_809, %dma_wait3A_810] : memref<54x96xi32, #tpu.memory_space<vmem>> -> memref<1x96xi32, #tpu.memory_space<vmem>>
    %dma_wait3A_812 = tpu.memref_squeeze %dma_wait3A_811 : memref<1x96xi32, #tpu.memory_space<vmem>> -> memref<96xi32, #tpu.memory_space<vmem>>
    %dma_wait3A_813 = arith.constant 0 : i32
    %dma_wait3A_814 = tpu.memref_slice %arg7[%dma_wait3A_813] : memref<10240xf32, #tpu.memory_space<vmem_shared>> -> memref<10240xf32, #tpu.memory_space<vmem_shared>>
    tpu.wait_indirect_dma semaphore(%arg8 : memref<!tpu.dma_semaphore, #tpu.memory_space<semaphore_mem>>) src(%arg5 : memref<96xf32, #tpu.memory_space<vmem>>) dst(%dma_wait3A_814 : memref<10240xf32, #tpu.memory_space<vmem_shared>>)
    %dma_wait3A_815 = arith.constant 36 : i32
    %dma_wait3A_816 = arith.constant 0 : i32
    %dma_wait3A_817 = tpu.memref_slice %arg4[%dma_wait3A_815, %dma_wait3A_816] : memref<54x96xi32, #tpu.memory_space<vmem>> -> memref<1x96xi32, #tpu.memory_space<vmem>>
    %dma_wait3A_818 = tpu.memref_squeeze %dma_wait3A_817 : memref<1x96xi32, #tpu.memory_space<vmem>> -> memref<96xi32, #tpu.memory_space<vmem>>
    %dma_wait3A_819 = arith.constant 0 : i32
    %dma_wait3A_820 = tpu.memref_slice %arg7[%dma_wait3A_819] : memref<10240xf32, #tpu.memory_space<vmem_shared>> -> memref<10240xf32, #tpu.memory_space<vmem_shared>>
    tpu.wait_indirect_dma semaphore(%arg8 : memref<!tpu.dma_semaphore, #tpu.memory_space<semaphore_mem>>) src(%arg5 : memref<96xf32, #tpu.memory_space<vmem>>) dst(%dma_wait3A_820 : memref<10240xf32, #tpu.memory_space<vmem_shared>>)
    %dma_wait3A_821 = arith.constant 37 : i32
    %dma_wait3A_822 = arith.constant 0 : i32
    %dma_wait3A_823 = tpu.memref_slice %arg4[%dma_wait3A_821, %dma_wait3A_822] : memref<54x96xi32, #tpu.memory_space<vmem>> -> memref<1x96xi32, #tpu.memory_space<vmem>>
    %dma_wait3A_824 = tpu.memref_squeeze %dma_wait3A_823 : memref<1x96xi32, #tpu.memory_space<vmem>> -> memref<96xi32, #tpu.memory_space<vmem>>
    %dma_wait3A_825 = arith.constant 0 : i32
    %dma_wait3A_826 = tpu.memref_slice %arg7[%dma_wait3A_825] : memref<10240xf32, #tpu.memory_space<vmem_shared>> -> memref<10240xf32, #tpu.memory_space<vmem_shared>>
    tpu.wait_indirect_dma semaphore(%arg8 : memref<!tpu.dma_semaphore, #tpu.memory_space<semaphore_mem>>) src(%arg5 : memref<96xf32, #tpu.memory_space<vmem>>) dst(%dma_wait3A_826 : memref<10240xf32, #tpu.memory_space<vmem_shared>>)
    %dma_wait3A_827 = arith.constant 38 : i32
    %dma_wait3A_828 = arith.constant 0 : i32
    %dma_wait3A_829 = tpu.memref_slice %arg4[%dma_wait3A_827, %dma_wait3A_828] : memref<54x96xi32, #tpu.memory_space<vmem>> -> memref<1x96xi32, #tpu.memory_space<vmem>>
    %dma_wait3A_830 = tpu.memref_squeeze %dma_wait3A_829 : memref<1x96xi32, #tpu.memory_space<vmem>> -> memref<96xi32, #tpu.memory_space<vmem>>
    %dma_wait3A_831 = arith.constant 0 : i32
    %dma_wait3A_832 = tpu.memref_slice %arg7[%dma_wait3A_831] : memref<10240xf32, #tpu.memory_space<vmem_shared>> -> memref<10240xf32, #tpu.memory_space<vmem_shared>>
    tpu.wait_indirect_dma semaphore(%arg8 : memref<!tpu.dma_semaphore, #tpu.memory_space<semaphore_mem>>) src(%arg5 : memref<96xf32, #tpu.memory_space<vmem>>) dst(%dma_wait3A_832 : memref<10240xf32, #tpu.memory_space<vmem_shared>>)
    %dma_wait3A_833 = arith.constant 39 : i32
    %dma_wait3A_834 = arith.constant 0 : i32
    %dma_wait3A_835 = tpu.memref_slice %arg4[%dma_wait3A_833, %dma_wait3A_834] : memref<54x96xi32, #tpu.memory_space<vmem>> -> memref<1x96xi32, #tpu.memory_space<vmem>>
    %dma_wait3A_836 = tpu.memref_squeeze %dma_wait3A_835 : memref<1x96xi32, #tpu.memory_space<vmem>> -> memref<96xi32, #tpu.memory_space<vmem>>
    %dma_wait3A_837 = arith.constant 0 : i32
    %dma_wait3A_838 = tpu.memref_slice %arg7[%dma_wait3A_837] : memref<10240xf32, #tpu.memory_space<vmem_shared>> -> memref<10240xf32, #tpu.memory_space<vmem_shared>>
    tpu.wait_indirect_dma semaphore(%arg8 : memref<!tpu.dma_semaphore, #tpu.memory_space<semaphore_mem>>) src(%arg5 : memref<96xf32, #tpu.memory_space<vmem>>) dst(%dma_wait3A_838 : memref<10240xf32, #tpu.memory_space<vmem_shared>>)
    %dma_wait3A_839 = arith.constant 40 : i32
    %dma_wait3A_840 = arith.constant 0 : i32
    %dma_wait3A_841 = tpu.memref_slice %arg4[%dma_wait3A_839, %dma_wait3A_840] : memref<54x96xi32, #tpu.memory_space<vmem>> -> memref<1x96xi32, #tpu.memory_space<vmem>>
    %dma_wait3A_842 = tpu.memref_squeeze %dma_wait3A_841 : memref<1x96xi32, #tpu.memory_space<vmem>> -> memref<96xi32, #tpu.memory_space<vmem>>
    %dma_wait3A_843 = arith.constant 0 : i32
    %dma_wait3A_844 = tpu.memref_slice %arg7[%dma_wait3A_843] : memref<10240xf32, #tpu.memory_space<vmem_shared>> -> memref<10240xf32, #tpu.memory_space<vmem_shared>>
    tpu.wait_indirect_dma semaphore(%arg8 : memref<!tpu.dma_semaphore, #tpu.memory_space<semaphore_mem>>) src(%arg5 : memref<96xf32, #tpu.memory_space<vmem>>) dst(%dma_wait3A_844 : memref<10240xf32, #tpu.memory_space<vmem_shared>>)
    %dma_wait3A_845 = arith.constant 41 : i32
    %dma_wait3A_846 = arith.constant 0 : i32
    %dma_wait3A_847 = tpu.memref_slice %arg4[%dma_wait3A_845, %dma_wait3A_846] : memref<54x96xi32, #tpu.memory_space<vmem>> -> memref<1x96xi32, #tpu.memory_space<vmem>>
    %dma_wait3A_848 = tpu.memref_squeeze %dma_wait3A_847 : memref<1x96xi32, #tpu.memory_space<vmem>> -> memref<96xi32, #tpu.memory_space<vmem>>
    %dma_wait3A_849 = arith.constant 0 : i32
    %dma_wait3A_850 = tpu.memref_slice %arg7[%dma_wait3A_849] : memref<10240xf32, #tpu.memory_space<vmem_shared>> -> memref<10240xf32, #tpu.memory_space<vmem_shared>>
    tpu.wait_indirect_dma semaphore(%arg8 : memref<!tpu.dma_semaphore, #tpu.memory_space<semaphore_mem>>) src(%arg5 : memref<96xf32, #tpu.memory_space<vmem>>) dst(%dma_wait3A_850 : memref<10240xf32, #tpu.memory_space<vmem_shared>>)
    %dma_wait3A_851 = arith.constant 42 : i32
    %dma_wait3A_852 = arith.constant 0 : i32
    %dma_wait3A_853 = tpu.memref_slice %arg4[%dma_wait3A_851, %dma_wait3A_852] : memref<54x96xi32, #tpu.memory_space<vmem>> -> memref<1x96xi32, #tpu.memory_space<vmem>>
    %dma_wait3A_854 = tpu.memref_squeeze %dma_wait3A_853 : memref<1x96xi32, #tpu.memory_space<vmem>> -> memref<96xi32, #tpu.memory_space<vmem>>
    %dma_wait3A_855 = arith.constant 0 : i32
    %dma_wait3A_856 = tpu.memref_slice %arg7[%dma_wait3A_855] : memref<10240xf32, #tpu.memory_space<vmem_shared>> -> memref<10240xf32, #tpu.memory_space<vmem_shared>>
    tpu.wait_indirect_dma semaphore(%arg8 : memref<!tpu.dma_semaphore, #tpu.memory_space<semaphore_mem>>) src(%arg5 : memref<96xf32, #tpu.memory_space<vmem>>) dst(%dma_wait3A_856 : memref<10240xf32, #tpu.memory_space<vmem_shared>>)
    %dma_wait3A_857 = arith.constant 43 : i32
    %dma_wait3A_858 = arith.constant 0 : i32
    %dma_wait3A_859 = tpu.memref_slice %arg4[%dma_wait3A_857, %dma_wait3A_858] : memref<54x96xi32, #tpu.memory_space<vmem>> -> memref<1x96xi32, #tpu.memory_space<vmem>>
    %dma_wait3A_860 = tpu.memref_squeeze %dma_wait3A_859 : memref<1x96xi32, #tpu.memory_space<vmem>> -> memref<96xi32, #tpu.memory_space<vmem>>
    %dma_wait3A_861 = arith.constant 0 : i32
    %dma_wait3A_862 = tpu.memref_slice %arg7[%dma_wait3A_861] : memref<10240xf32, #tpu.memory_space<vmem_shared>> -> memref<10240xf32, #tpu.memory_space<vmem_shared>>
    tpu.wait_indirect_dma semaphore(%arg8 : memref<!tpu.dma_semaphore, #tpu.memory_space<semaphore_mem>>) src(%arg5 : memref<96xf32, #tpu.memory_space<vmem>>) dst(%dma_wait3A_862 : memref<10240xf32, #tpu.memory_space<vmem_shared>>)
    %dma_wait3A_863 = arith.constant 44 : i32
    %dma_wait3A_864 = arith.constant 0 : i32
    %dma_wait3A_865 = tpu.memref_slice %arg4[%dma_wait3A_863, %dma_wait3A_864] : memref<54x96xi32, #tpu.memory_space<vmem>> -> memref<1x96xi32, #tpu.memory_space<vmem>>
    %dma_wait3A_866 = tpu.memref_squeeze %dma_wait3A_865 : memref<1x96xi32, #tpu.memory_space<vmem>> -> memref<96xi32, #tpu.memory_space<vmem>>
    %dma_wait3A_867 = arith.constant 0 : i32
    %dma_wait3A_868 = tpu.memref_slice %arg7[%dma_wait3A_867] : memref<10240xf32, #tpu.memory_space<vmem_shared>> -> memref<10240xf32, #tpu.memory_space<vmem_shared>>
    tpu.wait_indirect_dma semaphore(%arg8 : memref<!tpu.dma_semaphore, #tpu.memory_space<semaphore_mem>>) src(%arg5 : memref<96xf32, #tpu.memory_space<vmem>>) dst(%dma_wait3A_868 : memref<10240xf32, #tpu.memory_space<vmem_shared>>)
    %dma_wait3A_869 = arith.constant 45 : i32
    %dma_wait3A_870 = arith.constant 0 : i32
    %dma_wait3A_871 = tpu.memref_slice %arg4[%dma_wait3A_869, %dma_wait3A_870] : memref<54x96xi32, #tpu.memory_space<vmem>> -> memref<1x96xi32, #tpu.memory_space<vmem>>
    %dma_wait3A_872 = tpu.memref_squeeze %dma_wait3A_871 : memref<1x96xi32, #tpu.memory_space<vmem>> -> memref<96xi32, #tpu.memory_space<vmem>>
    %dma_wait3A_873 = arith.constant 0 : i32
    %dma_wait3A_874 = tpu.memref_slice %arg7[%dma_wait3A_873] : memref<10240xf32, #tpu.memory_space<vmem_shared>> -> memref<10240xf32, #tpu.memory_space<vmem_shared>>
    tpu.wait_indirect_dma semaphore(%arg8 : memref<!tpu.dma_semaphore, #tpu.memory_space<semaphore_mem>>) src(%arg5 : memref<96xf32, #tpu.memory_space<vmem>>) dst(%dma_wait3A_874 : memref<10240xf32, #tpu.memory_space<vmem_shared>>)
    %dma_wait3A_875 = arith.constant 46 : i32
    %dma_wait3A_876 = arith.constant 0 : i32
    %dma_wait3A_877 = tpu.memref_slice %arg4[%dma_wait3A_875, %dma_wait3A_876] : memref<54x96xi32, #tpu.memory_space<vmem>> -> memref<1x96xi32, #tpu.memory_space<vmem>>
    %dma_wait3A_878 = tpu.memref_squeeze %dma_wait3A_877 : memref<1x96xi32, #tpu.memory_space<vmem>> -> memref<96xi32, #tpu.memory_space<vmem>>
    %dma_wait3A_879 = arith.constant 0 : i32
    %dma_wait3A_880 = tpu.memref_slice %arg7[%dma_wait3A_879] : memref<10240xf32, #tpu.memory_space<vmem_shared>> -> memref<10240xf32, #tpu.memory_space<vmem_shared>>
    tpu.wait_indirect_dma semaphore(%arg8 : memref<!tpu.dma_semaphore, #tpu.memory_space<semaphore_mem>>) src(%arg5 : memref<96xf32, #tpu.memory_space<vmem>>) dst(%dma_wait3A_880 : memref<10240xf32, #tpu.memory_space<vmem_shared>>)
    %dma_wait3A_881 = arith.constant 47 : i32
    %dma_wait3A_882 = arith.constant 0 : i32
    %dma_wait3A_883 = tpu.memref_slice %arg4[%dma_wait3A_881, %dma_wait3A_882] : memref<54x96xi32, #tpu.memory_space<vmem>> -> memref<1x96xi32, #tpu.memory_space<vmem>>
    %dma_wait3A_884 = tpu.memref_squeeze %dma_wait3A_883 : memref<1x96xi32, #tpu.memory_space<vmem>> -> memref<96xi32, #tpu.memory_space<vmem>>
    %dma_wait3A_885 = arith.constant 0 : i32
    %dma_wait3A_886 = tpu.memref_slice %arg7[%dma_wait3A_885] : memref<10240xf32, #tpu.memory_space<vmem_shared>> -> memref<10240xf32, #tpu.memory_space<vmem_shared>>
    tpu.wait_indirect_dma semaphore(%arg8 : memref<!tpu.dma_semaphore, #tpu.memory_space<semaphore_mem>>) src(%arg5 : memref<96xf32, #tpu.memory_space<vmem>>) dst(%dma_wait3A_886 : memref<10240xf32, #tpu.memory_space<vmem_shared>>)
    %dma_wait3A_887 = arith.constant 48 : i32
    %dma_wait3A_888 = arith.constant 0 : i32
    %dma_wait3A_889 = tpu.memref_slice %arg4[%dma_wait3A_887, %dma_wait3A_888] : memref<54x96xi32, #tpu.memory_space<vmem>> -> memref<1x96xi32, #tpu.memory_space<vmem>>
    %dma_wait3A_890 = tpu.memref_squeeze %dma_wait3A_889 : memref<1x96xi32, #tpu.memory_space<vmem>> -> memref<96xi32, #tpu.memory_space<vmem>>
    %dma_wait3A_891 = arith.constant 0 : i32
    %dma_wait3A_892 = tpu.memref_slice %arg7[%dma_wait3A_891] : memref<10240xf32, #tpu.memory_space<vmem_shared>> -> memref<10240xf32, #tpu.memory_space<vmem_shared>>
    tpu.wait_indirect_dma semaphore(%arg8 : memref<!tpu.dma_semaphore, #tpu.memory_space<semaphore_mem>>) src(%arg5 : memref<96xf32, #tpu.memory_space<vmem>>) dst(%dma_wait3A_892 : memref<10240xf32, #tpu.memory_space<vmem_shared>>)
    %dma_wait3A_893 = arith.constant 49 : i32
    %dma_wait3A_894 = arith.constant 0 : i32
    %dma_wait3A_895 = tpu.memref_slice %arg4[%dma_wait3A_893, %dma_wait3A_894] : memref<54x96xi32, #tpu.memory_space<vmem>> -> memref<1x96xi32, #tpu.memory_space<vmem>>
    %dma_wait3A_896 = tpu.memref_squeeze %dma_wait3A_895 : memref<1x96xi32, #tpu.memory_space<vmem>> -> memref<96xi32, #tpu.memory_space<vmem>>
    %dma_wait3A_897 = arith.constant 0 : i32
    %dma_wait3A_898 = tpu.memref_slice %arg7[%dma_wait3A_897] : memref<10240xf32, #tpu.memory_space<vmem_shared>> -> memref<10240xf32, #tpu.memory_space<vmem_shared>>
    tpu.wait_indirect_dma semaphore(%arg8 : memref<!tpu.dma_semaphore, #tpu.memory_space<semaphore_mem>>) src(%arg5 : memref<96xf32, #tpu.memory_space<vmem>>) dst(%dma_wait3A_898 : memref<10240xf32, #tpu.memory_space<vmem_shared>>)
    %dma_wait3A_899 = arith.constant 50 : i32
    %dma_wait3A_900 = arith.constant 0 : i32
    %dma_wait3A_901 = tpu.memref_slice %arg4[%dma_wait3A_899, %dma_wait3A_900] : memref<54x96xi32, #tpu.memory_space<vmem>> -> memref<1x96xi32, #tpu.memory_space<vmem>>
    %dma_wait3A_902 = tpu.memref_squeeze %dma_wait3A_901 : memref<1x96xi32, #tpu.memory_space<vmem>> -> memref<96xi32, #tpu.memory_space<vmem>>
    %dma_wait3A_903 = arith.constant 0 : i32
    %dma_wait3A_904 = tpu.memref_slice %arg7[%dma_wait3A_903] : memref<10240xf32, #tpu.memory_space<vmem_shared>> -> memref<10240xf32, #tpu.memory_space<vmem_shared>>
    tpu.wait_indirect_dma semaphore(%arg8 : memref<!tpu.dma_semaphore, #tpu.memory_space<semaphore_mem>>) src(%arg5 : memref<96xf32, #tpu.memory_space<vmem>>) dst(%dma_wait3A_904 : memref<10240xf32, #tpu.memory_space<vmem_shared>>)
    %dma_wait3A_905 = arith.constant 51 : i32
    %dma_wait3A_906 = arith.constant 0 : i32
    %dma_wait3A_907 = tpu.memref_slice %arg4[%dma_wait3A_905, %dma_wait3A_906] : memref<54x96xi32, #tpu.memory_space<vmem>> -> memref<1x96xi32, #tpu.memory_space<vmem>>
    %dma_wait3A_908 = tpu.memref_squeeze %dma_wait3A_907 : memref<1x96xi32, #tpu.memory_space<vmem>> -> memref<96xi32, #tpu.memory_space<vmem>>
    %dma_wait3A_909 = arith.constant 0 : i32
    %dma_wait3A_910 = tpu.memref_slice %arg7[%dma_wait3A_909] : memref<10240xf32, #tpu.memory_space<vmem_shared>> -> memref<10240xf32, #tpu.memory_space<vmem_shared>>
    tpu.wait_indirect_dma semaphore(%arg8 : memref<!tpu.dma_semaphore, #tpu.memory_space<semaphore_mem>>) src(%arg5 : memref<96xf32, #tpu.memory_space<vmem>>) dst(%dma_wait3A_910 : memref<10240xf32, #tpu.memory_space<vmem_shared>>)
    %dma_wait3A_911 = arith.constant 52 : i32
    %dma_wait3A_912 = arith.constant 0 : i32
    %dma_wait3A_913 = tpu.memref_slice %arg4[%dma_wait3A_911, %dma_wait3A_912] : memref<54x96xi32, #tpu.memory_space<vmem>> -> memref<1x96xi32, #tpu.memory_space<vmem>>
    %dma_wait3A_914 = tpu.memref_squeeze %dma_wait3A_913 : memref<1x96xi32, #tpu.memory_space<vmem>> -> memref<96xi32, #tpu.memory_space<vmem>>
    %dma_wait3A_915 = arith.constant 0 : i32
    %dma_wait3A_916 = tpu.memref_slice %arg7[%dma_wait3A_915] : memref<10240xf32, #tpu.memory_space<vmem_shared>> -> memref<10240xf32, #tpu.memory_space<vmem_shared>>
    tpu.wait_indirect_dma semaphore(%arg8 : memref<!tpu.dma_semaphore, #tpu.memory_space<semaphore_mem>>) src(%arg5 : memref<96xf32, #tpu.memory_space<vmem>>) dst(%dma_wait3A_916 : memref<10240xf32, #tpu.memory_space<vmem_shared>>)
    %dma_wait3A_917 = arith.constant 53 : i32
    %dma_wait3A_918 = arith.constant 0 : i32
    %dma_wait3A_919 = tpu.memref_slice %arg4[%dma_wait3A_917, %dma_wait3A_918] : memref<54x96xi32, #tpu.memory_space<vmem>> -> memref<1x96xi32, #tpu.memory_space<vmem>>
    %dma_wait3A_920 = tpu.memref_squeeze %dma_wait3A_919 : memref<1x96xi32, #tpu.memory_space<vmem>> -> memref<96xi32, #tpu.memory_space<vmem>>
    %dma_wait3A_921 = arith.constant 0 : i32
    %dma_wait3A_922 = tpu.memref_slice %arg7[%dma_wait3A_921] : memref<10240xf32, #tpu.memory_space<vmem_shared>> -> memref<10240xf32, #tpu.memory_space<vmem_shared>>
    tpu.wait_indirect_dma semaphore(%arg8 : memref<!tpu.dma_semaphore, #tpu.memory_space<semaphore_mem>>) src(%arg5 : memref<96xf32, #tpu.memory_space<vmem>>) dst(%dma_wait3A_922 : memref<10240xf32, #tpu.memory_space<vmem_shared>>)
    %barrier3A_923 = arith.constant 0 : index
    tpu.barrier barrier_id(%barrier3A_923)
    %mul3A_924 = arith.constant 640 : i32
    %mul3A_925 = arith.muli %arg1, %mul3A_924 : i32
    %mul3A_926 = arith.constant 10240 : i32
    %mul3A_927 = arith.muli %arg0, %mul3A_926 : i32
    %mul3A_928 = arith.constant 640 : i32
    %mul3A_929 = arith.muli %arg1, %mul3A_928 : i32
    %add3A_930 = arith.addi %mul3A_927, %mul3A_929 : i32
    "tpu.region"() ({
      %run_scoped3A = tpu.sem_alloc : memref<!tpu.dma_semaphore, #tpu.memory_space<semaphore_mem>>
      %dma_start3A_931 = tpu.memref_slice %arg3[%add3A_930] : memref<20480xf32, #tpu.memory_space<hbm>> -> memref<640xf32, #tpu.memory_space<hbm>>
      %dma_start3A_932 = tpu.memref_slice %arg7[%mul3A_925] : memref<10240xf32, #tpu.memory_space<vmem_shared>> -> memref<640xf32, #tpu.memory_space<vmem_shared>>
      tpu.enqueue_dma source(%dma_start3A_932 : memref<640xf32, #tpu.memory_space<vmem_shared>>) target(%dma_start3A_931 : memref<640xf32, #tpu.memory_space<hbm>>) target_semaphore(%run_scoped3A : memref<!tpu.dma_semaphore, #tpu.memory_space<semaphore_mem>>)
      %dma_wait3A_933 = tpu.memref_slice %arg3[%add3A_930] : memref<20480xf32, #tpu.memory_space<hbm>> -> memref<640xf32, #tpu.memory_space<hbm>>
      %dma_wait3A_934 = tpu.memref_slice %arg7[%mul3A_925] : memref<10240xf32, #tpu.memory_space<vmem_shared>> -> memref<640xf32, #tpu.memory_space<vmem_shared>>
      tpu.wait_dma2 semaphore(%run_scoped3A : memref<!tpu.dma_semaphore, #tpu.memory_space<semaphore_mem>>) src(%dma_wait3A_934 : memref<640xf32, #tpu.memory_space<vmem_shared>>) dst(%dma_wait3A_933 : memref<640xf32, #tpu.memory_space<hbm>>)
      tpu.yield
    }) : () -> ()
    return
  }
}

#map = affine_map<(d0, d1) -> (0, 0, 0, 0)>
#map1 = affine_map<(d0, d1) -> (0, 0)>
module attributes {stable_mosaic.version = 14 : i64} {
  func.func @_agg_body(%arg0: i32, %arg1: i32, %arg2: memref<48x2x36x96xi32, #tpu.memory_space<hbm>>, %arg3: memref<10240x128xf32, #tpu.memory_space<hbm>>, %arg4: memref<10240x128xf32, #tpu.memory_space<hbm>>, %arg5: memref<20224x128xf32, #tpu.memory_space<hbm>>, %arg6: memref<2x36x96xi32, #tpu.memory_space<vmem>>, %arg7: memref<96x128xf32, #tpu.memory_space<vmem>>, %arg8: memref<96x128xf32, #tpu.memory_space<vmem>>, %arg9: memref<96x128xf32, #tpu.memory_space<vmem>>, %arg10: memref<10112x128xf32, #tpu.memory_space<vmem_shared>>, %arg11: memref<!tpu.dma_semaphore, #tpu.memory_space<semaphore_mem>>, %arg12: memref<!tpu.dma_semaphore, #tpu.memory_space<semaphore_mem>>, %arg13: memref<!tpu.dma_semaphore, #tpu.memory_space<semaphore_mem>>, %arg14: memref<!tpu.dma_semaphore, #tpu.memory_space<semaphore_mem>>, %arg15: memref<!tpu.dma_semaphore, #tpu.memory_space<semaphore_mem>>, %arg16: memref<!tpu.dma_semaphore, #tpu.memory_space<semaphore_mem>>) attributes {dimension_semantics = [#tpu.dimension_semantics<core_parallel>, #tpu.dimension_semantics<subcore_parallel>], iteration_bounds = array<i64: 2, 16>, scalar_prefetch = 0 : i64, scratch_operands = 11 : i64, tpu.core_type = #tpu.core_type<sc_vector_subcore>, window_params = [{transform_indices = #map}, {transform_indices = #map1}, {transform_indices = #map1}, {transform_indices = #map1}]} {
    %eq3A = arith.constant 0 : i32
    %eq3A_0 = arith.cmpi eq, %arg0, %eq3A : i32
    %convert_element_type3A = arith.extui %eq3A_0 : i1 to i32
    %cond3A = arith.constant 0 : i32
    %cond3A_1 = arith.cmpi ne, %convert_element_type3A, %cond3A : i32
    scf.if %cond3A_1 {
      %mul3A_12 = arith.constant 632 : i32
      %mul3A_13 = arith.muli %arg1, %mul3A_12 : i32
      %mul3A_14 = arith.constant 632 : i32
      %mul3A_15 = arith.muli %arg1, %mul3A_14 : i32
      "tpu.region"() ({
        %run_scoped3A = tpu.sem_alloc : memref<!tpu.dma_semaphore, #tpu.memory_space<semaphore_mem>>
        %dma_start3A = arith.constant 0 : i32
        %dma_start3A_28 = tpu.memref_slice %arg10[%mul3A_15, %dma_start3A] : memref<10112x128xf32, #tpu.memory_space<vmem_shared>> -> memref<632x128xf32, #tpu.memory_space<vmem_shared>>
        %dma_start3A_29 = arith.constant 0 : i32
        %dma_start3A_30 = tpu.memref_slice %arg3[%mul3A_13, %dma_start3A_29] : memref<10240x128xf32, #tpu.memory_space<hbm>> -> memref<632x128xf32, #tpu.memory_space<hbm>>
        tpu.enqueue_dma source(%dma_start3A_30 : memref<632x128xf32, #tpu.memory_space<hbm>>) target(%dma_start3A_28 : memref<632x128xf32, #tpu.memory_space<vmem_shared>>) target_semaphore(%run_scoped3A : memref<!tpu.dma_semaphore, #tpu.memory_space<semaphore_mem>>)
        %dma_wait3A_31 = arith.constant 0 : i32
        %dma_wait3A_32 = tpu.memref_slice %arg10[%mul3A_15, %dma_wait3A_31] : memref<10112x128xf32, #tpu.memory_space<vmem_shared>> -> memref<632x128xf32, #tpu.memory_space<vmem_shared>>
        %dma_wait3A_33 = arith.constant 0 : i32
        %dma_wait3A_34 = tpu.memref_slice %arg3[%mul3A_13, %dma_wait3A_33] : memref<10240x128xf32, #tpu.memory_space<hbm>> -> memref<632x128xf32, #tpu.memory_space<hbm>>
        tpu.wait_dma2 semaphore(%run_scoped3A : memref<!tpu.dma_semaphore, #tpu.memory_space<semaphore_mem>>) src(%dma_wait3A_34 : memref<632x128xf32, #tpu.memory_space<hbm>>) dst(%dma_wait3A_32 : memref<632x128xf32, #tpu.memory_space<vmem_shared>>)
        tpu.yield
      }) : () -> ()
      %barrier3A = arith.constant 0 : index
      tpu.barrier barrier_id(%barrier3A)
      %scan3A = arith.constant 0 : i32
      %scan3A_16 = arith.constant 3 : i32
      %scan3A_17 = arith.addi %scan3A, %scan3A_16 : i32
      %scan3A_18 = arith.constant 1 : i32
      scf.for %scan3A_28 = %scan3A to %scan3A_17 step %scan3A_18  : i32 {
        %mul3A_29 = arith.constant 1 : i32
        %mul3A_30 = arith.muli %scan3A_28, %mul3A_29 : i32
        %add3A_31 = arith.constant 0 : i32
        %add3A_32 = arith.addi %add3A_31, %mul3A_30 : i32
        %gt3A = arith.constant 0 : i32
        %gt3A_33 = arith.cmpi sgt, %add3A_32, %gt3A : i32
        %convert_element_type3A_34 = arith.extui %gt3A_33 : i1 to i32
        %cond3A_35 = arith.constant 0 : i32
        %cond3A_36 = arith.cmpi ne, %convert_element_type3A_34, %cond3A_35 : i32
        scf.if %cond3A_36 {
          %dma_wait3A_60 = arith.constant 1 : i32
          %dma_wait3A_61 = arith.constant 35 : i32
          %dma_wait3A_62 = arith.constant 0 : i32
          %dma_wait3A_63 = tpu.memref_slice %arg6[%dma_wait3A_60, %dma_wait3A_61, %dma_wait3A_62] : memref<2x36x96xi32, #tpu.memory_space<vmem>> -> memref<1x1x96xi32, #tpu.memory_space<vmem>>
          %dma_wait3A_64 = tpu.memref_squeeze %dma_wait3A_63 : memref<1x1x96xi32, #tpu.memory_space<vmem>> -> memref<96xi32, #tpu.memory_space<vmem>>
          %dma_wait3A_65 = arith.constant 0 : i32
          %dma_wait3A_66 = arith.constant 0 : i32
          %dma_wait3A_67 = tpu.memref_slice %arg10[%dma_wait3A_65, %dma_wait3A_66] : memref<10112x128xf32, #tpu.memory_space<vmem_shared>> -> memref<10112x128xf32, #tpu.memory_space<vmem_shared>>
          tpu.wait_indirect_dma semaphore(%arg16 : memref<!tpu.dma_semaphore, #tpu.memory_space<semaphore_mem>>) src(%arg9 : memref<96x128xf32, #tpu.memory_space<vmem>>) dst(%dma_wait3A_67 : memref<10112x128xf32, #tpu.memory_space<vmem_shared>>)
        } else {
        }
        %mul3A_37 = arith.constant 3 : i32
        %mul3A_38 = arith.muli %arg1, %mul3A_37 : i32
        %add3A_39 = arith.addi %mul3A_38, %add3A_32 : i32
        "tpu.region"() ({
          %run_scoped3A = tpu.sem_alloc : memref<!tpu.dma_semaphore, #tpu.memory_space<semaphore_mem>>
          %dma_start3A_60 = arith.constant 0 : i32
          %dma_start3A_61 = arith.constant 0 : i32
          %dma_start3A_62 = arith.constant 0 : i32
          %dma_start3A_63 = tpu.memref_slice %arg2[%add3A_39, %dma_start3A_60, %dma_start3A_61, %dma_start3A_62] : memref<48x2x36x96xi32, #tpu.memory_space<hbm>> -> memref<1x2x36x96xi32, #tpu.memory_space<hbm>>
          %dma_start3A_64 = tpu.memref_squeeze %dma_start3A_63 : memref<1x2x36x96xi32, #tpu.memory_space<hbm>> -> memref<2x36x96xi32, #tpu.memory_space<hbm>>
          %dma_start3A_65 = arith.constant 0 : i32
          %dma_start3A_66 = arith.constant 0 : i32
          %dma_start3A_67 = arith.constant 0 : i32
          %dma_start3A_68 = tpu.memref_slice %arg2[%add3A_39, %dma_start3A_65, %dma_start3A_66, %dma_start3A_67] : memref<48x2x36x96xi32, #tpu.memory_space<hbm>> -> memref<1x2x36x96xi32, #tpu.memory_space<hbm>>
          %dma_start3A_69 = tpu.memref_squeeze %dma_start3A_68 : memref<1x2x36x96xi32, #tpu.memory_space<hbm>> -> memref<2x36x96xi32, #tpu.memory_space<hbm>>
          tpu.enqueue_dma source(%dma_start3A_69 : memref<2x36x96xi32, #tpu.memory_space<hbm>>) target(%arg6 : memref<2x36x96xi32, #tpu.memory_space<vmem>>) target_semaphore(%run_scoped3A : memref<!tpu.dma_semaphore, #tpu.memory_space<semaphore_mem>>)
          %dma_wait3A_70 = arith.constant 0 : i32
          %dma_wait3A_71 = arith.constant 0 : i32
          %dma_wait3A_72 = arith.constant 0 : i32
          %dma_wait3A_73 = tpu.memref_slice %arg2[%add3A_39, %dma_wait3A_70, %dma_wait3A_71, %dma_wait3A_72] : memref<48x2x36x96xi32, #tpu.memory_space<hbm>> -> memref<1x2x36x96xi32, #tpu.memory_space<hbm>>
          %dma_wait3A_74 = tpu.memref_squeeze %dma_wait3A_73 : memref<1x2x36x96xi32, #tpu.memory_space<hbm>> -> memref<2x36x96xi32, #tpu.memory_space<hbm>>
          %dma_wait3A_75 = arith.constant 0 : i32
          %dma_wait3A_76 = arith.constant 0 : i32
          %dma_wait3A_77 = arith.constant 0 : i32
          %dma_wait3A_78 = tpu.memref_slice %arg2[%add3A_39, %dma_wait3A_75, %dma_wait3A_76, %dma_wait3A_77] : memref<48x2x36x96xi32, #tpu.memory_space<hbm>> -> memref<1x2x36x96xi32, #tpu.memory_space<hbm>>
          %dma_wait3A_79 = tpu.memref_squeeze %dma_wait3A_78 : memref<1x2x36x96xi32, #tpu.memory_space<hbm>> -> memref<2x36x96xi32, #tpu.memory_space<hbm>>
          tpu.wait_dma2 semaphore(%run_scoped3A : memref<!tpu.dma_semaphore, #tpu.memory_space<semaphore_mem>>) src(%dma_wait3A_79 : memref<2x36x96xi32, #tpu.memory_space<hbm>>) dst(%arg6 : memref<2x36x96xi32, #tpu.memory_space<vmem>>)
          tpu.yield
        }) : () -> ()
        %dma_start3A = arith.constant 0 : i32
        %dma_start3A_40 = arith.constant 0 : i32
        %dma_start3A_41 = arith.constant 0 : i32
        %dma_start3A_42 = tpu.memref_slice %arg6[%dma_start3A, %dma_start3A_40, %dma_start3A_41] : memref<2x36x96xi32, #tpu.memory_space<vmem>> -> memref<1x1x96xi32, #tpu.memory_space<vmem>>
        %dma_start3A_43 = tpu.memref_squeeze %dma_start3A_42 : memref<1x1x96xi32, #tpu.memory_space<vmem>> -> memref<96xi32, #tpu.memory_space<vmem>>
        %dma_start3A_44 = arith.constant 0 : i32
        %dma_start3A_45 = arith.constant 0 : i32
        %dma_start3A_46 = tpu.memref_slice %arg3[%dma_start3A_44, %dma_start3A_45] : memref<10240x128xf32, #tpu.memory_space<hbm>> -> memref<10240x128xf32, #tpu.memory_space<hbm>>
        tpu.enqueue_indirect_dma source(%dma_start3A_46 : memref<10240x128xf32, #tpu.memory_space<hbm>>) target(%arg7 : memref<96x128xf32, #tpu.memory_space<vmem>>) offsets(%dma_start3A_43 : memref<96xi32, #tpu.memory_space<vmem>>) semaphore(%arg11 : memref<!tpu.dma_semaphore, #tpu.memory_space<semaphore_mem>>)
        %dma_start3A_47 = arith.constant 0 : i32
        %dma_start3A_48 = arith.constant 1 : i32
        %dma_start3A_49 = arith.constant 0 : i32
        %dma_start3A_50 = tpu.memref_slice %arg6[%dma_start3A_47, %dma_start3A_48, %dma_start3A_49] : memref<2x36x96xi32, #tpu.memory_space<vmem>> -> memref<1x1x96xi32, #tpu.memory_space<vmem>>
        %dma_start3A_51 = tpu.memref_squeeze %dma_start3A_50 : memref<1x1x96xi32, #tpu.memory_space<vmem>> -> memref<96xi32, #tpu.memory_space<vmem>>
        %dma_start3A_52 = arith.constant 0 : i32
        %dma_start3A_53 = arith.constant 0 : i32
        %dma_start3A_54 = tpu.memref_slice %arg3[%dma_start3A_52, %dma_start3A_53] : memref<10240x128xf32, #tpu.memory_space<hbm>> -> memref<10240x128xf32, #tpu.memory_space<hbm>>
        tpu.enqueue_indirect_dma source(%dma_start3A_54 : memref<10240x128xf32, #tpu.memory_space<hbm>>) target(%arg8 : memref<96x128xf32, #tpu.memory_space<vmem>>) offsets(%dma_start3A_51 : memref<96xi32, #tpu.memory_space<vmem>>) semaphore(%arg12 : memref<!tpu.dma_semaphore, #tpu.memory_space<semaphore_mem>>)
        %scan3A_55 = arith.constant 0 : i32
        %scan3A_56 = arith.constant 12 : i32
        %scan3A_57 = arith.addi %scan3A_55, %scan3A_56 : i32
        %scan3A_58 = arith.constant 1 : i32
        scf.for %scan3A_60 = %scan3A_55 to %scan3A_57 step %scan3A_58  : i32 {
          %mul3A_61 = arith.constant 1 : i32
          %mul3A_62 = arith.muli %scan3A_60, %mul3A_61 : i32
          %add3A_63 = arith.constant 0 : i32
          %add3A_64 = arith.addi %add3A_63, %mul3A_62 : i32
          %mul3A_65 = arith.constant 3 : i32
          %mul3A_66 = arith.muli %mul3A_65, %add3A_64 : i32
          %gt3A_67 = arith.constant 0 : i32
          %gt3A_68 = arith.cmpi sgt, %add3A_64, %gt3A_67 : i32
          %convert_element_type3A_69 = arith.extui %gt3A_68 : i1 to i32
          %cond3A_70 = arith.constant 0 : i32
          %cond3A_71 = arith.cmpi ne, %convert_element_type3A_69, %cond3A_70 : i32
          scf.if %cond3A_71 {
            %sub3A = arith.constant 1 : i32
            %sub3A_156 = arith.subi %mul3A_66, %sub3A : i32
            %dma_wait3A_157 = arith.constant 1 : i32
            %dma_wait3A_158 = arith.constant 0 : i32
            %dma_wait3A_159 = tpu.memref_slice %arg6[%dma_wait3A_157, %sub3A_156, %dma_wait3A_158] : memref<2x36x96xi32, #tpu.memory_space<vmem>> -> memref<1x1x96xi32, #tpu.memory_space<vmem>>
            %dma_wait3A_160 = tpu.memref_squeeze %dma_wait3A_159 : memref<1x1x96xi32, #tpu.memory_space<vmem>> -> memref<96xi32, #tpu.memory_space<vmem>>
            %dma_wait3A_161 = arith.constant 0 : i32
            %dma_wait3A_162 = arith.constant 0 : i32
            %dma_wait3A_163 = tpu.memref_slice %arg10[%dma_wait3A_161, %dma_wait3A_162] : memref<10112x128xf32, #tpu.memory_space<vmem_shared>> -> memref<10112x128xf32, #tpu.memory_space<vmem_shared>>
            tpu.wait_indirect_dma semaphore(%arg16 : memref<!tpu.dma_semaphore, #tpu.memory_space<semaphore_mem>>) src(%arg9 : memref<96x128xf32, #tpu.memory_space<vmem>>) dst(%dma_wait3A_163 : memref<10112x128xf32, #tpu.memory_space<vmem_shared>>)
          } else {
          }
          %dma_wait3A_72 = arith.constant 0 : i32
          %dma_wait3A_73 = arith.constant 0 : i32
          %dma_wait3A_74 = tpu.memref_slice %arg6[%dma_wait3A_72, %mul3A_66, %dma_wait3A_73] : memref<2x36x96xi32, #tpu.memory_space<vmem>> -> memref<1x1x96xi32, #tpu.memory_space<vmem>>
          %dma_wait3A_75 = tpu.memref_squeeze %dma_wait3A_74 : memref<1x1x96xi32, #tpu.memory_space<vmem>> -> memref<96xi32, #tpu.memory_space<vmem>>
          %dma_wait3A_76 = arith.constant 0 : i32
          %dma_wait3A_77 = arith.constant 0 : i32
          %dma_wait3A_78 = tpu.memref_slice %arg3[%dma_wait3A_76, %dma_wait3A_77] : memref<10240x128xf32, #tpu.memory_space<hbm>> -> memref<10240x128xf32, #tpu.memory_space<hbm>>
          tpu.wait_indirect_dma semaphore(%arg11 : memref<!tpu.dma_semaphore, #tpu.memory_space<semaphore_mem>>) src(%dma_wait3A_78 : memref<10240x128xf32, #tpu.memory_space<hbm>>) dst(%arg7 : memref<96x128xf32, #tpu.memory_space<vmem>>)
          %dma_start3A_79 = arith.constant 1 : i32
          %dma_start3A_80 = arith.constant 0 : i32
          %dma_start3A_81 = tpu.memref_slice %arg6[%dma_start3A_79, %mul3A_66, %dma_start3A_80] : memref<2x36x96xi32, #tpu.memory_space<vmem>> -> memref<1x1x96xi32, #tpu.memory_space<vmem>>
          %dma_start3A_82 = tpu.memref_squeeze %dma_start3A_81 : memref<1x1x96xi32, #tpu.memory_space<vmem>> -> memref<96xi32, #tpu.memory_space<vmem>>
          %dma_start3A_83 = arith.constant 0 : i32
          %dma_start3A_84 = arith.constant 0 : i32
          %dma_start3A_85 = tpu.memref_slice %arg10[%dma_start3A_83, %dma_start3A_84] : memref<10112x128xf32, #tpu.memory_space<vmem_shared>> -> memref<10112x128xf32, #tpu.memory_space<vmem_shared>>
          tpu.enqueue_indirect_dma source(%arg7 : memref<96x128xf32, #tpu.memory_space<vmem>>) target(%dma_start3A_85 : memref<10112x128xf32, #tpu.memory_space<vmem_shared>>) offsets(%dma_start3A_82 : memref<96xi32, #tpu.memory_space<vmem>>) semaphore(%arg14 : memref<!tpu.dma_semaphore, #tpu.memory_space<semaphore_mem>>) {add = true}
          %add3A_86 = arith.constant 2 : i32
          %add3A_87 = arith.addi %mul3A_66, %add3A_86 : i32
          %dma_start3A_88 = arith.constant 0 : i32
          %dma_start3A_89 = arith.constant 0 : i32
          %dma_start3A_90 = tpu.memref_slice %arg6[%dma_start3A_88, %add3A_87, %dma_start3A_89] : memref<2x36x96xi32, #tpu.memory_space<vmem>> -> memref<1x1x96xi32, #tpu.memory_space<vmem>>
          %dma_start3A_91 = tpu.memref_squeeze %dma_start3A_90 : memref<1x1x96xi32, #tpu.memory_space<vmem>> -> memref<96xi32, #tpu.memory_space<vmem>>
          %dma_start3A_92 = arith.constant 0 : i32
          %dma_start3A_93 = arith.constant 0 : i32
          %dma_start3A_94 = tpu.memref_slice %arg3[%dma_start3A_92, %dma_start3A_93] : memref<10240x128xf32, #tpu.memory_space<hbm>> -> memref<10240x128xf32, #tpu.memory_space<hbm>>
          tpu.enqueue_indirect_dma source(%dma_start3A_94 : memref<10240x128xf32, #tpu.memory_space<hbm>>) target(%arg9 : memref<96x128xf32, #tpu.memory_space<vmem>>) offsets(%dma_start3A_91 : memref<96xi32, #tpu.memory_space<vmem>>) semaphore(%arg13 : memref<!tpu.dma_semaphore, #tpu.memory_space<semaphore_mem>>)
          %dma_wait3A_95 = arith.constant 1 : i32
          %dma_wait3A_96 = arith.constant 0 : i32
          %dma_wait3A_97 = tpu.memref_slice %arg6[%dma_wait3A_95, %mul3A_66, %dma_wait3A_96] : memref<2x36x96xi32, #tpu.memory_space<vmem>> -> memref<1x1x96xi32, #tpu.memory_space<vmem>>
          %dma_wait3A_98 = tpu.memref_squeeze %dma_wait3A_97 : memref<1x1x96xi32, #tpu.memory_space<vmem>> -> memref<96xi32, #tpu.memory_space<vmem>>
          %dma_wait3A_99 = arith.constant 0 : i32
          %dma_wait3A_100 = arith.constant 0 : i32
          %dma_wait3A_101 = tpu.memref_slice %arg10[%dma_wait3A_99, %dma_wait3A_100] : memref<10112x128xf32, #tpu.memory_space<vmem_shared>> -> memref<10112x128xf32, #tpu.memory_space<vmem_shared>>
          tpu.wait_indirect_dma semaphore(%arg14 : memref<!tpu.dma_semaphore, #tpu.memory_space<semaphore_mem>>) src(%arg7 : memref<96x128xf32, #tpu.memory_space<vmem>>) dst(%dma_wait3A_101 : memref<10112x128xf32, #tpu.memory_space<vmem_shared>>)
          %add3A_102 = arith.constant 1 : i32
          %add3A_103 = arith.addi %mul3A_66, %add3A_102 : i32
          %dma_wait3A_104 = arith.constant 0 : i32
          %dma_wait3A_105 = arith.constant 0 : i32
          %dma_wait3A_106 = tpu.memref_slice %arg6[%dma_wait3A_104, %add3A_103, %dma_wait3A_105] : memref<2x36x96xi32, #tpu.memory_space<vmem>> -> memref<1x1x96xi32, #tpu.memory_space<vmem>>
          %dma_wait3A_107 = tpu.memref_squeeze %dma_wait3A_106 : memref<1x1x96xi32, #tpu.memory_space<vmem>> -> memref<96xi32, #tpu.memory_space<vmem>>
          %dma_wait3A_108 = arith.constant 0 : i32
          %dma_wait3A_109 = arith.constant 0 : i32
          %dma_wait3A_110 = tpu.memref_slice %arg3[%dma_wait3A_108, %dma_wait3A_109] : memref<10240x128xf32, #tpu.memory_space<hbm>> -> memref<10240x128xf32, #tpu.memory_space<hbm>>
          tpu.wait_indirect_dma semaphore(%arg12 : memref<!tpu.dma_semaphore, #tpu.memory_space<semaphore_mem>>) src(%dma_wait3A_110 : memref<10240x128xf32, #tpu.memory_space<hbm>>) dst(%arg8 : memref<96x128xf32, #tpu.memory_space<vmem>>)
          %add3A_111 = arith.constant 1 : i32
          %add3A_112 = arith.addi %mul3A_66, %add3A_111 : i32
          %dma_start3A_113 = arith.constant 1 : i32
          %dma_start3A_114 = arith.constant 0 : i32
          %dma_start3A_115 = tpu.memref_slice %arg6[%dma_start3A_113, %add3A_112, %dma_start3A_114] : memref<2x36x96xi32, #tpu.memory_space<vmem>> -> memref<1x1x96xi32, #tpu.memory_space<vmem>>
          %dma_start3A_116 = tpu.memref_squeeze %dma_start3A_115 : memref<1x1x96xi32, #tpu.memory_space<vmem>> -> memref<96xi32, #tpu.memory_space<vmem>>
          %dma_start3A_117 = arith.constant 0 : i32
          %dma_start3A_118 = arith.constant 0 : i32
          %dma_start3A_119 = tpu.memref_slice %arg10[%dma_start3A_117, %dma_start3A_118] : memref<10112x128xf32, #tpu.memory_space<vmem_shared>> -> memref<10112x128xf32, #tpu.memory_space<vmem_shared>>
          tpu.enqueue_indirect_dma source(%arg8 : memref<96x128xf32, #tpu.memory_space<vmem>>) target(%dma_start3A_119 : memref<10112x128xf32, #tpu.memory_space<vmem_shared>>) offsets(%dma_start3A_116 : memref<96xi32, #tpu.memory_space<vmem>>) semaphore(%arg15 : memref<!tpu.dma_semaphore, #tpu.memory_space<semaphore_mem>>) {add = true}
          %lt3A = arith.constant 11 : i32
          %lt3A_120 = arith.cmpi slt, %add3A_64, %lt3A : i32
          %convert_element_type3A_121 = arith.extui %lt3A_120 : i1 to i32
          %cond3A_122 = arith.constant 0 : i32
          %cond3A_123 = arith.cmpi ne, %convert_element_type3A_121, %cond3A_122 : i32
          scf.if %cond3A_123 {
            %add3A_156 = arith.constant 3 : i32
            %add3A_157 = arith.addi %mul3A_66, %add3A_156 : i32
            %dma_start3A_158 = arith.constant 0 : i32
            %dma_start3A_159 = arith.constant 0 : i32
            %dma_start3A_160 = tpu.memref_slice %arg6[%dma_start3A_158, %add3A_157, %dma_start3A_159] : memref<2x36x96xi32, #tpu.memory_space<vmem>> -> memref<1x1x96xi32, #tpu.memory_space<vmem>>
            %dma_start3A_161 = tpu.memref_squeeze %dma_start3A_160 : memref<1x1x96xi32, #tpu.memory_space<vmem>> -> memref<96xi32, #tpu.memory_space<vmem>>
            %dma_start3A_162 = arith.constant 0 : i32
            %dma_start3A_163 = arith.constant 0 : i32
            %dma_start3A_164 = tpu.memref_slice %arg3[%dma_start3A_162, %dma_start3A_163] : memref<10240x128xf32, #tpu.memory_space<hbm>> -> memref<10240x128xf32, #tpu.memory_space<hbm>>
            tpu.enqueue_indirect_dma source(%dma_start3A_164 : memref<10240x128xf32, #tpu.memory_space<hbm>>) target(%arg7 : memref<96x128xf32, #tpu.memory_space<vmem>>) offsets(%dma_start3A_161 : memref<96xi32, #tpu.memory_space<vmem>>) semaphore(%arg11 : memref<!tpu.dma_semaphore, #tpu.memory_space<semaphore_mem>>)
          } else {
          }
          %add3A_124 = arith.constant 1 : i32
          %add3A_125 = arith.addi %mul3A_66, %add3A_124 : i32
          %dma_wait3A_126 = arith.constant 1 : i32
          %dma_wait3A_127 = arith.constant 0 : i32
          %dma_wait3A_128 = tpu.memref_slice %arg6[%dma_wait3A_126, %add3A_125, %dma_wait3A_127] : memref<2x36x96xi32, #tpu.memory_space<vmem>> -> memref<1x1x96xi32, #tpu.memory_space<vmem>>
          %dma_wait3A_129 = tpu.memref_squeeze %dma_wait3A_128 : memref<1x1x96xi32, #tpu.memory_space<vmem>> -> memref<96xi32, #tpu.memory_space<vmem>>
          %dma_wait3A_130 = arith.constant 0 : i32
          %dma_wait3A_131 = arith.constant 0 : i32
          %dma_wait3A_132 = tpu.memref_slice %arg10[%dma_wait3A_130, %dma_wait3A_131] : memref<10112x128xf32, #tpu.memory_space<vmem_shared>> -> memref<10112x128xf32, #tpu.memory_space<vmem_shared>>
          tpu.wait_indirect_dma semaphore(%arg15 : memref<!tpu.dma_semaphore, #tpu.memory_space<semaphore_mem>>) src(%arg8 : memref<96x128xf32, #tpu.memory_space<vmem>>) dst(%dma_wait3A_132 : memref<10112x128xf32, #tpu.memory_space<vmem_shared>>)
          %add3A_133 = arith.constant 2 : i32
          %add3A_134 = arith.addi %mul3A_66, %add3A_133 : i32
          %dma_wait3A_135 = arith.constant 0 : i32
          %dma_wait3A_136 = arith.constant 0 : i32
          %dma_wait3A_137 = tpu.memref_slice %arg6[%dma_wait3A_135, %add3A_134, %dma_wait3A_136] : memref<2x36x96xi32, #tpu.memory_space<vmem>> -> memref<1x1x96xi32, #tpu.memory_space<vmem>>
          %dma_wait3A_138 = tpu.memref_squeeze %dma_wait3A_137 : memref<1x1x96xi32, #tpu.memory_space<vmem>> -> memref<96xi32, #tpu.memory_space<vmem>>
          %dma_wait3A_139 = arith.constant 0 : i32
          %dma_wait3A_140 = arith.constant 0 : i32
          %dma_wait3A_141 = tpu.memref_slice %arg3[%dma_wait3A_139, %dma_wait3A_140] : memref<10240x128xf32, #tpu.memory_space<hbm>> -> memref<10240x128xf32, #tpu.memory_space<hbm>>
          tpu.wait_indirect_dma semaphore(%arg13 : memref<!tpu.dma_semaphore, #tpu.memory_space<semaphore_mem>>) src(%dma_wait3A_141 : memref<10240x128xf32, #tpu.memory_space<hbm>>) dst(%arg9 : memref<96x128xf32, #tpu.memory_space<vmem>>)
          %add3A_142 = arith.constant 2 : i32
          %add3A_143 = arith.addi %mul3A_66, %add3A_142 : i32
          %dma_start3A_144 = arith.constant 1 : i32
          %dma_start3A_145 = arith.constant 0 : i32
          %dma_start3A_146 = tpu.memref_slice %arg6[%dma_start3A_144, %add3A_143, %dma_start3A_145] : memref<2x36x96xi32, #tpu.memory_space<vmem>> -> memref<1x1x96xi32, #tpu.memory_space<vmem>>
          %dma_start3A_147 = tpu.memref_squeeze %dma_start3A_146 : memref<1x1x96xi32, #tpu.memory_space<vmem>> -> memref<96xi32, #tpu.memory_space<vmem>>
          %dma_start3A_148 = arith.constant 0 : i32
          %dma_start3A_149 = arith.constant 0 : i32
          %dma_start3A_150 = tpu.memref_slice %arg10[%dma_start3A_148, %dma_start3A_149] : memref<10112x128xf32, #tpu.memory_space<vmem_shared>> -> memref<10112x128xf32, #tpu.memory_space<vmem_shared>>
          tpu.enqueue_indirect_dma source(%arg9 : memref<96x128xf32, #tpu.memory_space<vmem>>) target(%dma_start3A_150 : memref<10112x128xf32, #tpu.memory_space<vmem_shared>>) offsets(%dma_start3A_147 : memref<96xi32, #tpu.memory_space<vmem>>) semaphore(%arg16 : memref<!tpu.dma_semaphore, #tpu.memory_space<semaphore_mem>>) {add = true}
          %lt3A_151 = arith.constant 11 : i32
          %lt3A_152 = arith.cmpi slt, %add3A_64, %lt3A_151 : i32
          %convert_element_type3A_153 = arith.extui %lt3A_152 : i1 to i32
          %cond3A_154 = arith.constant 0 : i32
          %cond3A_155 = arith.cmpi ne, %convert_element_type3A_153, %cond3A_154 : i32
          scf.if %cond3A_155 {
            %add3A_156 = arith.constant 4 : i32
            %add3A_157 = arith.addi %mul3A_66, %add3A_156 : i32
            %dma_start3A_158 = arith.constant 0 : i32
            %dma_start3A_159 = arith.constant 0 : i32
            %dma_start3A_160 = tpu.memref_slice %arg6[%dma_start3A_158, %add3A_157, %dma_start3A_159] : memref<2x36x96xi32, #tpu.memory_space<vmem>> -> memref<1x1x96xi32, #tpu.memory_space<vmem>>
            %dma_start3A_161 = tpu.memref_squeeze %dma_start3A_160 : memref<1x1x96xi32, #tpu.memory_space<vmem>> -> memref<96xi32, #tpu.memory_space<vmem>>
            %dma_start3A_162 = arith.constant 0 : i32
            %dma_start3A_163 = arith.constant 0 : i32
            %dma_start3A_164 = tpu.memref_slice %arg3[%dma_start3A_162, %dma_start3A_163] : memref<10240x128xf32, #tpu.memory_space<hbm>> -> memref<10240x128xf32, #tpu.memory_space<hbm>>
            tpu.enqueue_indirect_dma source(%dma_start3A_164 : memref<10240x128xf32, #tpu.memory_space<hbm>>) target(%arg8 : memref<96x128xf32, #tpu.memory_space<vmem>>) offsets(%dma_start3A_161 : memref<96xi32, #tpu.memory_space<vmem>>) semaphore(%arg12 : memref<!tpu.dma_semaphore, #tpu.memory_space<semaphore_mem>>)
          } else {
          }
        }
        %scan3A_59 = arith.constant 12 : i32
      }
      %scan3A_19 = arith.constant 3 : i32
      %dma_wait3A = arith.constant 1 : i32
      %dma_wait3A_20 = arith.constant 35 : i32
      %dma_wait3A_21 = arith.constant 0 : i32
      %dma_wait3A_22 = tpu.memref_slice %arg6[%dma_wait3A, %dma_wait3A_20, %dma_wait3A_21] : memref<2x36x96xi32, #tpu.memory_space<vmem>> -> memref<1x1x96xi32, #tpu.memory_space<vmem>>
      %dma_wait3A_23 = tpu.memref_squeeze %dma_wait3A_22 : memref<1x1x96xi32, #tpu.memory_space<vmem>> -> memref<96xi32, #tpu.memory_space<vmem>>
      %dma_wait3A_24 = arith.constant 0 : i32
      %dma_wait3A_25 = arith.constant 0 : i32
      %dma_wait3A_26 = tpu.memref_slice %arg10[%dma_wait3A_24, %dma_wait3A_25] : memref<10112x128xf32, #tpu.memory_space<vmem_shared>> -> memref<10112x128xf32, #tpu.memory_space<vmem_shared>>
      tpu.wait_indirect_dma semaphore(%arg16 : memref<!tpu.dma_semaphore, #tpu.memory_space<semaphore_mem>>) src(%arg9 : memref<96x128xf32, #tpu.memory_space<vmem>>) dst(%dma_wait3A_26 : memref<10112x128xf32, #tpu.memory_space<vmem_shared>>)
      %barrier3A_27 = arith.constant 0 : index
      tpu.barrier barrier_id(%barrier3A_27)
    } else {
    }
    %eq3A_2 = arith.constant 1 : i32
    %eq3A_3 = arith.cmpi eq, %arg0, %eq3A_2 : i32
    %convert_element_type3A_4 = arith.extui %eq3A_3 : i1 to i32
    %cond3A_5 = arith.constant 0 : i32
    %cond3A_6 = arith.cmpi ne, %convert_element_type3A_4, %cond3A_5 : i32
    scf.if %cond3A_6 {
      %mul3A_12 = arith.constant 632 : i32
      %mul3A_13 = arith.muli %arg1, %mul3A_12 : i32
      %mul3A_14 = arith.constant 632 : i32
      %mul3A_15 = arith.muli %arg1, %mul3A_14 : i32
      "tpu.region"() ({
        %run_scoped3A = tpu.sem_alloc : memref<!tpu.dma_semaphore, #tpu.memory_space<semaphore_mem>>
        %dma_start3A = arith.constant 0 : i32
        %dma_start3A_28 = tpu.memref_slice %arg10[%mul3A_15, %dma_start3A] : memref<10112x128xf32, #tpu.memory_space<vmem_shared>> -> memref<632x128xf32, #tpu.memory_space<vmem_shared>>
        %dma_start3A_29 = arith.constant 0 : i32
        %dma_start3A_30 = tpu.memref_slice %arg4[%mul3A_13, %dma_start3A_29] : memref<10240x128xf32, #tpu.memory_space<hbm>> -> memref<632x128xf32, #tpu.memory_space<hbm>>
        tpu.enqueue_dma source(%dma_start3A_30 : memref<632x128xf32, #tpu.memory_space<hbm>>) target(%dma_start3A_28 : memref<632x128xf32, #tpu.memory_space<vmem_shared>>) target_semaphore(%run_scoped3A : memref<!tpu.dma_semaphore, #tpu.memory_space<semaphore_mem>>)
        %dma_wait3A_31 = arith.constant 0 : i32
        %dma_wait3A_32 = tpu.memref_slice %arg10[%mul3A_15, %dma_wait3A_31] : memref<10112x128xf32, #tpu.memory_space<vmem_shared>> -> memref<632x128xf32, #tpu.memory_space<vmem_shared>>
        %dma_wait3A_33 = arith.constant 0 : i32
        %dma_wait3A_34 = tpu.memref_slice %arg4[%mul3A_13, %dma_wait3A_33] : memref<10240x128xf32, #tpu.memory_space<hbm>> -> memref<632x128xf32, #tpu.memory_space<hbm>>
        tpu.wait_dma2 semaphore(%run_scoped3A : memref<!tpu.dma_semaphore, #tpu.memory_space<semaphore_mem>>) src(%dma_wait3A_34 : memref<632x128xf32, #tpu.memory_space<hbm>>) dst(%dma_wait3A_32 : memref<632x128xf32, #tpu.memory_space<vmem_shared>>)
        tpu.yield
      }) : () -> ()
      %barrier3A = arith.constant 0 : index
      tpu.barrier barrier_id(%barrier3A)
      %scan3A = arith.constant 0 : i32
      %scan3A_16 = arith.constant 3 : i32
      %scan3A_17 = arith.addi %scan3A, %scan3A_16 : i32
      %scan3A_18 = arith.constant 1 : i32
      scf.for %scan3A_28 = %scan3A to %scan3A_17 step %scan3A_18  : i32 {
        %mul3A_29 = arith.constant 1 : i32
        %mul3A_30 = arith.muli %scan3A_28, %mul3A_29 : i32
        %add3A_31 = arith.constant 0 : i32
        %add3A_32 = arith.addi %add3A_31, %mul3A_30 : i32
        %gt3A = arith.constant 0 : i32
        %gt3A_33 = arith.cmpi sgt, %add3A_32, %gt3A : i32
        %convert_element_type3A_34 = arith.extui %gt3A_33 : i1 to i32
        %cond3A_35 = arith.constant 0 : i32
        %cond3A_36 = arith.cmpi ne, %convert_element_type3A_34, %cond3A_35 : i32
        scf.if %cond3A_36 {
          %dma_wait3A_60 = arith.constant 1 : i32
          %dma_wait3A_61 = arith.constant 35 : i32
          %dma_wait3A_62 = arith.constant 0 : i32
          %dma_wait3A_63 = tpu.memref_slice %arg6[%dma_wait3A_60, %dma_wait3A_61, %dma_wait3A_62] : memref<2x36x96xi32, #tpu.memory_space<vmem>> -> memref<1x1x96xi32, #tpu.memory_space<vmem>>
          %dma_wait3A_64 = tpu.memref_squeeze %dma_wait3A_63 : memref<1x1x96xi32, #tpu.memory_space<vmem>> -> memref<96xi32, #tpu.memory_space<vmem>>
          %dma_wait3A_65 = arith.constant 0 : i32
          %dma_wait3A_66 = arith.constant 0 : i32
          %dma_wait3A_67 = tpu.memref_slice %arg10[%dma_wait3A_65, %dma_wait3A_66] : memref<10112x128xf32, #tpu.memory_space<vmem_shared>> -> memref<10112x128xf32, #tpu.memory_space<vmem_shared>>
          tpu.wait_indirect_dma semaphore(%arg16 : memref<!tpu.dma_semaphore, #tpu.memory_space<semaphore_mem>>) src(%arg9 : memref<96x128xf32, #tpu.memory_space<vmem>>) dst(%dma_wait3A_67 : memref<10112x128xf32, #tpu.memory_space<vmem_shared>>)
        } else {
        }
        %mul3A_37 = arith.constant 3 : i32
        %mul3A_38 = arith.muli %arg1, %mul3A_37 : i32
        %add3A_39 = arith.addi %mul3A_38, %add3A_32 : i32
        "tpu.region"() ({
          %run_scoped3A = tpu.sem_alloc : memref<!tpu.dma_semaphore, #tpu.memory_space<semaphore_mem>>
          %dma_start3A_60 = arith.constant 0 : i32
          %dma_start3A_61 = arith.constant 0 : i32
          %dma_start3A_62 = arith.constant 0 : i32
          %dma_start3A_63 = tpu.memref_slice %arg2[%add3A_39, %dma_start3A_60, %dma_start3A_61, %dma_start3A_62] : memref<48x2x36x96xi32, #tpu.memory_space<hbm>> -> memref<1x2x36x96xi32, #tpu.memory_space<hbm>>
          %dma_start3A_64 = tpu.memref_squeeze %dma_start3A_63 : memref<1x2x36x96xi32, #tpu.memory_space<hbm>> -> memref<2x36x96xi32, #tpu.memory_space<hbm>>
          %dma_start3A_65 = arith.constant 0 : i32
          %dma_start3A_66 = arith.constant 0 : i32
          %dma_start3A_67 = arith.constant 0 : i32
          %dma_start3A_68 = tpu.memref_slice %arg2[%add3A_39, %dma_start3A_65, %dma_start3A_66, %dma_start3A_67] : memref<48x2x36x96xi32, #tpu.memory_space<hbm>> -> memref<1x2x36x96xi32, #tpu.memory_space<hbm>>
          %dma_start3A_69 = tpu.memref_squeeze %dma_start3A_68 : memref<1x2x36x96xi32, #tpu.memory_space<hbm>> -> memref<2x36x96xi32, #tpu.memory_space<hbm>>
          tpu.enqueue_dma source(%dma_start3A_69 : memref<2x36x96xi32, #tpu.memory_space<hbm>>) target(%arg6 : memref<2x36x96xi32, #tpu.memory_space<vmem>>) target_semaphore(%run_scoped3A : memref<!tpu.dma_semaphore, #tpu.memory_space<semaphore_mem>>)
          %dma_wait3A_70 = arith.constant 0 : i32
          %dma_wait3A_71 = arith.constant 0 : i32
          %dma_wait3A_72 = arith.constant 0 : i32
          %dma_wait3A_73 = tpu.memref_slice %arg2[%add3A_39, %dma_wait3A_70, %dma_wait3A_71, %dma_wait3A_72] : memref<48x2x36x96xi32, #tpu.memory_space<hbm>> -> memref<1x2x36x96xi32, #tpu.memory_space<hbm>>
          %dma_wait3A_74 = tpu.memref_squeeze %dma_wait3A_73 : memref<1x2x36x96xi32, #tpu.memory_space<hbm>> -> memref<2x36x96xi32, #tpu.memory_space<hbm>>
          %dma_wait3A_75 = arith.constant 0 : i32
          %dma_wait3A_76 = arith.constant 0 : i32
          %dma_wait3A_77 = arith.constant 0 : i32
          %dma_wait3A_78 = tpu.memref_slice %arg2[%add3A_39, %dma_wait3A_75, %dma_wait3A_76, %dma_wait3A_77] : memref<48x2x36x96xi32, #tpu.memory_space<hbm>> -> memref<1x2x36x96xi32, #tpu.memory_space<hbm>>
          %dma_wait3A_79 = tpu.memref_squeeze %dma_wait3A_78 : memref<1x2x36x96xi32, #tpu.memory_space<hbm>> -> memref<2x36x96xi32, #tpu.memory_space<hbm>>
          tpu.wait_dma2 semaphore(%run_scoped3A : memref<!tpu.dma_semaphore, #tpu.memory_space<semaphore_mem>>) src(%dma_wait3A_79 : memref<2x36x96xi32, #tpu.memory_space<hbm>>) dst(%arg6 : memref<2x36x96xi32, #tpu.memory_space<vmem>>)
          tpu.yield
        }) : () -> ()
        %dma_start3A = arith.constant 0 : i32
        %dma_start3A_40 = arith.constant 0 : i32
        %dma_start3A_41 = arith.constant 0 : i32
        %dma_start3A_42 = tpu.memref_slice %arg6[%dma_start3A, %dma_start3A_40, %dma_start3A_41] : memref<2x36x96xi32, #tpu.memory_space<vmem>> -> memref<1x1x96xi32, #tpu.memory_space<vmem>>
        %dma_start3A_43 = tpu.memref_squeeze %dma_start3A_42 : memref<1x1x96xi32, #tpu.memory_space<vmem>> -> memref<96xi32, #tpu.memory_space<vmem>>
        %dma_start3A_44 = arith.constant 0 : i32
        %dma_start3A_45 = arith.constant 0 : i32
        %dma_start3A_46 = tpu.memref_slice %arg4[%dma_start3A_44, %dma_start3A_45] : memref<10240x128xf32, #tpu.memory_space<hbm>> -> memref<10240x128xf32, #tpu.memory_space<hbm>>
        tpu.enqueue_indirect_dma source(%dma_start3A_46 : memref<10240x128xf32, #tpu.memory_space<hbm>>) target(%arg7 : memref<96x128xf32, #tpu.memory_space<vmem>>) offsets(%dma_start3A_43 : memref<96xi32, #tpu.memory_space<vmem>>) semaphore(%arg11 : memref<!tpu.dma_semaphore, #tpu.memory_space<semaphore_mem>>)
        %dma_start3A_47 = arith.constant 0 : i32
        %dma_start3A_48 = arith.constant 1 : i32
        %dma_start3A_49 = arith.constant 0 : i32
        %dma_start3A_50 = tpu.memref_slice %arg6[%dma_start3A_47, %dma_start3A_48, %dma_start3A_49] : memref<2x36x96xi32, #tpu.memory_space<vmem>> -> memref<1x1x96xi32, #tpu.memory_space<vmem>>
        %dma_start3A_51 = tpu.memref_squeeze %dma_start3A_50 : memref<1x1x96xi32, #tpu.memory_space<vmem>> -> memref<96xi32, #tpu.memory_space<vmem>>
        %dma_start3A_52 = arith.constant 0 : i32
        %dma_start3A_53 = arith.constant 0 : i32
        %dma_start3A_54 = tpu.memref_slice %arg4[%dma_start3A_52, %dma_start3A_53] : memref<10240x128xf32, #tpu.memory_space<hbm>> -> memref<10240x128xf32, #tpu.memory_space<hbm>>
        tpu.enqueue_indirect_dma source(%dma_start3A_54 : memref<10240x128xf32, #tpu.memory_space<hbm>>) target(%arg8 : memref<96x128xf32, #tpu.memory_space<vmem>>) offsets(%dma_start3A_51 : memref<96xi32, #tpu.memory_space<vmem>>) semaphore(%arg12 : memref<!tpu.dma_semaphore, #tpu.memory_space<semaphore_mem>>)
        %scan3A_55 = arith.constant 0 : i32
        %scan3A_56 = arith.constant 12 : i32
        %scan3A_57 = arith.addi %scan3A_55, %scan3A_56 : i32
        %scan3A_58 = arith.constant 1 : i32
        scf.for %scan3A_60 = %scan3A_55 to %scan3A_57 step %scan3A_58  : i32 {
          %mul3A_61 = arith.constant 1 : i32
          %mul3A_62 = arith.muli %scan3A_60, %mul3A_61 : i32
          %add3A_63 = arith.constant 0 : i32
          %add3A_64 = arith.addi %add3A_63, %mul3A_62 : i32
          %mul3A_65 = arith.constant 3 : i32
          %mul3A_66 = arith.muli %mul3A_65, %add3A_64 : i32
          %gt3A_67 = arith.constant 0 : i32
          %gt3A_68 = arith.cmpi sgt, %add3A_64, %gt3A_67 : i32
          %convert_element_type3A_69 = arith.extui %gt3A_68 : i1 to i32
          %cond3A_70 = arith.constant 0 : i32
          %cond3A_71 = arith.cmpi ne, %convert_element_type3A_69, %cond3A_70 : i32
          scf.if %cond3A_71 {
            %sub3A = arith.constant 1 : i32
            %sub3A_156 = arith.subi %mul3A_66, %sub3A : i32
            %dma_wait3A_157 = arith.constant 1 : i32
            %dma_wait3A_158 = arith.constant 0 : i32
            %dma_wait3A_159 = tpu.memref_slice %arg6[%dma_wait3A_157, %sub3A_156, %dma_wait3A_158] : memref<2x36x96xi32, #tpu.memory_space<vmem>> -> memref<1x1x96xi32, #tpu.memory_space<vmem>>
            %dma_wait3A_160 = tpu.memref_squeeze %dma_wait3A_159 : memref<1x1x96xi32, #tpu.memory_space<vmem>> -> memref<96xi32, #tpu.memory_space<vmem>>
            %dma_wait3A_161 = arith.constant 0 : i32
            %dma_wait3A_162 = arith.constant 0 : i32
            %dma_wait3A_163 = tpu.memref_slice %arg10[%dma_wait3A_161, %dma_wait3A_162] : memref<10112x128xf32, #tpu.memory_space<vmem_shared>> -> memref<10112x128xf32, #tpu.memory_space<vmem_shared>>
            tpu.wait_indirect_dma semaphore(%arg16 : memref<!tpu.dma_semaphore, #tpu.memory_space<semaphore_mem>>) src(%arg9 : memref<96x128xf32, #tpu.memory_space<vmem>>) dst(%dma_wait3A_163 : memref<10112x128xf32, #tpu.memory_space<vmem_shared>>)
          } else {
          }
          %dma_wait3A_72 = arith.constant 0 : i32
          %dma_wait3A_73 = arith.constant 0 : i32
          %dma_wait3A_74 = tpu.memref_slice %arg6[%dma_wait3A_72, %mul3A_66, %dma_wait3A_73] : memref<2x36x96xi32, #tpu.memory_space<vmem>> -> memref<1x1x96xi32, #tpu.memory_space<vmem>>
          %dma_wait3A_75 = tpu.memref_squeeze %dma_wait3A_74 : memref<1x1x96xi32, #tpu.memory_space<vmem>> -> memref<96xi32, #tpu.memory_space<vmem>>
          %dma_wait3A_76 = arith.constant 0 : i32
          %dma_wait3A_77 = arith.constant 0 : i32
          %dma_wait3A_78 = tpu.memref_slice %arg4[%dma_wait3A_76, %dma_wait3A_77] : memref<10240x128xf32, #tpu.memory_space<hbm>> -> memref<10240x128xf32, #tpu.memory_space<hbm>>
          tpu.wait_indirect_dma semaphore(%arg11 : memref<!tpu.dma_semaphore, #tpu.memory_space<semaphore_mem>>) src(%dma_wait3A_78 : memref<10240x128xf32, #tpu.memory_space<hbm>>) dst(%arg7 : memref<96x128xf32, #tpu.memory_space<vmem>>)
          %dma_start3A_79 = arith.constant 1 : i32
          %dma_start3A_80 = arith.constant 0 : i32
          %dma_start3A_81 = tpu.memref_slice %arg6[%dma_start3A_79, %mul3A_66, %dma_start3A_80] : memref<2x36x96xi32, #tpu.memory_space<vmem>> -> memref<1x1x96xi32, #tpu.memory_space<vmem>>
          %dma_start3A_82 = tpu.memref_squeeze %dma_start3A_81 : memref<1x1x96xi32, #tpu.memory_space<vmem>> -> memref<96xi32, #tpu.memory_space<vmem>>
          %dma_start3A_83 = arith.constant 0 : i32
          %dma_start3A_84 = arith.constant 0 : i32
          %dma_start3A_85 = tpu.memref_slice %arg10[%dma_start3A_83, %dma_start3A_84] : memref<10112x128xf32, #tpu.memory_space<vmem_shared>> -> memref<10112x128xf32, #tpu.memory_space<vmem_shared>>
          tpu.enqueue_indirect_dma source(%arg7 : memref<96x128xf32, #tpu.memory_space<vmem>>) target(%dma_start3A_85 : memref<10112x128xf32, #tpu.memory_space<vmem_shared>>) offsets(%dma_start3A_82 : memref<96xi32, #tpu.memory_space<vmem>>) semaphore(%arg14 : memref<!tpu.dma_semaphore, #tpu.memory_space<semaphore_mem>>) {add = true}
          %add3A_86 = arith.constant 2 : i32
          %add3A_87 = arith.addi %mul3A_66, %add3A_86 : i32
          %dma_start3A_88 = arith.constant 0 : i32
          %dma_start3A_89 = arith.constant 0 : i32
          %dma_start3A_90 = tpu.memref_slice %arg6[%dma_start3A_88, %add3A_87, %dma_start3A_89] : memref<2x36x96xi32, #tpu.memory_space<vmem>> -> memref<1x1x96xi32, #tpu.memory_space<vmem>>
          %dma_start3A_91 = tpu.memref_squeeze %dma_start3A_90 : memref<1x1x96xi32, #tpu.memory_space<vmem>> -> memref<96xi32, #tpu.memory_space<vmem>>
          %dma_start3A_92 = arith.constant 0 : i32
          %dma_start3A_93 = arith.constant 0 : i32
          %dma_start3A_94 = tpu.memref_slice %arg4[%dma_start3A_92, %dma_start3A_93] : memref<10240x128xf32, #tpu.memory_space<hbm>> -> memref<10240x128xf32, #tpu.memory_space<hbm>>
          tpu.enqueue_indirect_dma source(%dma_start3A_94 : memref<10240x128xf32, #tpu.memory_space<hbm>>) target(%arg9 : memref<96x128xf32, #tpu.memory_space<vmem>>) offsets(%dma_start3A_91 : memref<96xi32, #tpu.memory_space<vmem>>) semaphore(%arg13 : memref<!tpu.dma_semaphore, #tpu.memory_space<semaphore_mem>>)
          %dma_wait3A_95 = arith.constant 1 : i32
          %dma_wait3A_96 = arith.constant 0 : i32
          %dma_wait3A_97 = tpu.memref_slice %arg6[%dma_wait3A_95, %mul3A_66, %dma_wait3A_96] : memref<2x36x96xi32, #tpu.memory_space<vmem>> -> memref<1x1x96xi32, #tpu.memory_space<vmem>>
          %dma_wait3A_98 = tpu.memref_squeeze %dma_wait3A_97 : memref<1x1x96xi32, #tpu.memory_space<vmem>> -> memref<96xi32, #tpu.memory_space<vmem>>
          %dma_wait3A_99 = arith.constant 0 : i32
          %dma_wait3A_100 = arith.constant 0 : i32
          %dma_wait3A_101 = tpu.memref_slice %arg10[%dma_wait3A_99, %dma_wait3A_100] : memref<10112x128xf32, #tpu.memory_space<vmem_shared>> -> memref<10112x128xf32, #tpu.memory_space<vmem_shared>>
          tpu.wait_indirect_dma semaphore(%arg14 : memref<!tpu.dma_semaphore, #tpu.memory_space<semaphore_mem>>) src(%arg7 : memref<96x128xf32, #tpu.memory_space<vmem>>) dst(%dma_wait3A_101 : memref<10112x128xf32, #tpu.memory_space<vmem_shared>>)
          %add3A_102 = arith.constant 1 : i32
          %add3A_103 = arith.addi %mul3A_66, %add3A_102 : i32
          %dma_wait3A_104 = arith.constant 0 : i32
          %dma_wait3A_105 = arith.constant 0 : i32
          %dma_wait3A_106 = tpu.memref_slice %arg6[%dma_wait3A_104, %add3A_103, %dma_wait3A_105] : memref<2x36x96xi32, #tpu.memory_space<vmem>> -> memref<1x1x96xi32, #tpu.memory_space<vmem>>
          %dma_wait3A_107 = tpu.memref_squeeze %dma_wait3A_106 : memref<1x1x96xi32, #tpu.memory_space<vmem>> -> memref<96xi32, #tpu.memory_space<vmem>>
          %dma_wait3A_108 = arith.constant 0 : i32
          %dma_wait3A_109 = arith.constant 0 : i32
          %dma_wait3A_110 = tpu.memref_slice %arg4[%dma_wait3A_108, %dma_wait3A_109] : memref<10240x128xf32, #tpu.memory_space<hbm>> -> memref<10240x128xf32, #tpu.memory_space<hbm>>
          tpu.wait_indirect_dma semaphore(%arg12 : memref<!tpu.dma_semaphore, #tpu.memory_space<semaphore_mem>>) src(%dma_wait3A_110 : memref<10240x128xf32, #tpu.memory_space<hbm>>) dst(%arg8 : memref<96x128xf32, #tpu.memory_space<vmem>>)
          %add3A_111 = arith.constant 1 : i32
          %add3A_112 = arith.addi %mul3A_66, %add3A_111 : i32
          %dma_start3A_113 = arith.constant 1 : i32
          %dma_start3A_114 = arith.constant 0 : i32
          %dma_start3A_115 = tpu.memref_slice %arg6[%dma_start3A_113, %add3A_112, %dma_start3A_114] : memref<2x36x96xi32, #tpu.memory_space<vmem>> -> memref<1x1x96xi32, #tpu.memory_space<vmem>>
          %dma_start3A_116 = tpu.memref_squeeze %dma_start3A_115 : memref<1x1x96xi32, #tpu.memory_space<vmem>> -> memref<96xi32, #tpu.memory_space<vmem>>
          %dma_start3A_117 = arith.constant 0 : i32
          %dma_start3A_118 = arith.constant 0 : i32
          %dma_start3A_119 = tpu.memref_slice %arg10[%dma_start3A_117, %dma_start3A_118] : memref<10112x128xf32, #tpu.memory_space<vmem_shared>> -> memref<10112x128xf32, #tpu.memory_space<vmem_shared>>
          tpu.enqueue_indirect_dma source(%arg8 : memref<96x128xf32, #tpu.memory_space<vmem>>) target(%dma_start3A_119 : memref<10112x128xf32, #tpu.memory_space<vmem_shared>>) offsets(%dma_start3A_116 : memref<96xi32, #tpu.memory_space<vmem>>) semaphore(%arg15 : memref<!tpu.dma_semaphore, #tpu.memory_space<semaphore_mem>>) {add = true}
          %lt3A = arith.constant 11 : i32
          %lt3A_120 = arith.cmpi slt, %add3A_64, %lt3A : i32
          %convert_element_type3A_121 = arith.extui %lt3A_120 : i1 to i32
          %cond3A_122 = arith.constant 0 : i32
          %cond3A_123 = arith.cmpi ne, %convert_element_type3A_121, %cond3A_122 : i32
          scf.if %cond3A_123 {
            %add3A_156 = arith.constant 3 : i32
            %add3A_157 = arith.addi %mul3A_66, %add3A_156 : i32
            %dma_start3A_158 = arith.constant 0 : i32
            %dma_start3A_159 = arith.constant 0 : i32
            %dma_start3A_160 = tpu.memref_slice %arg6[%dma_start3A_158, %add3A_157, %dma_start3A_159] : memref<2x36x96xi32, #tpu.memory_space<vmem>> -> memref<1x1x96xi32, #tpu.memory_space<vmem>>
            %dma_start3A_161 = tpu.memref_squeeze %dma_start3A_160 : memref<1x1x96xi32, #tpu.memory_space<vmem>> -> memref<96xi32, #tpu.memory_space<vmem>>
            %dma_start3A_162 = arith.constant 0 : i32
            %dma_start3A_163 = arith.constant 0 : i32
            %dma_start3A_164 = tpu.memref_slice %arg4[%dma_start3A_162, %dma_start3A_163] : memref<10240x128xf32, #tpu.memory_space<hbm>> -> memref<10240x128xf32, #tpu.memory_space<hbm>>
            tpu.enqueue_indirect_dma source(%dma_start3A_164 : memref<10240x128xf32, #tpu.memory_space<hbm>>) target(%arg7 : memref<96x128xf32, #tpu.memory_space<vmem>>) offsets(%dma_start3A_161 : memref<96xi32, #tpu.memory_space<vmem>>) semaphore(%arg11 : memref<!tpu.dma_semaphore, #tpu.memory_space<semaphore_mem>>)
          } else {
          }
          %add3A_124 = arith.constant 1 : i32
          %add3A_125 = arith.addi %mul3A_66, %add3A_124 : i32
          %dma_wait3A_126 = arith.constant 1 : i32
          %dma_wait3A_127 = arith.constant 0 : i32
          %dma_wait3A_128 = tpu.memref_slice %arg6[%dma_wait3A_126, %add3A_125, %dma_wait3A_127] : memref<2x36x96xi32, #tpu.memory_space<vmem>> -> memref<1x1x96xi32, #tpu.memory_space<vmem>>
          %dma_wait3A_129 = tpu.memref_squeeze %dma_wait3A_128 : memref<1x1x96xi32, #tpu.memory_space<vmem>> -> memref<96xi32, #tpu.memory_space<vmem>>
          %dma_wait3A_130 = arith.constant 0 : i32
          %dma_wait3A_131 = arith.constant 0 : i32
          %dma_wait3A_132 = tpu.memref_slice %arg10[%dma_wait3A_130, %dma_wait3A_131] : memref<10112x128xf32, #tpu.memory_space<vmem_shared>> -> memref<10112x128xf32, #tpu.memory_space<vmem_shared>>
          tpu.wait_indirect_dma semaphore(%arg15 : memref<!tpu.dma_semaphore, #tpu.memory_space<semaphore_mem>>) src(%arg8 : memref<96x128xf32, #tpu.memory_space<vmem>>) dst(%dma_wait3A_132 : memref<10112x128xf32, #tpu.memory_space<vmem_shared>>)
          %add3A_133 = arith.constant 2 : i32
          %add3A_134 = arith.addi %mul3A_66, %add3A_133 : i32
          %dma_wait3A_135 = arith.constant 0 : i32
          %dma_wait3A_136 = arith.constant 0 : i32
          %dma_wait3A_137 = tpu.memref_slice %arg6[%dma_wait3A_135, %add3A_134, %dma_wait3A_136] : memref<2x36x96xi32, #tpu.memory_space<vmem>> -> memref<1x1x96xi32, #tpu.memory_space<vmem>>
          %dma_wait3A_138 = tpu.memref_squeeze %dma_wait3A_137 : memref<1x1x96xi32, #tpu.memory_space<vmem>> -> memref<96xi32, #tpu.memory_space<vmem>>
          %dma_wait3A_139 = arith.constant 0 : i32
          %dma_wait3A_140 = arith.constant 0 : i32
          %dma_wait3A_141 = tpu.memref_slice %arg4[%dma_wait3A_139, %dma_wait3A_140] : memref<10240x128xf32, #tpu.memory_space<hbm>> -> memref<10240x128xf32, #tpu.memory_space<hbm>>
          tpu.wait_indirect_dma semaphore(%arg13 : memref<!tpu.dma_semaphore, #tpu.memory_space<semaphore_mem>>) src(%dma_wait3A_141 : memref<10240x128xf32, #tpu.memory_space<hbm>>) dst(%arg9 : memref<96x128xf32, #tpu.memory_space<vmem>>)
          %add3A_142 = arith.constant 2 : i32
          %add3A_143 = arith.addi %mul3A_66, %add3A_142 : i32
          %dma_start3A_144 = arith.constant 1 : i32
          %dma_start3A_145 = arith.constant 0 : i32
          %dma_start3A_146 = tpu.memref_slice %arg6[%dma_start3A_144, %add3A_143, %dma_start3A_145] : memref<2x36x96xi32, #tpu.memory_space<vmem>> -> memref<1x1x96xi32, #tpu.memory_space<vmem>>
          %dma_start3A_147 = tpu.memref_squeeze %dma_start3A_146 : memref<1x1x96xi32, #tpu.memory_space<vmem>> -> memref<96xi32, #tpu.memory_space<vmem>>
          %dma_start3A_148 = arith.constant 0 : i32
          %dma_start3A_149 = arith.constant 0 : i32
          %dma_start3A_150 = tpu.memref_slice %arg10[%dma_start3A_148, %dma_start3A_149] : memref<10112x128xf32, #tpu.memory_space<vmem_shared>> -> memref<10112x128xf32, #tpu.memory_space<vmem_shared>>
          tpu.enqueue_indirect_dma source(%arg9 : memref<96x128xf32, #tpu.memory_space<vmem>>) target(%dma_start3A_150 : memref<10112x128xf32, #tpu.memory_space<vmem_shared>>) offsets(%dma_start3A_147 : memref<96xi32, #tpu.memory_space<vmem>>) semaphore(%arg16 : memref<!tpu.dma_semaphore, #tpu.memory_space<semaphore_mem>>) {add = true}
          %lt3A_151 = arith.constant 11 : i32
          %lt3A_152 = arith.cmpi slt, %add3A_64, %lt3A_151 : i32
          %convert_element_type3A_153 = arith.extui %lt3A_152 : i1 to i32
          %cond3A_154 = arith.constant 0 : i32
          %cond3A_155 = arith.cmpi ne, %convert_element_type3A_153, %cond3A_154 : i32
          scf.if %cond3A_155 {
            %add3A_156 = arith.constant 4 : i32
            %add3A_157 = arith.addi %mul3A_66, %add3A_156 : i32
            %dma_start3A_158 = arith.constant 0 : i32
            %dma_start3A_159 = arith.constant 0 : i32
            %dma_start3A_160 = tpu.memref_slice %arg6[%dma_start3A_158, %add3A_157, %dma_start3A_159] : memref<2x36x96xi32, #tpu.memory_space<vmem>> -> memref<1x1x96xi32, #tpu.memory_space<vmem>>
            %dma_start3A_161 = tpu.memref_squeeze %dma_start3A_160 : memref<1x1x96xi32, #tpu.memory_space<vmem>> -> memref<96xi32, #tpu.memory_space<vmem>>
            %dma_start3A_162 = arith.constant 0 : i32
            %dma_start3A_163 = arith.constant 0 : i32
            %dma_start3A_164 = tpu.memref_slice %arg4[%dma_start3A_162, %dma_start3A_163] : memref<10240x128xf32, #tpu.memory_space<hbm>> -> memref<10240x128xf32, #tpu.memory_space<hbm>>
            tpu.enqueue_indirect_dma source(%dma_start3A_164 : memref<10240x128xf32, #tpu.memory_space<hbm>>) target(%arg8 : memref<96x128xf32, #tpu.memory_space<vmem>>) offsets(%dma_start3A_161 : memref<96xi32, #tpu.memory_space<vmem>>) semaphore(%arg12 : memref<!tpu.dma_semaphore, #tpu.memory_space<semaphore_mem>>)
          } else {
          }
        }
        %scan3A_59 = arith.constant 12 : i32
      }
      %scan3A_19 = arith.constant 3 : i32
      %dma_wait3A = arith.constant 1 : i32
      %dma_wait3A_20 = arith.constant 35 : i32
      %dma_wait3A_21 = arith.constant 0 : i32
      %dma_wait3A_22 = tpu.memref_slice %arg6[%dma_wait3A, %dma_wait3A_20, %dma_wait3A_21] : memref<2x36x96xi32, #tpu.memory_space<vmem>> -> memref<1x1x96xi32, #tpu.memory_space<vmem>>
      %dma_wait3A_23 = tpu.memref_squeeze %dma_wait3A_22 : memref<1x1x96xi32, #tpu.memory_space<vmem>> -> memref<96xi32, #tpu.memory_space<vmem>>
      %dma_wait3A_24 = arith.constant 0 : i32
      %dma_wait3A_25 = arith.constant 0 : i32
      %dma_wait3A_26 = tpu.memref_slice %arg10[%dma_wait3A_24, %dma_wait3A_25] : memref<10112x128xf32, #tpu.memory_space<vmem_shared>> -> memref<10112x128xf32, #tpu.memory_space<vmem_shared>>
      tpu.wait_indirect_dma semaphore(%arg16 : memref<!tpu.dma_semaphore, #tpu.memory_space<semaphore_mem>>) src(%arg9 : memref<96x128xf32, #tpu.memory_space<vmem>>) dst(%dma_wait3A_26 : memref<10112x128xf32, #tpu.memory_space<vmem_shared>>)
      %barrier3A_27 = arith.constant 0 : index
      tpu.barrier barrier_id(%barrier3A_27)
    } else {
    }
    %mul3A = arith.constant 632 : i32
    %mul3A_7 = arith.muli %arg1, %mul3A : i32
    %mul3A_8 = arith.constant 10112 : i32
    %mul3A_9 = arith.muli %arg0, %mul3A_8 : i32
    %mul3A_10 = arith.constant 632 : i32
    %mul3A_11 = arith.muli %arg1, %mul3A_10 : i32
    %add3A = arith.addi %mul3A_9, %mul3A_11 : i32
    "tpu.region"() ({
      %run_scoped3A = tpu.sem_alloc : memref<!tpu.dma_semaphore, #tpu.memory_space<semaphore_mem>>
      %dma_start3A = arith.constant 0 : i32
      %dma_start3A_12 = tpu.memref_slice %arg5[%add3A, %dma_start3A] : memref<20224x128xf32, #tpu.memory_space<hbm>> -> memref<632x128xf32, #tpu.memory_space<hbm>>
      %dma_start3A_13 = arith.constant 0 : i32
      %dma_start3A_14 = tpu.memref_slice %arg10[%mul3A_7, %dma_start3A_13] : memref<10112x128xf32, #tpu.memory_space<vmem_shared>> -> memref<632x128xf32, #tpu.memory_space<vmem_shared>>
      tpu.enqueue_dma source(%dma_start3A_14 : memref<632x128xf32, #tpu.memory_space<vmem_shared>>) target(%dma_start3A_12 : memref<632x128xf32, #tpu.memory_space<hbm>>) target_semaphore(%run_scoped3A : memref<!tpu.dma_semaphore, #tpu.memory_space<semaphore_mem>>)
      %dma_wait3A = arith.constant 0 : i32
      %dma_wait3A_15 = tpu.memref_slice %arg5[%add3A, %dma_wait3A] : memref<20224x128xf32, #tpu.memory_space<hbm>> -> memref<632x128xf32, #tpu.memory_space<hbm>>
      %dma_wait3A_16 = arith.constant 0 : i32
      %dma_wait3A_17 = tpu.memref_slice %arg10[%mul3A_7, %dma_wait3A_16] : memref<10112x128xf32, #tpu.memory_space<vmem_shared>> -> memref<632x128xf32, #tpu.memory_space<vmem_shared>>
      tpu.wait_dma2 semaphore(%run_scoped3A : memref<!tpu.dma_semaphore, #tpu.memory_space<semaphore_mem>>) src(%dma_wait3A_17 : memref<632x128xf32, #tpu.memory_space<vmem_shared>>) dst(%dma_wait3A_15 : memref<632x128xf32, #tpu.memory_space<hbm>>)
      tpu.yield
    }) : () -> ()
    return
  }
}

module attributes {stable_mosaic.version = 14 : i64} {
  func.func @_matmul_body(%arg0: i32, %arg1: memref<2x256x128xf32, #tpu.memory_space<vmem>>, %arg2: memref<256xf32, #tpu.memory_space<vmem>>, %arg3: memref<256x512xf32, #tpu.memory_space<vmem>>, %arg4: memref<512xf32, #tpu.memory_space<vmem>>, %arg5: memref<512xf32, #tpu.memory_space<vmem>>, %arg6: memref<256x512xf32, #tpu.memory_space<vmem>>) attributes {dimension_semantics = [#tpu.dimension_semantics<arbitrary>], iteration_bounds = array<i64: 40>, scalar_prefetch = 0 : i64, scratch_operands = 0 : i64, tpu.core_type = #tpu.core_type<tc>, window_params = [{transform_indices = @transform_0, window_bounds = array<i64: 2, 256, 128>}, {transform_indices = @transform_1, window_bounds = array<i64: 256>}, {pipeline_mode = #tpu.pipeline_mode<synchronous>, transform_indices = @transform_2, window_bounds = array<i64: 256, 512>}, {pipeline_mode = #tpu.pipeline_mode<synchronous>, transform_indices = @transform_3, window_bounds = array<i64: 512>}, {pipeline_mode = #tpu.pipeline_mode<synchronous>, transform_indices = @transform_4, window_bounds = array<i64: 512>}, {transform_indices = @transform_5, window_bounds = array<i64: 256, 512>}]} {
    %get3A = arith.constant 0 : index
    %get3A_0 = vector.load %arg2[%get3A] : memref<256xf32, #tpu.memory_space<vmem>>, vector<256xf32>
    %broadcast_in_dim3A = vector.shape_cast %get3A_0 : vector<256xf32> to vector<256x1xf32>
    %get3A_1 = arith.constant 0 : index
    %get3A_2 = arith.constant 0 : index
    %get3A_3 = arith.constant 0 : index
    %get3A_4 = vector.load %arg1[%get3A_1, %get3A_2, %get3A_3] : memref<2x256x128xf32, #tpu.memory_space<vmem>>, vector<1x256x128xf32>
    %get3A_5 = vector.shape_cast %get3A_4 : vector<1x256x128xf32> to vector<256x128xf32>
    %mul3A = vector.broadcast %broadcast_in_dim3A : vector<256x1xf32> to vector<256x128xf32>
    %mul3A_6 = arith.mulf %get3A_5, %mul3A : vector<256x128xf32>
    %get3A_7 = arith.constant 1 : index
    %get3A_8 = arith.constant 0 : index
    %get3A_9 = arith.constant 0 : index
    %get3A_10 = vector.load %arg1[%get3A_7, %get3A_8, %get3A_9] : memref<2x256x128xf32, #tpu.memory_space<vmem>>, vector<1x256x128xf32>
    %get3A_11 = vector.shape_cast %get3A_10 : vector<1x256x128xf32> to vector<256x128xf32>
    %mul3A_12 = vector.broadcast %broadcast_in_dim3A : vector<256x1xf32> to vector<256x128xf32>
    %mul3A_13 = arith.mulf %get3A_11, %mul3A_12 : vector<256x128xf32>
    %get3A_14 = arith.constant 0 : index
    %get3A_15 = arith.constant 0 : index
    %get3A_16 = vector.load %arg3[%get3A_14, %get3A_15] : memref<256x512xf32, #tpu.memory_space<vmem>>, vector<128x512xf32>
    %dot_general3A = arith.constant dense<0.000000e+00> : vector<256x512xf32>
    %dot_general3A_17 = tpu.matmul %mul3A_6, %get3A_16, %dot_general3A {dimension_numbers = #tpu.dot_dimension_numbers<[1], [0], [0], [1], [0, 0, 1, 1], [], []>, transpose_lhs_hint = false} : vector<256x128xf32>, vector<128x512xf32>, vector<256x512xf32> -> vector<256x512xf32>
    %get3A_18 = arith.constant 128 : index
    %get3A_19 = arith.constant 0 : index
    %get3A_20 = vector.load %arg3[%get3A_18, %get3A_19] : memref<256x512xf32, #tpu.memory_space<vmem>>, vector<128x512xf32>
    %dot_general3A_21 = arith.constant dense<0.000000e+00> : vector<256x512xf32>
    %dot_general3A_22 = tpu.matmul %mul3A_13, %get3A_20, %dot_general3A_21 {dimension_numbers = #tpu.dot_dimension_numbers<[1], [0], [0], [1], [0, 0, 1, 1], [], []>, transpose_lhs_hint = false} : vector<256x128xf32>, vector<128x512xf32>, vector<256x512xf32> -> vector<256x512xf32>
    %add3A = arith.addf %dot_general3A_17, %dot_general3A_22 : vector<256x512xf32>
    %get3A_23 = arith.constant 0 : index
    %get3A_24 = vector.load %arg4[%get3A_23] : memref<512xf32, #tpu.memory_space<vmem>>, vector<512xf32>
    %broadcast_in_dim3A_25 = vector.shape_cast %get3A_24 : vector<512xf32> to vector<1x512xf32>
    %add3A_26 = vector.broadcast %broadcast_in_dim3A_25 : vector<1x512xf32> to vector<256x512xf32>
    %add3A_27 = arith.addf %add3A, %add3A_26 : vector<256x512xf32>
    %gt3A = arith.constant 0.000000e+00 : f32
    %gt3A_28 = vector.broadcast %gt3A : f32 to vector<256x512xf32>
    %gt3A_29 = arith.cmpf ogt, %add3A_27, %gt3A_28 : vector<256x512xf32>
    %get3A_30 = arith.constant 0 : index
    %get3A_31 = vector.load %arg5[%get3A_30] : memref<512xf32, #tpu.memory_space<vmem>>, vector<512xf32>
    %broadcast_in_dim3A_32 = vector.shape_cast %get3A_31 : vector<512xf32> to vector<1x512xf32>
    %mul3A_33 = vector.broadcast %broadcast_in_dim3A_32 : vector<1x512xf32> to vector<256x512xf32>
    %mul3A_34 = arith.mulf %mul3A_33, %add3A_27 : vector<256x512xf32>
    %select_n3A = arith.select %gt3A_29, %add3A_27, %mul3A_34 : vector<256x512xi1>, vector<256x512xf32>
    %swap3A = arith.constant 0 : index
    %swap3A_35 = arith.constant 0 : index
    %swap3A_36 = vector.load %arg6[%swap3A, %swap3A_35] : memref<256x512xf32, #tpu.memory_space<vmem>>, vector<256x512xf32>
    tpu.vector_store %arg6[%swap3A, %swap3A_35], %select_n3A {strides = array<i32>} : memref<256x512xf32, #tpu.memory_space<vmem>>, vector<256x512xf32>,
    return
  }
  func.func @transform_0(%arg0: i32) -> (i32, i32, i32) {
    %c0_i32 = arith.constant 0 : i32
    %c0_i32_0 = arith.constant 0 : i32
    %c0_i32_1 = arith.constant 0 : i32
    return %c0_i32, %arg0, %c0_i32_0 : i32, i32, i32
  }
  func.func @transform_1(%arg0: i32) -> i32 {
    %c0_i32 = arith.constant 0 : i32
    return %arg0 : i32
  }
  func.func @transform_2(%arg0: i32) -> (i32, i32) {
    %c0_i32 = arith.constant 0 : i32
    %c0_i32_0 = arith.constant 0 : i32
    %c0_i32_1 = arith.constant 0 : i32
    return %c0_i32, %c0_i32_0 : i32, i32
  }
  func.func @transform_3(%arg0: i32) -> i32 {
    %c0_i32 = arith.constant 0 : i32
    %c0_i32_0 = arith.constant 0 : i32
    return %c0_i32 : i32
  }
  func.func @transform_4(%arg0: i32) -> i32 {
    %c0_i32 = arith.constant 0 : i32
    %c0_i32_0 = arith.constant 0 : i32
    return %c0_i32 : i32
  }
  func.func @transform_5(%arg0: i32) -> (i32, i32) {
    %c0_i32 = arith.constant 0 : i32
    %c0_i32_0 = arith.constant 0 : i32
    return %arg0, %c0_i32 : i32, i32
  }
}

module attributes {stable_mosaic.version = 14 : i64} {
  func.func @_scale_body(%arg0: i32, %arg1: memref<256x256xf32, #tpu.memory_space<vmem>>, %arg2: memref<2x256xf32, #tpu.memory_space<vmem>>, %arg3: memref<256x128xf32, #tpu.memory_space<vmem>>, %arg4: memref<256x128xf32, #tpu.memory_space<vmem>>, %arg5: memref<256xf32, #tpu.memory_space<vmem>>) attributes {dimension_semantics = [#tpu.dimension_semantics<arbitrary>], iteration_bounds = array<i64: 40>, scalar_prefetch = 0 : i64, scratch_operands = 0 : i64, tpu.core_type = #tpu.core_type<tc>, window_params = [{transform_indices = @transform_0, window_bounds = array<i64: 256, 256>}, {transform_indices = @transform_1, window_bounds = array<i64: 2, 256>}, {transform_indices = @transform_2, window_bounds = array<i64: 256, 128>}, {transform_indices = @transform_3, window_bounds = array<i64: 256, 128>}, {transform_indices = @transform_4, window_bounds = array<i64: 256>}]} {
    %get3A = arith.constant 0 : index
    %get3A_0 = arith.constant 0 : index
    %get3A_1 = vector.load %arg2[%get3A, %get3A_0] : memref<2x256xf32, #tpu.memory_space<vmem>>, vector<1x256xf32>
    %get3A_2 = vector.shape_cast %get3A_1 : vector<1x256xf32> to vector<256xf32>
    %get3A_3 = arith.constant 1 : index
    %get3A_4 = arith.constant 0 : index
    %get3A_5 = vector.load %arg2[%get3A_3, %get3A_4] : memref<2x256xf32, #tpu.memory_space<vmem>>, vector<1x256xf32>
    %get3A_6 = vector.shape_cast %get3A_5 : vector<1x256xf32> to vector<256xf32>
    %add3A = arith.addf %get3A_2, %get3A_6 : vector<256xf32>
    %add3A_7 = arith.constant 1.000000e+00 : f32
    %add3A_8 = vector.broadcast %add3A_7 : f32 to vector<256xf32>
    %add3A_9 = arith.addf %add3A, %add3A_8 : vector<256xf32>
    %rsqrt3A = math.rsqrt %add3A_9 : vector<256xf32>
    %get3A_10 = arith.constant 0 : index
    %get3A_11 = arith.constant 0 : index
    %get3A_12 = vector.load %arg1[%get3A_10, %get3A_11] : memref<256x256xf32, #tpu.memory_space<vmem>>, vector<256x256xf32>
    %broadcast_in_dim3A = vector.shape_cast %rsqrt3A : vector<256xf32> to vector<256x1xf32>
    %mul3A = vector.broadcast %broadcast_in_dim3A : vector<256x1xf32> to vector<256x256xf32>
    %mul3A_13 = arith.mulf %get3A_12, %mul3A : vector<256x256xf32>
    %slice3A = vector.extract_strided_slice %mul3A_13 {offsets = [0, 0], sizes = [256, 128], strides = [1, 1]} : vector<256x256xf32> to vector<256x128xf32>
    %swap3A = arith.constant 0 : index
    %swap3A_14 = arith.constant 0 : index
    %swap3A_15 = vector.load %arg3[%swap3A, %swap3A_14] : memref<256x128xf32, #tpu.memory_space<vmem>>, vector<256x128xf32>
    tpu.vector_store %arg3[%swap3A, %swap3A_14], %slice3A {strides = array<i32>} : memref<256x128xf32, #tpu.memory_space<vmem>>, vector<256x128xf32>,
    %slice3A_16 = vector.extract_strided_slice %mul3A_13 {offsets = [0, 128], sizes = [256, 128], strides = [1, 1]} : vector<256x256xf32> to vector<256x128xf32>
    %swap3A_17 = arith.constant 0 : index
    %swap3A_18 = arith.constant 0 : index
    %swap3A_19 = vector.load %arg4[%swap3A_17, %swap3A_18] : memref<256x128xf32, #tpu.memory_space<vmem>>, vector<256x128xf32>
    tpu.vector_store %arg4[%swap3A_17, %swap3A_18], %slice3A_16 {strides = array<i32>} : memref<256x128xf32, #tpu.memory_space<vmem>>, vector<256x128xf32>,
    %swap3A_20 = arith.constant 0 : index
    %swap3A_21 = vector.load %arg5[%swap3A_20] : memref<256xf32, #tpu.memory_space<vmem>>, vector<256xf32>
    tpu.vector_store %arg5[%swap3A_20], %rsqrt3A {strides = array<i32>} : memref<256xf32, #tpu.memory_space<vmem>>, vector<256xf32>,
    return
  }
  func.func @transform_0(%arg0: i32) -> (i32, i32) {
    %c0_i32 = arith.constant 0 : i32
    %c0_i32_0 = arith.constant 0 : i32
    return %arg0, %c0_i32 : i32, i32
  }
  func.func @transform_1(%arg0: i32) -> (i32, i32) {
    %c0_i32 = arith.constant 0 : i32
    %c0_i32_0 = arith.constant 0 : i32
    return %c0_i32, %arg0 : i32, i32
  }
  func.func @transform_2(%arg0: i32) -> (i32, i32) {
    %c0_i32 = arith.constant 0 : i32
    %c0_i32_0 = arith.constant 0 : i32
    return %arg0, %c0_i32 : i32, i32
  }
  func.func @transform_3(%arg0: i32) -> (i32, i32) {
    %c0_i32 = arith.constant 0 : i32
    %c0_i32_0 = arith.constant 0 : i32
    return %arg0, %c0_i32 : i32, i32
  }
  func.func @transform_4(%arg0: i32) -> i32 {
    %c0_i32 = arith.constant 0 : i32
    return %arg0 : i32
  }
}

</mosaic_0001>

<sc_bundles>
// kernel: kernel.6.cloned.1.call-start
scs
__scs_entry_jumppad:
0x0: {  	(pc) =	sbr.rel $0x88, $3  }
0x1: {  	(tag) =	ssettag $0x0;
	lr =	simm.s32 $0x1  }
0x2: {  	[smem:$0x3F9C] =	sst lr;
	_ =	strace $0xD0000000  }
0x3: {  	_ = 	snop  }
0x4: {  	_ = 	snop  }
0x5: {  	_ = 	snop  }
0x6: {  	_ = 	snop  }
0x7: {  	_ = 	snop  }
__scs_overlays_trampoline_lowered:
0x8: {  	[smem:$0x3FAB] =	sst s0  }
0x9: {  	[smem:$0x3FAC] =	sst s1  }
0xa: {  	[smem:$0x3FAD] =	sst s2  }
0xb: {  	[smem:$0x3FAE] =	sst s3  }
0xc: {  	[smem:$0x3FAF] =	sst s4  }
0xd: {  	[smem:$0x3FB0] =	sst s5  }
0xe: {  	[smem:$0x3FB1] =	sst s6  }
0xf: {  	[smem:$0x3FB2] =	sst s7  }
0x10: {  	[smem:$0x3FB3] =	sst s8  }
0x11: {  	[smem:$0x3FB4] =	sst s9;
	s0 =	simm.s32 @!p0 $0x0  }
0x12: {  	s1 =	sld [smem:$0x3F9A];
	s0 =	simm.s32 @p0 $0x1  }
0x13: {  	[smem:$0x3FB5] =	sst s0;
	s0 =	simm.s32 @!p1 $0x0  }
0x14: {  	s2 =	sld [smem:$0x3F99];
	s0 =	simm.s32 @p1 $0x1  }
0x15: {  	[smem:$0x3FB6] =	sst s0;
	s0 =	simm.s32 @!p2 $0x0  }
0x16: {  	s3 =	sld [smem:$0x3FDB];
	s0 =	simm.s32 @p2 $0x1  }
0x17: {  	s4 =	simm.s32 $0x1BF5;
	[smem:$0x3FB8] =	sst s0  }
0x18: {  	s0 =	sld [smem:$0x3F9B];
	_ =	swait.ge [sflag:s4], $0x0  }
0x19: {  	s7 =	sld [smem:$0x3F9C]  }
0x1a: {  	s8 =	sadd.s32 $0xFFFFE003, lr  }
0x1b: {  	s9 =	sadd.s32 $0xFFFFFEF7, lr;
	s5 =	simm.s32 $0xFFFFFFFF;
	p2 =	slt.u32 s8, $0xFFFFF086  }
0x1c: {  	p1 =	slt.u32 s9, $0xF7A;
	s5 =	simm.s32 @!p2 $0x0  }
0x1d: {  	s5 =	simm.s32 @p1 $0x1;
	p0 =	seq.s32 s7, s2  }
0x1e: {  	s7 =	smul.u32 @!p0 $0xF7A, s2;
	p2 =	seq.s32 @!p0 s5, $0x0  }
0x1f: {  	s9 =	smul.u32 $0xF7A, s1;
	s8 =	simm.s32 @!p0 $0x1BF5;
	p2 =	por !p2, p0  }
0x20: {  	[sflag:s8] =	ssyncset.s32 @!p0 $0xFFFFF086;
	s6 =	sadd.s32 @!p0 s3, s7;
	s7 =	simm.s32 @!p0 $0x108  }
0x21: {  	s3 =	sadd.s32 s3, s9;
	s6 =	sadd.s32 @!p0 $0x88, s6;
	s7 =	simm.s32 @p2 $0x1082  }
0x22: {  	[simem:s7], [sflag:s8] =	dma.local @!p0 [hbm:s6], $0xF7A  }
0x23: {  	s9 =	sor.u32 $0xD0000000, s2;
	s6 =	simm.s32 $0x108;
	_ =	swait.ge @!p0 [sflag:s8], $0x0  }
0x24: {  	s3 =	sadd.s32 $0x88, s3;
	s6 =	simm.s32 @!p1 $0x1082;
	[sflag:s4] =	ssyncset.s32 $0xFFFFF086  }
0x25: {  	[simem:s6], [sflag:s4] =	dma.local [hbm:s3], $0xF7A  }
0x26: {  	[smem:$0x3F9C] =	sst s1;
	(tag) =	ssettag s2;
	_ =	strace s9  }
0x27: {  	s1 =	sld [smem:$0x3FAC]  }
0x28: {  	s2 =	sld [smem:$0x3FAD]  }
0x29: {  	s4 =	sld [smem:$0x3FAF]  }
0x2a: {  	p0 =	seq.s32 s5, $0x0;
	s5 =	sld [smem:$0x3FB0]  }
0x2b: {  	s6 =	sld [smem:$0x3FB1]  }
0x2c: {  	s7 =	sld [smem:$0x3FB2]  }
0x2d: {  	s3 =	simm.s32 $0x108;
	s8 =	sld [smem:$0x3FB3]  }
0x2e: {  	s3 =	simm.s32 @!p0 $0x1082;
	s9 =	sld [smem:$0x3FB4]  }
0x2f: {  	lr =	sadd.s32 s0, s3;
	s0 =	sld [smem:$0x3FAB]  }
0x30: {  	s3 =	sld [smem:$0x3FAE]  }
0x31: {  	[smem:$0x3FB7] =	sst s10  }
0x32: {  	s10 =	sld [smem:$0x3FB5];
	_ =	sdelay $0x3  }
0x33: {  	p0 =	seq.s32 s10, $0x1;
	s10 =	sld [smem:$0x3FB7];
	_ =	sdelay $0x3  }
0x34: {  	[smem:$0x3FB7] =	sst s10  }
0x35: {  	s10 =	sld [smem:$0x3FB6];
	_ =	sdelay $0x3  }
0x36: {  	p1 =	seq.s32 s10, $0x1;
	s10 =	sld [smem:$0x3FB7];
	_ =	sdelay $0x3  }
0x37: {  	[smem:$0x3FB7] =	sst s10  }
0x38: {  	s10 =	sld [smem:$0x3FB8]  }
0x39: {  	_ = 	snop;
	(pc) =	sbr.ind lr, $3  }
0x3a: {  	_ = 	snop  }
0x3b: {  	_ = 	snop  }
0x3c: {  	p2 =	seq.s32 s10, $0x1;
	s10 =	sld [smem:$0x3FB7]  }
0x3d: {  	_ =	shalt  }
0x3e: {  	_ =	shalt  }
0x3f: {  	_ =	shalt  }
0x40: {  	_ =	shalt  }
0x41: {  	_ =	shalt  }
0x42: {  	_ =	shalt  }
0x43: {  	_ =	shalt  }
0x44: {  	_ =	shalt  }
0x45: {  	_ =	shalt  }
0x46: {  	_ =	shalt  }
0x47: {  	_ =	shalt  }
0x48: {  	_ =	shalt  }
0x49: {  	_ =	shalt  }
0x4a: {  	_ =	shalt  }
0x4b: {  	_ =	shalt  }
0x4c: {  	_ =	shalt  }
0x4d: {  	_ =	shalt  }
0x4e: {  	_ =	shalt  }
0x4f: {  	_ =	shalt  }
0x50: {  	_ =	shalt  }
0x51: {  	_ =	shalt  }
0x52: {  	_ =	shalt  }
0x53: {  	_ =	shalt  }
0x54: {  	_ =	shalt  }
0x55: {  	_ =	shalt  }
0x56: {  	_ =	shalt  }
0x57: {  	_ =	shalt  }
0x58: {  	_ =	shalt  }
0x59: {  	_ =	shalt  }
0x5a: {  	_ =	shalt  }
0x5b: {  	_ =	shalt  }
0x5c: {  	_ =	shalt  }
0x5d: {  	_ =	shalt  }
0x5e: {  	_ =	shalt  }
0x5f: {  	_ =	shalt  }
0x60: {  	_ =	shalt  }
0x61: {  	_ =	shalt  }
0x62: {  	_ =	shalt  }
0x63: {  	_ =	shalt  }
0x64: {  	_ =	shalt  }
0x65: {  	_ =	shalt  }
0x66: {  	_ =	shalt  }
0x67: {  	_ =	shalt  }
0x68: {  	_ =	shalt  }
0x69: {  	_ =	shalt  }
0x6a: {  	_ =	shalt  }
0x6b: {  	_ =	shalt  }
0x6c: {  	_ =	shalt  }
0x6d: {  	_ =	shalt  }
0x6e: {  	_ =	shalt  }
0x6f: {  	_ =	shalt  }
0x70: {  	_ =	shalt  }
0x71: {  	_ =	shalt  }
0x72: {  	_ =	shalt  }
0x73: {  	_ =	shalt  }
0x74: {  	_ =	shalt  }
0x75: {  	_ =	shalt  }
0x76: {  	_ =	shalt  }
0x77: {  	_ =	shalt  }
0x78: {  	_ =	shalt  }
0x79: {  	_ =	shalt  }
0x7a: {  	_ =	shalt  }
0x7b: {  	_ =	shalt  }
0x7c: {  	_ =	shalt  }
0x7d: {  	_ =	shalt  }
0x7e: {  	_ =	shalt  }
0x7f: {  	_ =	shalt  }
0x80: {  	_ =	shalt  }
0x81: {  	_ =	shalt  }
0x82: {  	_ =	shalt  }
0x83: {  	_ =	shalt  }
0x84: {  	_ =	shalt  }
0x85: {  	_ =	shalt  }
0x86: {  	_ =	shalt  }
0x87: {  	_ =	shalt  }
.Lfunc_end0:
.L_simem_size_0:
called_computation_lowered:
.L_overlay_start_0:
0x88: {  	s2 =	sld [smem:$0x3FD9]  }
0x89: {  	s3 =	sld [smem:$0x3FFE];
	_ =	sdelay $0x1  }
0x8a: {  	s1 =	srdreg.scid  }
0x8b: {  	s0 =	sand.u32 $0x1, s1  }
0x8c: {  	s17 =	sshll.u32 s0, $0xA;
	s2 =	sadd.s32 s3, s2  }
0x8d: {  	s2 =	sadd.s32 s2, s17  }
0x8e: {  	[smem:$0x3FC3] =	sst s2  }
0x8f: {  	_ = 	snop  }
0x90: {  	s2 =	sld [smem:$0x3FD0];
	(tm) =	ssettm $0x1  }
0x91: {  	s18 =	sld [smem:$0x3FFB];
	_ =	sdelay $0x3  }
0x92: {  	_ =	strace s18  }
0x93: {  	s3 =	sld [smem:$0x3FFC];
	_ =	sdelay $0x3  }
0x94: {  	_ =	strace s3  }
0x95: {  	s3 =	sld [smem:$0x3FFD];
	_ =	sdelay $0x3  }
0x96: {  	_ =	strace s3  }
0x97: {  	_ =	strace $0x8FFFFFFF  }
0x98: {  	s19 =	sld [smem:$0x3FDB];
	_ =	sdelay $0x1  }
0x99: {  	s4 =	simm.s32 $_scs_section_size  }
0x9a: {  	s5 =	simm.s32 $_size__tile_overlayer_lowered;
	s6 =	simm.s32 $_tile_overlayer_lowered  }
0x9b: {  	s22 =	simm.s32 $0x1BFF;
	s21 =	sshll.u32 s6, $0x1;
	s3 =	sadd.s32 s4, s19  }
0x9c: {  	s7 =	simm.s32 $0x0;
	s20 =	sshll.u32 s5, $0x1;
	s5 =	sadd.s32 s21, s3  }
0x9d: {  	[timem:s7], [sflag:s22] =	dma.local [hbm:s5], s20  }
0x9e: {  	_ =	swait.ge [sflag:s22], s20  }
0x9f: {  	s4 =	ssub.s32 $0x0, s20;
	[sflag:s22] =	ssyncset.done $0x0  }
0xa0: {  	[sflag:s22] =	ssyncadd.s32 s4;
	_ =	sdelay $0x1  }
0xa1: {  	s23 =	simm.s32 $0x1B8B  }
0xa2: {  	_ =	swait.ge [sflag:s23], $0x1  }
0xa3: {  	[sflag:s23] =	ssyncset.done $0x0  }
0xa4: {  	s25 =	simm.s32 $0x1B8E;
	s24 =	sld [smem:$0x3FFE];
	[sflag:s23] =	ssyncadd.s32 $0xFFFFFFFF  }
0xa5: {  	s26 =	simm.s32 $execute0_lowered;
	[smem:$0x3FD2] =	sst s25  }
0xa6: {  	s5 =	sshll.u32 s26, $0x1;
	_ =	strace $0x80000046;
	[dreg:$0x1] =	wrdreg $0xFFFFFFFF  }
0xa7: {  	s28 =	simm.s32 $_size_execute0_lowered;
	s3 =	sadd.s32 s3, s5;
	[dreg:$0x0] =	wrdreg $0x0  }
0xa8: {  	s5 =	sshll.u32 s28, $0x1;
	[dreg:$0x2] =	wrdreg s3  }
0xa9: {  	[dreg:$0x3] =	wrdreg s5  }
0xaa: {  	[dreg:$0x4] =	wrdreg $0xC0  }
0xab: {  	_ =	task [dreg:s7], $0x5FFFF  }
0xac: {  	[dreg:$0x1] =	wrdreg $0xFFFFFFFF  }
0xad: {  	[dreg:$0x0] =	wrdreg $0x60  }
0xae: {  	[dreg:$0x2] =	wrdreg s2  }
0xaf: {  	[dreg:$0x3] =	wrdreg s24  }
0xb0: {  	[dreg:$0x4] =	wrdreg $0x1F000  }
0xb1: {  	[dreg:$0x5] =	wrdreg $0x9  }
0xb2: {  	_ =	task.clear_ibuf [dreg:s7], $0x6FFFF;
	_ =	strace $0x90000046  }
0xb3: {  	s29 =	simm.s32 $0x9;
	_ =	strace $0x80000048  }
0xb4: {  	_ =	swait.ge [sflag:s29], $0x1  }
0xb5: {  	[sflag:s29] =	ssyncadd.s32 $0xFFFFFFFF  }
0xb6: {  	_ =	strace $0x90000048  }
0xb7: {  	_ =	sfence  }
0xb8: {  	s30 =	sld [smem:$0x0];
	_ =	sdelay $0x2  }
0xb9: {  	s31 =	sshll.u32 s1, $0xD;
	s1 =	sshrl.u32 s1, $0x2  }
0xba: {  	s3 =	sand.u32 $0x4000, s31;
	s1 =	sadd.s32 s1, s30  }
0xbb: {  	s0 =	sor.u32 s3, s0;
	s1 =	sshll.u32 s1, $0x11  }
0xbc: {  	s0 =	sor.u32 s1, s0  }
0xbd: {  	s0 =	sadd.s32 $0x8F2B, s0  }
0xbe: {  	[sflag:s0] =	ssyncadd.remote.s32 $0x1  }
0xbf: {  	_ =	sfence.sel $0xFFFF  }
0xc0: {  	[dreg:$0x0] =	wrdreg $0xFFFFFFFF;
	(pc) =	sbr.abs _section_cstart, $3  }
0xc1: {  	[dreg:$0x1] =	wrdreg $0xFFFFFFFF  }
0xc2: {  	_ =	task.clear_ibuf [dreg:s7], $0x2FFFF;
	_ =	strace $0x9FFFFFFF  }
0xc3: {  	(tm) =	ssettm $0x7FFFFFFF  }
tec
execute0_lowered:
.L_overlay_start_1:
0x0: {  	(tag) =	ssettag $0x1  }
0x1: {  	s4 =	rddreg [dreg:$0x0]  }
0x2: {  	s6 =	rddreg [dreg:$0x1];
	s3 =	simm.s32 $0x0  }
0x3: {  	v0 =	vimm.f32 $1.000000000e+00;
	[smem:$0x7FF] =	sst s3  }
0x4: {  	s1 =	rddreg [dreg:$0x2];
	v1 =	vimm.f32 $0.0e+00;
	_ =	strace $0x80000047;
	[tilespmem:$0x1C00] =	vst v0  }
0x5: {  	[tilespmem:$0x1EF0] =	vst v1  }
0x6: {  	[tilespmem:$0x1EE0] =	vst v1  }
0x7: {  	[tilespmem:$0x1ED0] =	vst v1  }
0x8: {  	[tilespmem:$0x1EC0] =	vst v1  }
0x9: {  	[tilespmem:$0x1EB0] =	vst v1  }
0xa: {  	s21 =	simm.s32 $0x1C80;
	[tilespmem:$0x1EA0] =	vst v1  }
0xb: {  	s22 =	simm.s32 $0x80;
	[tilespmem:$0x1E90] =	vst v1;
	[dreg:$0x6] =	wrdreg s21  }
0xc: {  	s23 =	simm.s32 $0x100;
	[tilespmem:$0x1E80] =	vst v1;
	[dreg:$0x7] =	wrdreg s22  }
0xd: {  	s24 =	simm.s32 $0x180;
	[tilespmem:$0x1E70] =	vst v1;
	[dreg:$0x8] =	wrdreg s23  }
0xe: {  	s25 =	simm.s32 $0x200;
	[tilespmem:$0x1E60] =	vst v1;
	[dreg:$0x9] =	wrdreg s24  }
0xf: {  	s26 =	simm.s32 $0x280;
	[tilespmem:$0x1E50] =	vst v1;
	[dreg:$0xa] =	wrdreg s25  }
0x10: {  	s31 =	simm.s32 $0x300;
	[tilespmem:$0x1E40] =	vst v1;
	[dreg:$0xb] =	wrdreg s26  }
0x11: {  	s0 =	simm.s32 $0x380;
	[tilespmem:$0x1E30] =	vst v1;
	[dreg:$0xc] =	wrdreg s31  }
0x12: {  	s9 =	simm.s32 $0x580;
	[tilespmem:$0x1E20] =	vst v1;
	[dreg:$0xd] =	wrdreg s0  }
0x13: {  	s10 =	simm.s32 $0x600;
	[tilespmem:$0x1E10] =	vst v1;
	[dreg:$0x11] =	wrdreg s9  }
0x14: {  	s11 =	simm.s32 $0x680;
	[tilespmem:$0x1E00] =	vst v1;
	[dreg:$0x12] =	wrdreg s10  }
0x15: {  	s12 =	simm.s32 $0x700;
	[tilespmem:$0x1DF0] =	vst v1;
	[dreg:$0x13] =	wrdreg s11  }
0x16: {  	s13 =	simm.s32 $0x780;
	[tilespmem:$0x1DE0] =	vst v1;
	[dreg:$0x14] =	wrdreg s12  }
0x17: {  	s14 =	simm.s32 $0x800;
	[tilespmem:$0x1DD0] =	vst v1;
	[dreg:$0x15] =	wrdreg s13  }
0x18: {  	s15 =	simm.s32 $0x880;
	[tilespmem:$0x1DC0] =	vst v1;
	[dreg:$0x16] =	wrdreg s14  }
0x19: {  	s16 =	simm.s32 $0x900;
	[tilespmem:$0x1DB0] =	vst v1;
	[dreg:$0x17] =	wrdreg s15  }
0x1a: {  	s17 =	simm.s32 $0x980;
	[tilespmem:$0x1DA0] =	vst v1;
	[dreg:$0x18] =	wrdreg s16  }
0x1b: {  	s18 =	simm.s32 $0xA00;
	[tilespmem:$0x1D90] =	vst v1;
	[dreg:$0x19] =	wrdreg s17  }
0x1c: {  	s19 =	simm.s32 $0xA80;
	[tilespmem:$0x1D80] =	vst v1;
	[dreg:$0x1a] =	wrdreg s18  }
0x1d: {  	[tilespmem:$0x1D70] =	vst v1;
	[dreg:$0x1b] =	wrdreg s19;
	s21 =	simm.s32 $0xB80  }
0x1e: {  	s5 =	srdreg.scid;
	[tilespmem:$0x1D60] =	vst v1;
	s22 =	simm.s32 $0xC00;
	[dreg:$0x1d] =	wrdreg s21  }
0x1f: {  	s2 =	stileid.u32;
	[tilespmem:$0x1D50] =	vst v1;
	s23 =	simm.s32 $0xC80;
	[dreg:$0x1e] =	wrdreg s22  }
0x20: {  	s28 =	sand.u32 $0x1, s5;
	[tilespmem:$0x1D40] =	vst v1;
	s24 =	simm.s32 $0xD00;
	[dreg:$0x1f] =	wrdreg s23  }
0x21: {  	s5 =	smul.u32 $0x280, s2;
	[tilespmem:$0x1D30] =	vst v1;
	s25 =	simm.s32 $0xD80;
	[smem:$0x7F4] =	sst s24  }
0x22: {  	s7 =	smul.u32 $0x2800, s28;
	[tilespmem:$0x1D20] =	vst v1;
	s26 =	simm.s32 $0xE00;
	[smem:$0x7F5] =	sst s25  }
0x23: {  	s8 =	sshll.u32 s28, $0x4;
	[tilespmem:$0x1D10] =	vst v1;
	s31 =	simm.s32 $0xE80;
	[smem:$0x7F6] =	sst s26  }
0x24: {  	[tilespmem:$0x1D00] =	vst v1;
	s0 =	simm.s32 $0xF00;
	s8 =	sor.u32 s2, s8;
	[smem:$0x7F7] =	sst s31  }
0x25: {  	[tilespmem:$0x1CF0] =	vst v1;
	s9 =	simm.s32 $0x1100;
	[smem:$0x7F8] =	sst s0;
	s8 =	smul.u32 $0x380, s8  }
0x26: {  	[tilespmem:$0x1CE0] =	vst v1;
	s11 =	simm.s32 $0x1180;
	[smem:$0x7FC] =	sst s9;
	s7 =	sadd.s32 s5, s7  }
0x27: {  	[tilespmem:$0x1CD0] =	vst v1;
	[smem:$0x7FD] =	sst s11;
	s7 =	sshrl.u32 s7, $0x3;
	s4 =	sadd.s32 s4, s8  }
0x28: {  	[tilespmem:$0x1CC0] =	vst v1;
	s6 =	sadd.s32 s7, s6;
	s7 =	simm.s32 $0x480;
	[dreg:$0x4] =	wrdreg s4  }
0x29: {  	[tilespmem:$0x1CB0] =	vst v1;
	s8 =	simm.s32 $0x500;
	[dreg:$0xf] =	wrdreg s7  }
0x2a: {  	[tilespmem:$0x1CA0] =	vst v1;
	s20 =	sadd.s32 $0x1200, s6;
	[dreg:$0x10] =	wrdreg s8  }
0x2b: {  	[tilespmem:$0x1C90] =	vst v1;
	s6 =	simm.s32 $0x400;
	[dreg:$0x5] =	wrdreg s20  }
0x2c: {  	[tilespmem:$0x1C80] =	vst v1;
	s7 =	simm.s32 $0x1000;
	[dreg:$0xe] =	wrdreg s6  }
0x2d: {  	[tilespmem:$0x1C50] =	vst v0;
	s8 =	simm.s32 $0x1080;
	[smem:$0x7FA] =	sst s7  }
0x2e: {  	[tilespmem:$0x1C40] =	vst v0;
	[smem:$0x7FB] =	sst s8  }
0x2f: {  	[tilespmem:$0x1C30] =	vst v0;
	s20 =	simm.s32 $0xB00;
	s10 =	rddreg [dreg:$0x4]  }
0x30: {  	[tilespmem:$0x1C20] =	vst v0;
	s6 =	simm.s32 $0xF80;
	[dreg:$0x1c] =	wrdreg s20  }
0x31: {  	[tilespmem:$0x1C10] =	vst v0;
	s4 =	simm.s32 $0x2;
	[smem:$0x7F9] =	sst s6  }
0x32: {  	[tilespmem:s3], [sflag:$0x2] =	stream.linear.gather [hbm4b:s10+s3], $0x1B00, $0x38;
	[tilespmem:$0x2180] =	vst v63  }
0x33: {  	_ =	swait.ge [sflag:s4], $0x1B00  }
0x34: {  	[sflag:s4] =	ssyncset.done $0x0  }
0x35: {  	s5 =	sadd.s32 s5, s1;
	s12 =	rddreg [dreg:$0x6];
	[sflag:s4] =	ssyncadd.s32 $0xFFFFE500  }
0x36: {  	[spmem:s5] =	stream.linear.scatter [tilespmem:s12], [sflag:$0x2], $0x280, $0x38;
	[tilespmem:$0x2180] =	vst v63  }
0x37: {  	_ =	swait.ge [sflag:s4], $0x280  }
0x38: {  	[sflag:s4] =	ssyncset.done $0x0  }
0x39: {  	[sflag:s4] =	ssyncadd.s32 $0xFFFFFD80  }
0x3a: {  	[bflag:$0x0] =	sbarrier.arrive $0xFFFF  }
0x3b: {  	s7 =	simm.s32 $0x1C00;
	s6 =	simm.s32 $0x60;
	s13 =	rddreg [dreg:$0x7]  }
0x3c: {  	[spmem:s1] =	stream.indirect.scatter.add.f32 [tilespmem:s7], [sflag:$0x1], $0x1, s3, s6, $0xb8;
	[tilespmem:$0x2180] =	vst v63  }
0x3d: {  	s9 =	rddreg [dreg:$0x8]  }
0x3e: {  	[spmem:s1] =	stream.indirect.scatter.add.f32 [tilespmem:s7], [sflag:$0x1], $0x1, s13, s6, $0xb8;
	[tilespmem:$0x2180] =	vst v63  }
0x3f: {  	s14 =	rddreg [dreg:$0x9]  }
0x40: {  	[spmem:s1] =	stream.indirect.scatter.add.f32 [tilespmem:s7], [sflag:$0x1], $0x1, s9, s6, $0xb8;
	[tilespmem:$0x2180] =	vst v63  }
0x41: {  	s15 =	rddreg [dreg:$0xa]  }
0x42: {  	[spmem:s1] =	stream.indirect.scatter.add.f32 [tilespmem:s7], [sflag:$0x1], $0x1, s14, s6, $0xb8;
	[tilespmem:$0x2180] =	vst v63  }
0x43: {  	s16 =	rddreg [dreg:$0xb]  }
0x44: {  	[spmem:s1] =	stream.indirect.scatter.add.f32 [tilespmem:s7], [sflag:$0x1], $0x1, s15, s6, $0xb8;
	[tilespmem:$0x2180] =	vst v63  }
0x45: {  	s17 =	rddreg [dreg:$0xc]  }
0x46: {  	[spmem:s1] =	stream.indirect.scatter.add.f32 [tilespmem:s7], [sflag:$0x1], $0x1, s16, s6, $0xb8;
	[tilespmem:$0x2180] =	vst v63  }
0x47: {  	s18 =	rddreg [dreg:$0xd]  }
0x48: {  	[spmem:s1] =	stream.indirect.scatter.add.f32 [tilespmem:s7], [sflag:$0x1], $0x1, s17, s6, $0xb8;
	[tilespmem:$0x2180] =	vst v63  }
0x49: {  	s19 =	rddreg [dreg:$0xe]  }
0x4a: {  	[spmem:s1] =	stream.indirect.scatter.add.f32 [tilespmem:s7], [sflag:$0x1], $0x1, s18, s6, $0xb8;
	[tilespmem:$0x2180] =	vst v63  }
0x4b: {  	s20 =	rddreg [dreg:$0xf]  }
0x4c: {  	[spmem:s1] =	stream.indirect.scatter.add.f32 [tilespmem:s7], [sflag:$0x1], $0x1, s19, s6, $0xb8;
	[tilespmem:$0x2180] =	vst v63  }
0x4d: {  	s21 =	rddreg [dreg:$0x10]  }
0x4e: {  	[spmem:s1] =	stream.indirect.scatter.add.f32 [tilespmem:s7], [sflag:$0x1], $0x1, s20, s6, $0xb8;
	[tilespmem:$0x2180] =	vst v63  }
0x4f: {  	s22 =	rddreg [dreg:$0x11]  }
0x50: {  	[spmem:s1] =	stream.indirect.scatter.add.f32 [tilespmem:s7], [sflag:$0x1], $0x1, s21, s6, $0xb8;
	[tilespmem:$0x2180] =	vst v63  }
0x51: {  	s23 =	rddreg [dreg:$0x12]  }
0x52: {  	[spmem:s1] =	stream.indirect.scatter.add.f32 [tilespmem:s7], [sflag:$0x1], $0x1, s22, s6, $0xb8;
	[tilespmem:$0x2180] =	vst v63  }
0x53: {  	s24 =	rddreg [dreg:$0x13]  }
0x54: {  	[spmem:s1] =	stream.indirect.scatter.add.f32 [tilespmem:s7], [sflag:$0x1], $0x1, s23, s6, $0xb8;
	[tilespmem:$0x2180] =	vst v63  }
0x55: {  	s25 =	rddreg [dreg:$0x14]  }
0x56: {  	[spmem:s1] =	stream.indirect.scatter.add.f32 [tilespmem:s7], [sflag:$0x1], $0x1, s24, s6, $0xb8;
	[tilespmem:$0x2180] =	vst v63  }
0x57: {  	s26 =	rddreg [dreg:$0x15]  }
0x58: {  	[spmem:s1] =	stream.indirect.scatter.add.f32 [tilespmem:s7], [sflag:$0x1], $0x1, s25, s6, $0xb8;
	[tilespmem:$0x2180] =	vst v63  }
0x59: {  	s31 =	rddreg [dreg:$0x16]  }
0x5a: {  	[spmem:s1] =	stream.indirect.scatter.add.f32 [tilespmem:s7], [sflag:$0x1], $0x1, s26, s6, $0xb8;
	[tilespmem:$0x2180] =	vst v63  }
0x5b: {  	s0 =	rddreg [dreg:$0x17]  }
0x5c: {  	[spmem:s1] =	stream.indirect.scatter.add.f32 [tilespmem:s7], [sflag:$0x1], $0x1, s31, s6, $0xb8;
	[tilespmem:$0x2180] =	vst v63  }
0x5d: {  	s10 =	rddreg [dreg:$0x18]  }
0x5e: {  	[spmem:s1] =	stream.indirect.scatter.add.f32 [tilespmem:s7], [sflag:$0x1], $0x1, s0, s6, $0xb8;
	[tilespmem:$0x2180] =	vst v63  }
0x5f: {  	s11 =	rddreg [dreg:$0x19]  }
0x60: {  	[spmem:s1] =	stream.indirect.scatter.add.f32 [tilespmem:s7], [sflag:$0x1], $0x1, s10, s6, $0xb8;
	[tilespmem:$0x2180] =	vst v63  }
0x61: {  	s12 =	rddreg [dreg:$0x1a]  }
0x62: {  	[spmem:s1] =	stream.indirect.scatter.add.f32 [tilespmem:s7], [sflag:$0x1], $0x1, s11, s6, $0xb8;
	[tilespmem:$0x2180] =	vst v63  }
0x63: {  	s13 =	rddreg [dreg:$0x1b]  }
0x64: {  	[spmem:s1] =	stream.indirect.scatter.add.f32 [tilespmem:s7], [sflag:$0x1], $0x1, s12, s6, $0xb8;
	[tilespmem:$0x2180] =	vst v63  }
0x65: {  	s14 =	rddreg [dreg:$0x1c]  }
0x66: {  	[spmem:s1] =	stream.indirect.scatter.add.f32 [tilespmem:s7], [sflag:$0x1], $0x1, s13, s6, $0xb8;
	[tilespmem:$0x2180] =	vst v63  }
0x67: {  	s15 =	rddreg [dreg:$0x1d]  }
0x68: {  	[spmem:s1] =	stream.indirect.scatter.add.f32 [tilespmem:s7], [sflag:$0x1], $0x1, s14, s6, $0xb8;
	[tilespmem:$0x2180] =	vst v63  }
0x69: {  	s16 =	rddreg [dreg:$0x1e]  }
0x6a: {  	[spmem:s1] =	stream.indirect.scatter.add.f32 [tilespmem:s7], [sflag:$0x1], $0x1, s15, s6, $0xb8;
	[tilespmem:$0x2180] =	vst v63  }
0x6b: {  	s17 =	rddreg [dreg:$0x1f]  }
0x6c: {  	[spmem:s1] =	stream.indirect.scatter.add.f32 [tilespmem:s7], [sflag:$0x1], $0x1, s16, s6, $0xb8;
	[tilespmem:$0x2180] =	vst v63  }
0x6d: {  	s18 =	sld [smem:$0x7F4]  }
0x6e: {  	[spmem:s1] =	stream.indirect.scatter.add.f32 [tilespmem:s7], [sflag:$0x1], $0x1, s17, s6, $0xb8;
	[tilespmem:$0x2180] =	vst v63  }
0x6f: {  	s19 =	sld [smem:$0x7F5]  }
0x70: {  	[spmem:s1] =	stream.indirect.scatter.add.f32 [tilespmem:s7], [sflag:$0x1], $0x1, s18, s6, $0xb8;
	[tilespmem:$0x2180] =	vst v63  }
0x71: {  	s20 =	sld [smem:$0x7F6]  }
0x72: {  	[spmem:s1] =	stream.indirect.scatter.add.f32 [tilespmem:s7], [sflag:$0x1], $0x1, s19, s6, $0xb8;
	[tilespmem:$0x2180] =	vst v63  }
0x73: {  	s21 =	sld [smem:$0x7F7]  }
0x74: {  	[spmem:s1] =	stream.indirect.scatter.add.f32 [tilespmem:s7], [sflag:$0x1], $0x1, s20, s6, $0xb8;
	[tilespmem:$0x2180] =	vst v63  }
0x75: {  	s22 =	sld [smem:$0x7F8]  }
0x76: {  	[spmem:s1] =	stream.indirect.scatter.add.f32 [tilespmem:s7], [sflag:$0x1], $0x1, s21, s6, $0xb8;
	[tilespmem:$0x2180] =	vst v63  }
0x77: {  	s23 =	sld [smem:$0x7F9]  }
0x78: {  	[spmem:s1] =	stream.indirect.scatter.add.f32 [tilespmem:s7], [sflag:$0x1], $0x1, s22, s6, $0xb8;
	[tilespmem:$0x2180] =	vst v63  }
0x79: {  	s24 =	sld [smem:$0x7FA]  }
0x7a: {  	[spmem:s1] =	stream.indirect.scatter.add.f32 [tilespmem:s7], [sflag:$0x1], $0x1, s23, s6, $0xb8;
	[tilespmem:$0x2180] =	vst v63  }
0x7b: {  	s25 =	sld [smem:$0x7FB]  }
0x7c: {  	[spmem:s1] =	stream.indirect.scatter.add.f32 [tilespmem:s7], [sflag:$0x1], $0x1, s24, s6, $0xb8;
	[tilespmem:$0x2180] =	vst v63  }
0x7d: {  	s26 =	sld [smem:$0x7FC]  }
0x7e: {  	[spmem:s1] =	stream.indirect.scatter.add.f32 [tilespmem:s7], [sflag:$0x1], $0x1, s25, s6, $0xb8;
	[tilespmem:$0x2180] =	vst v63  }
0x7f: {  	s31 =	sld [smem:$0x7FD]  }
0x80: {  	[spmem:s1] =	stream.indirect.scatter.add.f32 [tilespmem:s7], [sflag:$0x1], $0x1, s26, s6, $0xb8;
	[tilespmem:$0x2180] =	vst v63  }
0x81: {  	_ = 	snop  }
0x82: {  	[spmem:s1] =	stream.indirect.scatter.add.f32 [tilespmem:s7], [sflag:$0x1], $0x1, s31, s6, $0xb8;
	[tilespmem:$0x2180] =	vst v63  }
0x83: {  	s8 =	simm.s32 $0x1200  }
0x84: {  	[spmem:s1] =	stream.indirect.scatter.add.f32 [tilespmem:s7], [sflag:$0x1], $0x1, s8, s6, $0xb8;
	[tilespmem:$0x2180] =	vst v63  }
0x85: {  	s9 =	simm.s32 $0x1280  }
0x86: {  	[spmem:s1] =	stream.indirect.scatter.add.f32 [tilespmem:s7], [sflag:$0x1], $0x1, s9, s6, $0xb8;
	[tilespmem:$0x2180] =	vst v63  }
0x87: {  	s10 =	simm.s32 $0x1300  }
0x88: {  	[spmem:s1] =	stream.indirect.scatter.add.f32 [tilespmem:s7], [sflag:$0x1], $0x1, s10, s6, $0xb8;
	[tilespmem:$0x2180] =	vst v63  }
0x89: {  	s11 =	simm.s32 $0x1380  }
0x8a: {  	[spmem:s1] =	stream.indirect.scatter.add.f32 [tilespmem:s7], [sflag:$0x1], $0x1, s11, s6, $0xb8;
	[tilespmem:$0x2180] =	vst v63  }
0x8b: {  	s12 =	simm.s32 $0x1400  }
0x8c: {  	[spmem:s1] =	stream.indirect.scatter.add.f32 [tilespmem:s7], [sflag:$0x1], $0x1, s12, s6, $0xb8;
	[tilespmem:$0x2180] =	vst v63  }
0x8d: {  	s13 =	simm.s32 $0x1480  }
0x8e: {  	[spmem:s1] =	stream.indirect.scatter.add.f32 [tilespmem:s7], [sflag:$0x1], $0x1, s13, s6, $0xb8;
	[tilespmem:$0x2180] =	vst v63  }
0x8f: {  	s14 =	simm.s32 $0x1500  }
0x90: {  	[spmem:s1] =	stream.indirect.scatter.add.f32 [tilespmem:s7], [sflag:$0x1], $0x1, s14, s6, $0xb8;
	[tilespmem:$0x2180] =	vst v63  }
0x91: {  	s15 =	simm.s32 $0x1580  }
0x92: {  	[spmem:s1] =	stream.indirect.scatter.add.f32 [tilespmem:s7], [sflag:$0x1], $0x1, s15, s6, $0xb8;
	[tilespmem:$0x2180] =	vst v63  }
0x93: {  	s16 =	simm.s32 $0x1600  }
0x94: {  	[spmem:s1] =	stream.indirect.scatter.add.f32 [tilespmem:s7], [sflag:$0x1], $0x1, s16, s6, $0xb8;
	[tilespmem:$0x2180] =	vst v63  }
0x95: {  	s17 =	simm.s32 $0x1680  }
0x96: {  	[spmem:s1] =	stream.indirect.scatter.add.f32 [tilespmem:s7], [sflag:$0x1], $0x1, s17, s6, $0xb8;
	[tilespmem:$0x2180] =	vst v63  }
0x97: {  	s18 =	simm.s32 $0x1700  }
0x98: {  	[spmem:s1] =	stream.indirect.scatter.add.f32 [tilespmem:s7], [sflag:$0x1], $0x1, s18, s6, $0xb8;
	[tilespmem:$0x2180] =	vst v63  }
0x99: {  	s19 =	simm.s32 $0x1780  }
0x9a: {  	[spmem:s1] =	stream.indirect.scatter.add.f32 [tilespmem:s7], [sflag:$0x1], $0x1, s19, s6, $0xb8;
	[tilespmem:$0x2180] =	vst v63  }
0x9b: {  	s20 =	simm.s32 $0x1800  }
0x9c: {  	[spmem:s1] =	stream.indirect.scatter.add.f32 [tilespmem:s7], [sflag:$0x1], $0x1, s20, s6, $0xb8;
	[tilespmem:$0x2180] =	vst v63  }
0x9d: {  	s21 =	simm.s32 $0x1880  }
0x9e: {  	[spmem:s1] =	stream.indirect.scatter.add.f32 [tilespmem:s7], [sflag:$0x1], $0x1, s21, s6, $0xb8;
	[tilespmem:$0x2180] =	vst v63  }
0x9f: {  	s22 =	simm.s32 $0x1900  }
0xa0: {  	[spmem:s1] =	stream.indirect.scatter.add.f32 [tilespmem:s7], [sflag:$0x1], $0x1, s22, s6, $0xb8;
	[tilespmem:$0x2180] =	vst v63  }
0xa1: {  	s23 =	simm.s32 $0x1980  }
0xa2: {  	[spmem:s1] =	stream.indirect.scatter.add.f32 [tilespmem:s7], [sflag:$0x1], $0x1, s23, s6, $0xb8;
	[tilespmem:$0x2180] =	vst v63  }
0xa3: {  	s24 =	simm.s32 $0x1A00  }
0xa4: {  	[spmem:s1] =	stream.indirect.scatter.add.f32 [tilespmem:s7], [sflag:$0x1], $0x1, s24, s6, $0xb8;
	[tilespmem:$0x2180] =	vst v63  }
0xa5: {  	s25 =	simm.s32 $0x1A80;
	s26 =	simm.s32 $0x1  }
0xa6: {  	[spmem:s1] =	stream.indirect.scatter.add.f32 [tilespmem:s7], [sflag:$0x1], $0x1, s25, s6, $0xb8;
	[tilespmem:$0x2180] =	vst v63  }
0xa7: {  	_ =	swait.ge [sflag:s26], $0x60  }
0xa8: {  	[sflag:s26] =	ssyncset.done $0x0  }
0xa9: {  	[sflag:s26] =	ssyncadd.s32 $0xFFFFFFA0  }
0xaa: {  	_ =	swait.ge [sflag:s26], $0x60  }
0xab: {  	[sflag:s26] =	ssyncset.done $0x0  }
0xac: {  	[sflag:s26] =	ssyncadd.s32 $0xFFFFFFA0  }
0xad: {  	_ =	swait.ge [sflag:s26], $0x60  }
0xae: {  	[sflag:s26] =	ssyncset.done $0x0  }
0xaf: {  	[sflag:s26] =	ssyncadd.s32 $0xFFFFFFA0  }
0xb0: {  	_ =	swait.ge [sflag:s26], $0x60  }
0xb1: {  	[sflag:s26] =	ssyncset.done $0x0  }
0xb2: {  	[sflag:s26] =	ssyncadd.s32 $0xFFFFFFA0  }
0xb3: {  	_ =	swait.ge [sflag:s26], $0x60  }
0xb4: {  	[sflag:s26] =	ssyncset.done $0x0  }
0xb5: {  	[sflag:s26] =	ssyncadd.s32 $0xFFFFFFA0  }
0xb6: {  	_ =	swait.ge [sflag:s26], $0x60  }
0xb7: {  	[sflag:s26] =	ssyncset.done $0x0  }
0xb8: {  	[sflag:s26] =	ssyncadd.s32 $0xFFFFFFA0  }
0xb9: {  	_ =	swait.ge [sflag:s26], $0x60  }
0xba: {  	[sflag:s26] =	ssyncset.done $0x0  }
0xbb: {  	[sflag:s26] =	ssyncadd.s32 $0xFFFFFFA0  }
0xbc: {  	_ =	swait.ge [sflag:s26], $0x60  }
0xbd: {  	[sflag:s26] =	ssyncset.done $0x0  }
0xbe: {  	[sflag:s26] =	ssyncadd.s32 $0xFFFFFFA0  }
0xbf: {  	_ =	swait.ge [sflag:s26], $0x60  }
0xc0: {  	[sflag:s26] =	ssyncset.done $0x0  }
0xc1: {  	[sflag:s26] =	ssyncadd.s32 $0xFFFFFFA0  }
0xc2: {  	_ =	swait.ge [sflag:s26], $0x60  }
0xc3: {  	[sflag:s26] =	ssyncset.done $0x0  }
0xc4: {  	[sflag:s26] =	ssyncadd.s32 $0xFFFFFFA0  }
0xc5: {  	_ =	swait.ge [sflag:s26], $0x60  }
0xc6: {  	[sflag:s26] =	ssyncset.done $0x0  }
0xc7: {  	[sflag:s26] =	ssyncadd.s32 $0xFFFFFFA0  }
0xc8: {  	_ =	swait.ge [sflag:s26], $0x60  }
0xc9: {  	[sflag:s26] =	ssyncset.done $0x0  }
0xca: {  	[sflag:s26] =	ssyncadd.s32 $0xFFFFFFA0  }
0xcb: {  	_ =	swait.ge [sflag:s26], $0x60  }
0xcc: {  	[sflag:s26] =	ssyncset.done $0x0  }
0xcd: {  	[sflag:s26] =	ssyncadd.s32 $0xFFFFFFA0  }
0xce: {  	_ =	swait.ge [sflag:s26], $0x60  }
0xcf: {  	[sflag:s26] =	ssyncset.done $0x0  }
0xd0: {  	[sflag:s26] =	ssyncadd.s32 $0xFFFFFFA0  }
0xd1: {  	_ =	swait.ge [sflag:s26], $0x60  }
0xd2: {  	[sflag:s26] =	ssyncset.done $0x0  }
0xd3: {  	[sflag:s26] =	ssyncadd.s32 $0xFFFFFFA0  }
0xd4: {  	_ =	swait.ge [sflag:s26], $0x60  }
0xd5: {  	[sflag:s26] =	ssyncset.done $0x0  }
0xd6: {  	[sflag:s26] =	ssyncadd.s32 $0xFFFFFFA0  }
0xd7: {  	_ =	swait.ge [sflag:s26], $0x60  }
0xd8: {  	[sflag:s26] =	ssyncset.done $0x0  }
0xd9: {  	[sflag:s26] =	ssyncadd.s32 $0xFFFFFFA0  }
0xda: {  	_ =	swait.ge [sflag:s26], $0x60  }
0xdb: {  	[sflag:s26] =	ssyncset.done $0x0  }
0xdc: {  	[sflag:s26] =	ssyncadd.s32 $0xFFFFFFA0  }
0xdd: {  	_ =	swait.ge [sflag:s26], $0x60  }
0xde: {  	[sflag:s26] =	ssyncset.done $0x0  }
0xdf: {  	[sflag:s26] =	ssyncadd.s32 $0xFFFFFFA0  }
0xe0: {  	_ =	swait.ge [sflag:s26], $0x60  }
0xe1: {  	[sflag:s26] =	ssyncset.done $0x0  }
0xe2: {  	[sflag:s26] =	ssyncadd.s32 $0xFFFFFFA0  }
0xe3: {  	_ =	swait.ge [sflag:s26], $0x60  }
0xe4: {  	[sflag:s26] =	ssyncset.done $0x0  }
0xe5: {  	[sflag:s26] =	ssyncadd.s32 $0xFFFFFFA0  }
0xe6: {  	_ =	swait.ge [sflag:s26], $0x60  }
0xe7: {  	[sflag:s26] =	ssyncset.done $0x0  }
0xe8: {  	[sflag:s26] =	ssyncadd.s32 $0xFFFFFFA0  }
0xe9: {  	_ =	swait.ge [sflag:s26], $0x60  }
0xea: {  	[sflag:s26] =	ssyncset.done $0x0  }
0xeb: {  	[sflag:s26] =	ssyncadd.s32 $0xFFFFFFA0  }
0xec: {  	_ =	swait.ge [sflag:s26], $0x60  }
0xed: {  	[sflag:s26] =	ssyncset.done $0x0  }
0xee: {  	[sflag:s26] =	ssyncadd.s32 $0xFFFFFFA0  }
0xef: {  	_ =	swait.ge [sflag:s26], $0x60  }
0xf0: {  	[sflag:s26] =	ssyncset.done $0x0  }
0xf1: {  	[sflag:s26] =	ssyncadd.s32 $0xFFFFFFA0  }
0xf2: {  	_ =	swait.ge [sflag:s26], $0x60  }
0xf3: {  	[sflag:s26] =	ssyncset.done $0x0  }
0xf4: {  	[sflag:s26] =	ssyncadd.s32 $0xFFFFFFA0  }
0xf5: {  	_ =	swait.ge [sflag:s26], $0x60  }
0xf6: {  	[sflag:s26] =	ssyncset.done $0x0  }
0xf7: {  	[sflag:s26] =	ssyncadd.s32 $0xFFFFFFA0  }
0xf8: {  	_ =	swait.ge [sflag:s26], $0x60  }
0xf9: {  	[sflag:s26] =	ssyncset.done $0x0  }
0xfa: {  	[sflag:s26] =	ssyncadd.s32 $0xFFFFFFA0  }
0xfb: {  	_ =	swait.ge [sflag:s26], $0x60  }
0xfc: {  	[sflag:s26] =	ssyncset.done $0x0  }
0xfd: {  	[sflag:s26] =	ssyncadd.s32 $0xFFFFFFA0  }
0xfe: {  	_ =	swait.ge [sflag:s26], $0x60  }
0xff: {  	[sflag:s26] =	ssyncset.done $0x0  }
0x100: {  	[sflag:s26] =	ssyncadd.s32 $0xFFFFFFA0  }
0x101: {  	_ =	swait.ge [sflag:s26], $0x60  }
0x102: {  	[sflag:s26] =	ssyncset.done $0x0  }
0x103: {  	[sflag:s26] =	ssyncadd.s32 $0xFFFFFFA0  }
0x104: {  	_ =	swait.ge [sflag:s26], $0x60  }
0x105: {  	[sflag:s26] =	ssyncset.done $0x0  }
0x106: {  	[sflag:s26] =	ssyncadd.s32 $0xFFFFFFA0  }
0x107: {  	_ =	swait.ge [sflag:s26], $0x60  }
0x108: {  	[sflag:s26] =	ssyncset.done $0x0  }
0x109: {  	[sflag:s26] =	ssyncadd.s32 $0xFFFFFFA0  }
0x10a: {  	_ =	swait.ge [sflag:s26], $0x60  }
0x10b: {  	[sflag:s26] =	ssyncset.done $0x0  }
0x10c: {  	[sflag:s26] =	ssyncadd.s32 $0xFFFFFFA0  }
0x10d: {  	_ =	swait.ge [sflag:s26], $0x60  }
0x10e: {  	[sflag:s26] =	ssyncset.done $0x0  }
0x10f: {  	[sflag:s26] =	ssyncadd.s32 $0xFFFFFFA0  }
0x110: {  	_ =	swait.ge [sflag:s26], $0x60  }
0x111: {  	[sflag:s26] =	ssyncset.done $0x0  }
0x112: {  	[sflag:s26] =	ssyncadd.s32 $0xFFFFFFA0  }
0x113: {  	_ =	swait.ge [sflag:s26], $0x60  }
0x114: {  	[sflag:s26] =	ssyncset.done $0x0  }
0x115: {  	[sflag:s26] =	ssyncadd.s32 $0xFFFFFFA0  }
0x116: {  	_ =	swait.ge [sflag:s26], $0x60  }
0x117: {  	[sflag:s26] =	ssyncset.done $0x0  }
0x118: {  	[sflag:s26] =	ssyncadd.s32 $0xFFFFFFA0  }
0x119: {  	_ =	swait.ge [sflag:s26], $0x60  }
0x11a: {  	[sflag:s26] =	ssyncset.done $0x0  }
0x11b: {  	[sflag:s26] =	ssyncadd.s32 $0xFFFFFFA0  }
0x11c: {  	_ =	swait.ge [sflag:s26], $0x60  }
0x11d: {  	[sflag:s26] =	ssyncset.done $0x0  }
0x11e: {  	[sflag:s26] =	ssyncadd.s32 $0xFFFFFFA0  }
0x11f: {  	_ =	swait.ge [sflag:s26], $0x60  }
0x120: {  	[sflag:s26] =	ssyncset.done $0x0  }
0x121: {  	[sflag:s26] =	ssyncadd.s32 $0xFFFFFFA0  }
0x122: {  	_ =	swait.ge [sflag:s26], $0x60  }
0x123: {  	[sflag:s26] =	ssyncset.done $0x0  }
0x124: {  	[sflag:s26] =	ssyncadd.s32 $0xFFFFFFA0  }
0x125: {  	_ =	swait.ge [sflag:s26], $0x60  }
0x126: {  	[sflag:s26] =	ssyncset.done $0x0  }
0x127: {  	[sflag:s26] =	ssyncadd.s32 $0xFFFFFFA0  }
0x128: {  	_ =	swait.ge [sflag:s26], $0x60  }
0x129: {  	[sflag:s26] =	ssyncset.done $0x0  }
0x12a: {  	[sflag:s26] =	ssyncadd.s32 $0xFFFFFFA0  }
0x12b: {  	_ =	swait.ge [sflag:s26], $0x60  }
0x12c: {  	[sflag:s26] =	ssyncset.done $0x0  }
0x12d: {  	[sflag:s26] =	ssyncadd.s32 $0xFFFFFFA0  }
0x12e: {  	_ =	swait.ge [sflag:s26], $0x60  }
0x12f: {  	[sflag:s26] =	ssyncset.done $0x0  }
0x130: {  	[sflag:s26] =	ssyncadd.s32 $0xFFFFFFA0  }
0x131: {  	_ =	swait.ge [sflag:s26], $0x60  }
0x132: {  	[sflag:s26] =	ssyncset.done $0x0  }
0x133: {  	[sflag:s26] =	ssyncadd.s32 $0xFFFFFFA0  }
0x134: {  	_ =	swait.ge [sflag:s26], $0x60  }
0x135: {  	[sflag:s26] =	ssyncset.done $0x0  }
0x136: {  	[sflag:s26] =	ssyncadd.s32 $0xFFFFFFA0  }
0x137: {  	_ =	swait.ge [sflag:s26], $0x60  }
0x138: {  	[sflag:s26] =	ssyncset.done $0x0  }
0x139: {  	[sflag:s26] =	ssyncadd.s32 $0xFFFFFFA0  }
0x13a: {  	_ =	swait.ge [sflag:s26], $0x60  }
0x13b: {  	[sflag:s26] =	ssyncset.done $0x0  }
0x13c: {  	[sflag:s26] =	ssyncadd.s32 $0xFFFFFFA0  }
0x13d: {  	_ =	swait.ge [sflag:s26], $0x60  }
0x13e: {  	[sflag:s26] =	ssyncset.done $0x0  }
0x13f: {  	[sflag:s26] =	ssyncadd.s32 $0xFFFFFFA0  }
0x140: {  	_ =	swait.ge [sflag:s26], $0x60  }
0x141: {  	[sflag:s26] =	ssyncset.done $0x0  }
0x142: {  	[sflag:s26] =	ssyncadd.s32 $0xFFFFFFA0  }
0x143: {  	_ =	swait.ge [sflag:s26], $0x60  }
0x144: {  	s28 =	ssub.s32 $0x2, s28;
	[sflag:s26] =	ssyncset.done $0x0  }
0x145: {  	s29 =	sshrl.u32 s28, $0x1;
	[sflag:s26] =	ssyncadd.s32 $0xFFFFFFA0  }
0x146: {  	s0 =	ssub.s32 s28, s29;
	_ =	swait.ge [sflag:s26], $0x60  }
0x147: {  	s0 =	smax.u32 s0, $0x1;
	[sflag:s26] =	ssyncset.done $0x0  }
0x148: {  	p0 =	sne.s32 s0, $0x1;
	[sflag:s26] =	ssyncadd.s32 $0xFFFFFFA0  }
.Ltmp0:
0x149: {  	s31 =	sshll.u32 s2, $0x6;
	[bflag:$0x0] =	sbarrier.arrive $0xFFFF;
	(pc) =	sbr.rel @!p0 .LBB2_2-.Ltmp0, $4  }
0x14a: {  	s29 =	sshrl.u32 s5, $0x3;
	s28 =	sor.u32 $0x1C02, s31;
	s30 =	rddreg [dreg:$0x5]  }
0x14b: {  	[hbm:s30], [sflag:s28] =	dma.local [spmem:s29], $0x50  }
0x14c: {  	_ =	swait.ge [sflag:s4], $0x50  }
0x14d: {  	s30 =	sadd.s32 $0xFFFFFFFF, s0;
	[sflag:s4] =	ssyncset.done $0x0  }
.LBB2_1:
0x14e: {  	[sflag:s4] =	ssyncadd.s32 $0xFFFFFFB0  }
0x14f: {  	[tilespmem:$0x1C00] =	vst v0  }
0x150: {  	[tilespmem:$0x1EF0] =	vst v1  }
0x151: {  	[tilespmem:$0x1EE0] =	vst v1  }
0x152: {  	[tilespmem:$0x1ED0] =	vst v1  }
0x153: {  	[tilespmem:$0x1EC0] =	vst v1  }
0x154: {  	[tilespmem:$0x1EB0] =	vst v1  }
0x155: {  	[tilespmem:$0x1EA0] =	vst v1  }
0x156: {  	[tilespmem:$0x1E90] =	vst v1  }
0x157: {  	[tilespmem:$0x1E80] =	vst v1  }
0x158: {  	[tilespmem:$0x1E70] =	vst v1  }
0x159: {  	[tilespmem:$0x1E60] =	vst v1  }
0x15a: {  	[tilespmem:$0x1E50] =	vst v1  }
0x15b: {  	[tilespmem:$0x1E40] =	vst v1  }
0x15c: {  	[tilespmem:$0x1E30] =	vst v1  }
0x15d: {  	[tilespmem:$0x1E20] =	vst v1  }
0x15e: {  	[tilespmem:$0x1E10] =	vst v1  }
0x15f: {  	[tilespmem:$0x1E00] =	vst v1  }
0x160: {  	[tilespmem:$0x1DF0] =	vst v1  }
0x161: {  	[tilespmem:$0x1DE0] =	vst v1  }
0x162: {  	[tilespmem:$0x1DD0] =	vst v1  }
0x163: {  	[tilespmem:$0x1DC0] =	vst v1  }
0x164: {  	[tilespmem:$0x1DB0] =	vst v1  }
0x165: {  	[tilespmem:$0x1DA0] =	vst v1  }
0x166: {  	[tilespmem:$0x1D90] =	vst v1  }
0x167: {  	[tilespmem:$0x1D80] =	vst v1  }
0x168: {  	[tilespmem:$0x1D70] =	vst v1  }
0x169: {  	[tilespmem:$0x1D60] =	vst v1  }
0x16a: {  	[tilespmem:$0x1D50] =	vst v1  }
0x16b: {  	[tilespmem:$0x1D40] =	vst v1  }
0x16c: {  	[tilespmem:$0x1D30] =	vst v1  }
0x16d: {  	[tilespmem:$0x1D20] =	vst v1  }
0x16e: {  	[tilespmem:$0x1D10] =	vst v1  }
0x16f: {  	[tilespmem:$0x1D00] =	vst v1  }
0x170: {  	[tilespmem:$0x1CF0] =	vst v1  }
0x171: {  	[tilespmem:$0x1CE0] =	vst v1  }
0x172: {  	[tilespmem:$0x1CD0] =	vst v1  }
0x173: {  	[tilespmem:$0x1CC0] =	vst v1  }
0x174: {  	[tilespmem:$0x1CB0] =	vst v1  }
0x175: {  	[tilespmem:$0x1CA0] =	vst v1  }
0x176: {  	[tilespmem:$0x1C90] =	vst v1  }
0x177: {  	[tilespmem:$0x1C80] =	vst v1  }
0x178: {  	[tilespmem:$0x1C50] =	vst v0  }
0x179: {  	[tilespmem:$0x1C40] =	vst v0  }
0x17a: {  	[tilespmem:$0x1C30] =	vst v0  }
0x17b: {  	[tilespmem:$0x1C20] =	vst v0  }
0x17c: {  	s0 =	rddreg [dreg:$0x4];
	[tilespmem:$0x1C10] =	vst v0  }
0x17d: {  	[tilespmem:s3], [sflag:$0x2] =	stream.linear.gather [hbm4b:s0+s3], $0x1B00, $0x38;
	[tilespmem:$0x2180] =	vst v63  }
0x17e: {  	_ =	swait.ge [sflag:s4], $0x1B00  }
0x17f: {  	[sflag:s4] =	ssyncset.done $0x0  }
0x180: {  	s31 =	rddreg [dreg:$0x6];
	[sflag:s4] =	ssyncadd.s32 $0xFFFFE500  }
0x181: {  	[spmem:s5] =	stream.linear.scatter [tilespmem:s31], [sflag:$0x2], $0x280, $0x38;
	[tilespmem:$0x2180] =	vst v63  }
0x182: {  	_ =	swait.ge [sflag:s4], $0x280  }
0x183: {  	[sflag:s4] =	ssyncset.done $0x0  }
0x184: {  	[sflag:s4] =	ssyncadd.s32 $0xFFFFFD80  }
0x185: {  	[bflag:$0x0] =	sbarrier.arrive $0xFFFF  }
0x186: {  	s0 =	rddreg [dreg:$0x7]  }
0x187: {  	[spmem:s1] =	stream.indirect.scatter.add.f32 [tilespmem:s7], [sflag:$0x1], $0x1, s3, s6, $0xb8;
	[tilespmem:$0x2180] =	vst v63  }
0x188: {  	s31 =	rddreg [dreg:$0x8]  }
0x189: {  	[spmem:s1] =	stream.indirect.scatter.add.f32 [tilespmem:s7], [sflag:$0x1], $0x1, s0, s6, $0xb8;
	[tilespmem:$0x2180] =	vst v63  }
0x18a: {  	s0 =	rddreg [dreg:$0x9]  }
0x18b: {  	[spmem:s1] =	stream.indirect.scatter.add.f32 [tilespmem:s7], [sflag:$0x1], $0x1, s31, s6, $0xb8;
	[tilespmem:$0x2180] =	vst v63  }
0x18c: {  	s31 =	rddreg [dreg:$0xa]  }
0x18d: {  	[spmem:s1] =	stream.indirect.scatter.add.f32 [tilespmem:s7], [sflag:$0x1], $0x1, s0, s6, $0xb8;
	[tilespmem:$0x2180] =	vst v63  }
0x18e: {  	s0 =	rddreg [dreg:$0xb]  }
0x18f: {  	[spmem:s1] =	stream.indirect.scatter.add.f32 [tilespmem:s7], [sflag:$0x1], $0x1, s31, s6, $0xb8;
	[tilespmem:$0x2180] =	vst v63  }
0x190: {  	s31 =	rddreg [dreg:$0xc]  }
0x191: {  	[spmem:s1] =	stream.indirect.scatter.add.f32 [tilespmem:s7], [sflag:$0x1], $0x1, s0, s6, $0xb8;
	[tilespmem:$0x2180] =	vst v63  }
0x192: {  	s0 =	rddreg [dreg:$0xd]  }
0x193: {  	[spmem:s1] =	stream.indirect.scatter.add.f32 [tilespmem:s7], [sflag:$0x1], $0x1, s31, s6, $0xb8;
	[tilespmem:$0x2180] =	vst v63  }
0x194: {  	s31 =	rddreg [dreg:$0xe]  }
0x195: {  	[spmem:s1] =	stream.indirect.scatter.add.f32 [tilespmem:s7], [sflag:$0x1], $0x1, s0, s6, $0xb8;
	[tilespmem:$0x2180] =	vst v63  }
0x196: {  	s0 =	rddreg [dreg:$0xf]  }
0x197: {  	[spmem:s1] =	stream.indirect.scatter.add.f32 [tilespmem:s7], [sflag:$0x1], $0x1, s31, s6, $0xb8;
	[tilespmem:$0x2180] =	vst v63  }
0x198: {  	s31 =	rddreg [dreg:$0x10]  }
0x199: {  	[spmem:s1] =	stream.indirect.scatter.add.f32 [tilespmem:s7], [sflag:$0x1], $0x1, s0, s6, $0xb8;
	[tilespmem:$0x2180] =	vst v63  }
0x19a: {  	s0 =	rddreg [dreg:$0x11]  }
0x19b: {  	[spmem:s1] =	stream.indirect.scatter.add.f32 [tilespmem:s7], [sflag:$0x1], $0x1, s31, s6, $0xb8;
	[tilespmem:$0x2180] =	vst v63  }
0x19c: {  	s31 =	rddreg [dreg:$0x12]  }
0x19d: {  	[spmem:s1] =	stream.indirect.scatter.add.f32 [tilespmem:s7], [sflag:$0x1], $0x1, s0, s6, $0xb8;
	[tilespmem:$0x2180] =	vst v63  }
0x19e: {  	s0 =	rddreg [dreg:$0x13]  }
0x19f: {  	[spmem:s1] =	stream.indirect.scatter.add.f32 [tilespmem:s7], [sflag:$0x1], $0x1, s31, s6, $0xb8;
	[tilespmem:$0x2180] =	vst v63  }
0x1a0: {  	s31 =	rddreg [dreg:$0x14]  }
0x1a1: {  	[spmem:s1] =	stream.indirect.scatter.add.f32 [tilespmem:s7], [sflag:$0x1], $0x1, s0, s6, $0xb8;
	[tilespmem:$0x2180] =	vst v63  }
0x1a2: {  	s0 =	rddreg [dreg:$0x15]  }
0x1a3: {  	[spmem:s1] =	stream.indirect.scatter.add.f32 [tilespmem:s7], [sflag:$0x1], $0x1, s31, s6, $0xb8;
	[tilespmem:$0x2180] =	vst v63  }
0x1a4: {  	s31 =	rddreg [dreg:$0x16]  }
0x1a5: {  	[spmem:s1] =	stream.indirect.scatter.add.f32 [tilespmem:s7], [sflag:$0x1], $0x1, s0, s6, $0xb8;
	[tilespmem:$0x2180] =	vst v63  }
0x1a6: {  	s0 =	rddreg [dreg:$0x17]  }
0x1a7: {  	[spmem:s1] =	stream.indirect.scatter.add.f32 [tilespmem:s7], [sflag:$0x1], $0x1, s31, s6, $0xb8;
	[tilespmem:$0x2180] =	vst v63  }
0x1a8: {  	s31 =	rddreg [dreg:$0x18]  }
0x1a9: {  	[spmem:s1] =	stream.indirect.scatter.add.f32 [tilespmem:s7], [sflag:$0x1], $0x1, s0, s6, $0xb8;
	[tilespmem:$0x2180] =	vst v63  }
0x1aa: {  	s0 =	rddreg [dreg:$0x19]  }
0x1ab: {  	[spmem:s1] =	stream.indirect.scatter.add.f32 [tilespmem:s7], [sflag:$0x1], $0x1, s31, s6, $0xb8;
	[tilespmem:$0x2180] =	vst v63  }
0x1ac: {  	s31 =	rddreg [dreg:$0x1a]  }
0x1ad: {  	[spmem:s1] =	stream.indirect.scatter.add.f32 [tilespmem:s7], [sflag:$0x1], $0x1, s0, s6, $0xb8;
	[tilespmem:$0x2180] =	vst v63  }
0x1ae: {  	s0 =	rddreg [dreg:$0x1b]  }
0x1af: {  	[spmem:s1] =	stream.indirect.scatter.add.f32 [tilespmem:s7], [sflag:$0x1], $0x1, s31, s6, $0xb8;
	[tilespmem:$0x2180] =	vst v63  }
0x1b0: {  	s31 =	rddreg [dreg:$0x1c]  }
0x1b1: {  	[spmem:s1] =	stream.indirect.scatter.add.f32 [tilespmem:s7], [sflag:$0x1], $0x1, s0, s6, $0xb8;
	[tilespmem:$0x2180] =	vst v63  }
0x1b2: {  	s0 =	rddreg [dreg:$0x1d]  }
0x1b3: {  	[spmem:s1] =	stream.indirect.scatter.add.f32 [tilespmem:s7], [sflag:$0x1], $0x1, s31, s6, $0xb8;
	[tilespmem:$0x2180] =	vst v63  }
0x1b4: {  	s31 =	rddreg [dreg:$0x1e]  }
0x1b5: {  	[spmem:s1] =	stream.indirect.scatter.add.f32 [tilespmem:s7], [sflag:$0x1], $0x1, s0, s6, $0xb8;
	[tilespmem:$0x2180] =	vst v63  }
0x1b6: {  	s0 =	rddreg [dreg:$0x1f]  }
0x1b7: {  	[spmem:s1] =	stream.indirect.scatter.add.f32 [tilespmem:s7], [sflag:$0x1], $0x1, s31, s6, $0xb8;
	[tilespmem:$0x2180] =	vst v63  }
0x1b8: {  	s31 =	sld [smem:$0x7F4]  }
0x1b9: {  	[spmem:s1] =	stream.indirect.scatter.add.f32 [tilespmem:s7], [sflag:$0x1], $0x1, s0, s6, $0xb8;
	[tilespmem:$0x2180] =	vst v63  }
0x1ba: {  	s0 =	sld [smem:$0x7F5]  }
0x1bb: {  	[spmem:s1] =	stream.indirect.scatter.add.f32 [tilespmem:s7], [sflag:$0x1], $0x1, s31, s6, $0xb8;
	[tilespmem:$0x2180] =	vst v63  }
0x1bc: {  	s31 =	sld [smem:$0x7F6]  }
0x1bd: {  	[spmem:s1] =	stream.indirect.scatter.add.f32 [tilespmem:s7], [sflag:$0x1], $0x1, s0, s6, $0xb8;
	[tilespmem:$0x2180] =	vst v63  }
0x1be: {  	s0 =	sld [smem:$0x7F7]  }
0x1bf: {  	[spmem:s1] =	stream.indirect.scatter.add.f32 [tilespmem:s7], [sflag:$0x1], $0x1, s31, s6, $0xb8;
	[tilespmem:$0x2180] =	vst v63  }
0x1c0: {  	s31 =	sld [smem:$0x7F8]  }
0x1c1: {  	[spmem:s1] =	stream.indirect.scatter.add.f32 [tilespmem:s7], [sflag:$0x1], $0x1, s0, s6, $0xb8;
	[tilespmem:$0x2180] =	vst v63  }
0x1c2: {  	s0 =	sld [smem:$0x7F9]  }
0x1c3: {  	[spmem:s1] =	stream.indirect.scatter.add.f32 [tilespmem:s7], [sflag:$0x1], $0x1, s31, s6, $0xb8;
	[tilespmem:$0x2180] =	vst v63  }
0x1c4: {  	s31 =	sld [smem:$0x7FA]  }
0x1c5: {  	[spmem:s1] =	stream.indirect.scatter.add.f32 [tilespmem:s7], [sflag:$0x1], $0x1, s0, s6, $0xb8;
	[tilespmem:$0x2180] =	vst v63  }
0x1c6: {  	s0 =	sld [smem:$0x7FB]  }
0x1c7: {  	[spmem:s1] =	stream.indirect.scatter.add.f32 [tilespmem:s7], [sflag:$0x1], $0x1, s31, s6, $0xb8;
	[tilespmem:$0x2180] =	vst v63  }
0x1c8: {  	s31 =	sld [smem:$0x7FC]  }
0x1c9: {  	[spmem:s1] =	stream.indirect.scatter.add.f32 [tilespmem:s7], [sflag:$0x1], $0x1, s0, s6, $0xb8;
	[tilespmem:$0x2180] =	vst v63  }
0x1ca: {  	s0 =	sld [smem:$0x7FD]  }
0x1cb: {  	[spmem:s1] =	stream.indirect.scatter.add.f32 [tilespmem:s7], [sflag:$0x1], $0x1, s31, s6, $0xb8;
	[tilespmem:$0x2180] =	vst v63  }
0x1cc: {  	_ = 	snop  }
0x1cd: {  	[spmem:s1] =	stream.indirect.scatter.add.f32 [tilespmem:s7], [sflag:$0x1], $0x1, s0, s6, $0xb8;
	[tilespmem:$0x2180] =	vst v63  }
0x1ce: {  	_ = 	snop  }
0x1cf: {  	[spmem:s1] =	stream.indirect.scatter.add.f32 [tilespmem:s7], [sflag:$0x1], $0x1, s8, s6, $0xb8;
	[tilespmem:$0x2180] =	vst v63  }
0x1d0: {  	_ = 	snop  }
0x1d1: {  	[spmem:s1] =	stream.indirect.scatter.add.f32 [tilespmem:s7], [sflag:$0x1], $0x1, s9, s6, $0xb8;
	[tilespmem:$0x2180] =	vst v63  }
0x1d2: {  	_ = 	snop  }
0x1d3: {  	[spmem:s1] =	stream.indirect.scatter.add.f32 [tilespmem:s7], [sflag:$0x1], $0x1, s10, s6, $0xb8;
	[tilespmem:$0x2180] =	vst v63  }
0x1d4: {  	_ = 	snop  }
0x1d5: {  	[spmem:s1] =	stream.indirect.scatter.add.f32 [tilespmem:s7], [sflag:$0x1], $0x1, s11, s6, $0xb8;
	[tilespmem:$0x2180] =	vst v63  }
0x1d6: {  	_ = 	snop  }
0x1d7: {  	[spmem:s1] =	stream.indirect.scatter.add.f32 [tilespmem:s7], [sflag:$0x1], $0x1, s12, s6, $0xb8;
	[tilespmem:$0x2180] =	vst v63  }
0x1d8: {  	_ = 	snop  }
0x1d9: {  	[spmem:s1] =	stream.indirect.scatter.add.f32 [tilespmem:s7], [sflag:$0x1], $0x1, s13, s6, $0xb8;
	[tilespmem:$0x2180] =	vst v63  }
0x1da: {  	_ = 	snop  }
0x1db: {  	[spmem:s1] =	stream.indirect.scatter.add.f32 [tilespmem:s7], [sflag:$0x1], $0x1, s14, s6, $0xb8;
	[tilespmem:$0x2180] =	vst v63  }
0x1dc: {  	_ = 	snop  }
0x1dd: {  	[spmem:s1] =	stream.indirect.scatter.add.f32 [tilespmem:s7], [sflag:$0x1], $0x1, s15, s6, $0xb8;
	[tilespmem:$0x2180] =	vst v63  }
0x1de: {  	_ = 	snop  }
0x1df: {  	[spmem:s1] =	stream.indirect.scatter.add.f32 [tilespmem:s7], [sflag:$0x1], $0x1, s16, s6, $0xb8;
	[tilespmem:$0x2180] =	vst v63  }
0x1e0: {  	_ = 	snop  }
0x1e1: {  	[spmem:s1] =	stream.indirect.scatter.add.f32 [tilespmem:s7], [sflag:$0x1], $0x1, s17, s6, $0xb8;
	[tilespmem:$0x2180] =	vst v63  }
0x1e2: {  	_ = 	snop  }
0x1e3: {  	[spmem:s1] =	stream.indirect.scatter.add.f32 [tilespmem:s7], [sflag:$0x1], $0x1, s18, s6, $0xb8;
	[tilespmem:$0x2180] =	vst v63  }
0x1e4: {  	_ = 	snop  }
0x1e5: {  	[spmem:s1] =	stream.indirect.scatter.add.f32 [tilespmem:s7], [sflag:$0x1], $0x1, s19, s6, $0xb8;
	[tilespmem:$0x2180] =	vst v63  }
0x1e6: {  	_ = 	snop  }
0x1e7: {  	[spmem:s1] =	stream.indirect.scatter.add.f32 [tilespmem:s7], [sflag:$0x1], $0x1, s20, s6, $0xb8;
	[tilespmem:$0x2180] =	vst v63  }
0x1e8: {  	_ = 	snop  }
0x1e9: {  	[spmem:s1] =	stream.indirect.scatter.add.f32 [tilespmem:s7], [sflag:$0x1], $0x1, s21, s6, $0xb8;
	[tilespmem:$0x2180] =	vst v63  }
0x1ea: {  	_ = 	snop  }
0x1eb: {  	[spmem:s1] =	stream.indirect.scatter.add.f32 [tilespmem:s7], [sflag:$0x1], $0x1, s22, s6, $0xb8;
	[tilespmem:$0x2180] =	vst v63  }
0x1ec: {  	_ = 	snop  }
0x1ed: {  	[spmem:s1] =	stream.indirect.scatter.add.f32 [tilespmem:s7], [sflag:$0x1], $0x1, s23, s6, $0xb8;
	[tilespmem:$0x2180] =	vst v63  }
0x1ee: {  	_ = 	snop  }
0x1ef: {  	[spmem:s1] =	stream.indirect.scatter.add.f32 [tilespmem:s7], [sflag:$0x1], $0x1, s24, s6, $0xb8;
	[tilespmem:$0x2180] =	vst v63  }
0x1f0: {  	_ = 	snop  }
0x1f1: {  	[spmem:s1] =	stream.indirect.scatter.add.f32 [tilespmem:s7], [sflag:$0x1], $0x1, s25, s6, $0xb8;
	[tilespmem:$0x2180] =	vst v63  }
0x1f2: {  	_ =	swait.ge [sflag:s26], $0x60  }
0x1f3: {  	[sflag:s26] =	ssyncset.done $0x0  }
0x1f4: {  	[sflag:s26] =	ssyncadd.s32 $0xFFFFFFA0  }
0x1f5: {  	_ =	swait.ge [sflag:s26], $0x60  }
0x1f6: {  	[sflag:s26] =	ssyncset.done $0x0  }
0x1f7: {  	[sflag:s26] =	ssyncadd.s32 $0xFFFFFFA0  }
0x1f8: {  	_ =	swait.ge [sflag:s26], $0x60  }
0x1f9: {  	[sflag:s26] =	ssyncset.done $0x0  }
0x1fa: {  	[sflag:s26] =	ssyncadd.s32 $0xFFFFFFA0  }
0x1fb: {  	_ =	swait.ge [sflag:s26], $0x60  }
0x1fc: {  	[sflag:s26] =	ssyncset.done $0x0  }
0x1fd: {  	[sflag:s26] =	ssyncadd.s32 $0xFFFFFFA0  }
0x1fe: {  	_ =	swait.ge [sflag:s26], $0x60  }
0x1ff: {  	[sflag:s26] =	ssyncset.done $0x0  }
0x200: {  	[sflag:s26] =	ssyncadd.s32 $0xFFFFFFA0  }
0x201: {  	_ =	swait.ge [sflag:s26], $0x60  }
0x202: {  	[sflag:s26] =	ssyncset.done $0x0  }
0x203: {  	[sflag:s26] =	ssyncadd.s32 $0xFFFFFFA0  }
0x204: {  	_ =	swait.ge [sflag:s26], $0x60  }
0x205: {  	[sflag:s26] =	ssyncset.done $0x0  }
0x206: {  	[sflag:s26] =	ssyncadd.s32 $0xFFFFFFA0  }
0x207: {  	_ =	swait.ge [sflag:s26], $0x60  }
0x208: {  	[sflag:s26] =	ssyncset.done $0x0  }
0x209: {  	[sflag:s26] =	ssyncadd.s32 $0xFFFFFFA0  }
0x20a: {  	_ =	swait.ge [sflag:s26], $0x60  }
0x20b: {  	[sflag:s26] =	ssyncset.done $0x0  }
0x20c: {  	[sflag:s26] =	ssyncadd.s32 $0xFFFFFFA0  }
0x20d: {  	_ =	swait.ge [sflag:s26], $0x60  }
0x20e: {  	[sflag:s26] =	ssyncset.done $0x0  }
0x20f: {  	[sflag:s26] =	ssyncadd.s32 $0xFFFFFFA0  }
0x210: {  	_ =	swait.ge [sflag:s26], $0x60  }
0x211: {  	[sflag:s26] =	ssyncset.done $0x0  }
0x212: {  	[sflag:s26] =	ssyncadd.s32 $0xFFFFFFA0  }
0x213: {  	_ =	swait.ge [sflag:s26], $0x60  }
0x214: {  	[sflag:s26] =	ssyncset.done $0x0  }
0x215: {  	[sflag:s26] =	ssyncadd.s32 $0xFFFFFFA0  }
0x216: {  	_ =	swait.ge [sflag:s26], $0x60  }
0x217: {  	[sflag:s26] =	ssyncset.done $0x0  }
0x218: {  	[sflag:s26] =	ssyncadd.s32 $0xFFFFFFA0  }
0x219: {  	_ =	swait.ge [sflag:s26], $0x60  }
0x21a: {  	[sflag:s26] =	ssyncset.done $0x0  }
0x21b: {  	[sflag:s26] =	ssyncadd.s32 $0xFFFFFFA0  }
0x21c: {  	_ =	swait.ge [sflag:s26], $0x60  }
0x21d: {  	[sflag:s26] =	ssyncset.done $0x0  }
0x21e: {  	[sflag:s26] =	ssyncadd.s32 $0xFFFFFFA0  }
0x21f: {  	_ =	swait.ge [sflag:s26], $0x60  }
0x220: {  	[sflag:s26] =	ssyncset.done $0x0  }
0x221: {  	[sflag:s26] =	ssyncadd.s32 $0xFFFFFFA0  }
0x222: {  	_ =	swait.ge [sflag:s26], $0x60  }
0x223: {  	[sflag:s26] =	ssyncset.done $0x0  }
0x224: {  	[sflag:s26] =	ssyncadd.s32 $0xFFFFFFA0  }
0x225: {  	_ =	swait.ge [sflag:s26], $0x60  }
0x226: {  	[sflag:s26] =	ssyncset.done $0x0  }
0x227: {  	[sflag:s26] =	ssyncadd.s32 $0xFFFFFFA0  }
0x228: {  	_ =	swait.ge [sflag:s26], $0x60  }
0x229: {  	[sflag:s26] =	ssyncset.done $0x0  }
0x22a: {  	[sflag:s26] =	ssyncadd.s32 $0xFFFFFFA0  }
0x22b: {  	_ =	swait.ge [sflag:s26], $0x60  }
0x22c: {  	[sflag:s26] =	ssyncset.done $0x0  }
0x22d: {  	[sflag:s26] =	ssyncadd.s32 $0xFFFFFFA0  }
0x22e: {  	_ =	swait.ge [sflag:s26], $0x60  }
0x22f: {  	[sflag:s26] =	ssyncset.done $0x0  }
0x230: {  	[sflag:s26] =	ssyncadd.s32 $0xFFFFFFA0  }
0x231: {  	_ =	swait.ge [sflag:s26], $0x60  }
0x232: {  	[sflag:s26] =	ssyncset.done $0x0  }
0x233: {  	[sflag:s26] =	ssyncadd.s32 $0xFFFFFFA0  }
0x234: {  	_ =	swait.ge [sflag:s26], $0x60  }
0x235: {  	[sflag:s26] =	ssyncset.done $0x0  }
0x236: {  	[sflag:s26] =	ssyncadd.s32 $0xFFFFFFA0  }
0x237: {  	_ =	swait.ge [sflag:s26], $0x60  }
0x238: {  	[sflag:s26] =	ssyncset.done $0x0  }
0x239: {  	[sflag:s26] =	ssyncadd.s32 $0xFFFFFFA0  }
0x23a: {  	_ =	swait.ge [sflag:s26], $0x60  }
0x23b: {  	[sflag:s26] =	ssyncset.done $0x0  }
0x23c: {  	[sflag:s26] =	ssyncadd.s32 $0xFFFFFFA0  }
0x23d: {  	_ =	swait.ge [sflag:s26], $0x60  }
0x23e: {  	[sflag:s26] =	ssyncset.done $0x0  }
0x23f: {  	[sflag:s26] =	ssyncadd.s32 $0xFFFFFFA0  }
0x240: {  	_ =	swait.ge [sflag:s26], $0x60  }
0x241: {  	[sflag:s26] =	ssyncset.done $0x0  }
0x242: {  	[sflag:s26] =	ssyncadd.s32 $0xFFFFFFA0  }
0x243: {  	_ =	swait.ge [sflag:s26], $0x60  }
0x244: {  	[sflag:s26] =	ssyncset.done $0x0  }
0x245: {  	[sflag:s26] =	ssyncadd.s32 $0xFFFFFFA0  }
0x246: {  	_ =	swait.ge [sflag:s26], $0x60  }
0x247: {  	[sflag:s26] =	ssyncset.done $0x0  }
0x248: {  	[sflag:s26] =	ssyncadd.s32 $0xFFFFFFA0  }
0x249: {  	_ =	swait.ge [sflag:s26], $0x60  }
0x24a: {  	[sflag:s26] =	ssyncset.done $0x0  }
0x24b: {  	[sflag:s26] =	ssyncadd.s32 $0xFFFFFFA0  }
0x24c: {  	_ =	swait.ge [sflag:s26], $0x60  }
0x24d: {  	[sflag:s26] =	ssyncset.done $0x0  }
0x24e: {  	[sflag:s26] =	ssyncadd.s32 $0xFFFFFFA0  }
0x24f: {  	_ =	swait.ge [sflag:s26], $0x60  }
0x250: {  	[sflag:s26] =	ssyncset.done $0x0  }
0x251: {  	[sflag:s26] =	ssyncadd.s32 $0xFFFFFFA0  }
0x252: {  	_ =	swait.ge [sflag:s26], $0x60  }
0x253: {  	[sflag:s26] =	ssyncset.done $0x0  }
0x254: {  	[sflag:s26] =	ssyncadd.s32 $0xFFFFFFA0  }
0x255: {  	_ =	swait.ge [sflag:s26], $0x60  }
0x256: {  	[sflag:s26] =	ssyncset.done $0x0  }
0x257: {  	[sflag:s26] =	ssyncadd.s32 $0xFFFFFFA0  }
0x258: {  	_ =	swait.ge [sflag:s26], $0x60  }
0x259: {  	[sflag:s26] =	ssyncset.done $0x0  }
0x25a: {  	[sflag:s26] =	ssyncadd.s32 $0xFFFFFFA0  }
0x25b: {  	_ =	swait.ge [sflag:s26], $0x60  }
0x25c: {  	[sflag:s26] =	ssyncset.done $0x0  }
0x25d: {  	[sflag:s26] =	ssyncadd.s32 $0xFFFFFFA0  }
0x25e: {  	_ =	swait.ge [sflag:s26], $0x60  }
0x25f: {  	[sflag:s26] =	ssyncset.done $0x0  }
0x260: {  	[sflag:s26] =	ssyncadd.s32 $0xFFFFFFA0  }
0x261: {  	_ =	swait.ge [sflag:s26], $0x60  }
0x262: {  	[sflag:s26] =	ssyncset.done $0x0  }
0x263: {  	[sflag:s26] =	ssyncadd.s32 $0xFFFFFFA0  }
0x264: {  	_ =	swait.ge [sflag:s26], $0x60  }
0x265: {  	[sflag:s26] =	ssyncset.done $0x0  }
0x266: {  	[sflag:s26] =	ssyncadd.s32 $0xFFFFFFA0  }
0x267: {  	_ =	swait.ge [sflag:s26], $0x60  }
0x268: {  	[sflag:s26] =	ssyncset.done $0x0  }
0x269: {  	[sflag:s26] =	ssyncadd.s32 $0xFFFFFFA0  }
0x26a: {  	_ =	swait.ge [sflag:s26], $0x60  }
0x26b: {  	[sflag:s26] =	ssyncset.done $0x0  }
0x26c: {  	[sflag:s26] =	ssyncadd.s32 $0xFFFFFFA0  }
0x26d: {  	_ =	swait.ge [sflag:s26], $0x60  }
0x26e: {  	[sflag:s26] =	ssyncset.done $0x0  }
0x26f: {  	[sflag:s26] =	ssyncadd.s32 $0xFFFFFFA0  }
0x270: {  	_ =	swait.ge [sflag:s26], $0x60  }
0x271: {  	[sflag:s26] =	ssyncset.done $0x0  }
0x272: {  	[sflag:s26] =	ssyncadd.s32 $0xFFFFFFA0  }
0x273: {  	_ =	swait.ge [sflag:s26], $0x60  }
0x274: {  	[sflag:s26] =	ssyncset.done $0x0  }
0x275: {  	[sflag:s26] =	ssyncadd.s32 $0xFFFFFFA0  }
0x276: {  	_ =	swait.ge [sflag:s26], $0x60  }
0x277: {  	[sflag:s26] =	ssyncset.done $0x0  }
0x278: {  	[sflag:s26] =	ssyncadd.s32 $0xFFFFFFA0  }
0x279: {  	_ =	swait.ge [sflag:s26], $0x60  }
0x27a: {  	[sflag:s26] =	ssyncset.done $0x0  }
0x27b: {  	[sflag:s26] =	ssyncadd.s32 $0xFFFFFFA0  }
0x27c: {  	_ =	swait.ge [sflag:s26], $0x60  }
0x27d: {  	[sflag:s26] =	ssyncset.done $0x0  }
0x27e: {  	[sflag:s26] =	ssyncadd.s32 $0xFFFFFFA0  }
0x27f: {  	_ =	swait.ge [sflag:s26], $0x60  }
0x280: {  	[sflag:s26] =	ssyncset.done $0x0  }
0x281: {  	[sflag:s26] =	ssyncadd.s32 $0xFFFFFFA0  }
0x282: {  	_ =	swait.ge [sflag:s26], $0x60  }
0x283: {  	[sflag:s26] =	ssyncset.done $0x0  }
0x284: {  	[sflag:s26] =	ssyncadd.s32 $0xFFFFFFA0  }
0x285: {  	_ =	swait.ge [sflag:s26], $0x60  }
0x286: {  	[sflag:s26] =	ssyncset.done $0x0  }
0x287: {  	[sflag:s26] =	ssyncadd.s32 $0xFFFFFFA0  }
0x288: {  	_ =	swait.ge [sflag:s26], $0x60  }
0x289: {  	[sflag:s26] =	ssyncset.done $0x0  }
0x28a: {  	[sflag:s26] =	ssyncadd.s32 $0xFFFFFFA0  }
0x28b: {  	_ =	swait.ge [sflag:s26], $0x60  }
0x28c: {  	[sflag:s26] =	ssyncset.done $0x0  }
0x28d: {  	[sflag:s26] =	ssyncadd.s32 $0xFFFFFFA0  }
0x28e: {  	_ =	swait.ge [sflag:s26], $0x60  }
0x28f: {  	[sflag:s26] =	ssyncset.done $0x0  }
0x290: {  	[sflag:s26] =	ssyncadd.s32 $0xFFFFFFA0  }
0x291: {  	_ =	swait.ge [sflag:s26], $0x60  }
0x292: {  	[sflag:s26] =	ssyncset.done $0x0  }
0x293: {  	p0 =	sne.s32 s30, $0x1;
	[sflag:s26] =	ssyncadd.s32 $0xFFFFFFA0  }
.Ltmp1:
0x294: {  	[bflag:$0x0] =	sbarrier.arrive $0xFFFF;
	(pc) =	sbr.rel @p0 .LBB2_1-.Ltmp1, $4  }
0x295: {  	s31 =	rddreg [dreg:$0x5]  }
0x296: {  	[hbm:s31], [sflag:s28] =	dma.local [spmem:s29], $0x50  }
0x297: {  	_ =	swait.ge [sflag:s4], $0x50  }
0x298: {  	s30 =	sadd.s32 $0xFFFFFFFF, s30;
	[sflag:s4] =	ssyncset.done $0x0  }
.LBB2_2:
0x299: {  	[sflag:s4] =	ssyncadd.s32 $0xFFFFFFB0  }
0x29a: {  	_ =	sfence.sel $0x180000  }
0x29b: {  	[bflag:$0x0] =	sbarrier.arrive $0xFFFF  }
0x29c: {  	_ =	strace $0x90000047  }
0x29d: {  	[bflag:$0x2] =	sbarrier.arrive $0xFFFF  }
0x29e: {  	p0 =	sne.s32 s2, $0x0;
	s0 =	rddreg [dreg:$0x3]  }
0x29f: {  	s0 =	sadd.s32 @!p0 $0x100000, s0  }
0x2a0: {  	[sflag:s0] =	ssyncadd.tile.s32 @!p0 $0x1;
	_ =	shalt  }
.Lfunc_end2:
_tile_overlayer_lowered:
.L_overlay_start_2:
0x2a1: {  	(tag) =	ssettag $0x2  }
0x2a2: {  	s0 =	rddreg [dreg:$0x0];
	s2 =	stileid.u32  }
0x2a3: {  	s1 =	rddreg [dreg:$0x1];
	p0 =	sne.s32 s2, $0x0  }
0x2a4: {  	s3 =	rddreg [dreg:$0x2];
	[bflag:$0x3] =	sbarrier.arrive $0xFFFF;
	s2 =	simm.s32 @!p0 $0x1C02  }
0x2a5: {  	[timem:s3], [sflag:s2] =	dma.local @!p0 [hbm:s0], s1  }
0x2a6: {  	s0 =	simm.s32 @!p0 $0x2  }
0x2a7: {  	_ =	swait.ge @!p0 [sflag:s0], s1  }
0x2a8: {  	s1 =	ssub.s32 @!p0 $0x0, s1;
	[sflag:s0] =	ssyncset.done @!p0 $0x0  }
0x2a9: {  	[sflag:s0] =	ssyncadd.s32 @!p0 s1  }
0x2aa: {  	[bflag:$0x3] =	sbarrier.arrive $0xFFFF  }
0x2ab: {  	_ =	shalt  }

// kernel: kernel.9.cloned.1.call-start
scs
__scs_entry_jumppad:
0x0: {  	(pc) =	sbr.rel $0x88, $3  }
0x1: {  	(tag) =	ssettag $0x0;
	lr =	simm.s32 $0x1  }
0x2: {  	[smem:$0x3F9C] =	sst lr;
	_ =	strace $0xD0000000  }
0x3: {  	_ = 	snop  }
0x4: {  	_ = 	snop  }
0x5: {  	_ = 	snop  }
0x6: {  	_ = 	snop  }
0x7: {  	_ = 	snop  }
__scs_overlays_trampoline_lowered:
0x8: {  	[smem:$0x3FAB] =	sst s0  }
0x9: {  	[smem:$0x3FAC] =	sst s1  }
0xa: {  	[smem:$0x3FAD] =	sst s2  }
0xb: {  	[smem:$0x3FAE] =	sst s3  }
0xc: {  	[smem:$0x3FAF] =	sst s4  }
0xd: {  	[smem:$0x3FB0] =	sst s5  }
0xe: {  	[smem:$0x3FB1] =	sst s6  }
0xf: {  	[smem:$0x3FB2] =	sst s7  }
0x10: {  	[smem:$0x3FB3] =	sst s8  }
0x11: {  	[smem:$0x3FB4] =	sst s9;
	s0 =	simm.s32 @!p0 $0x0  }
0x12: {  	s1 =	sld [smem:$0x3F9A];
	s0 =	simm.s32 @p0 $0x1  }
0x13: {  	[smem:$0x3FB5] =	sst s0;
	s0 =	simm.s32 @!p1 $0x0  }
0x14: {  	s2 =	sld [smem:$0x3F99];
	s0 =	simm.s32 @p1 $0x1  }
0x15: {  	[smem:$0x3FB6] =	sst s0;
	s0 =	simm.s32 @!p2 $0x0  }
0x16: {  	s3 =	sld [smem:$0x3FDB];
	s0 =	simm.s32 @p2 $0x1  }
0x17: {  	s4 =	simm.s32 $0x1BF5;
	[smem:$0x3FB8] =	sst s0  }
0x18: {  	s0 =	sld [smem:$0x3F9B];
	_ =	swait.ge [sflag:s4], $0x0  }
0x19: {  	s7 =	sld [smem:$0x3F9C]  }
0x1a: {  	s8 =	sadd.s32 $0xFFFFE003, lr  }
0x1b: {  	s9 =	sadd.s32 $0xFFFFFEF7, lr;
	s5 =	simm.s32 $0xFFFFFFFF;
	p2 =	slt.u32 s8, $0xFFFFF086  }
0x1c: {  	p1 =	slt.u32 s9, $0xF7A;
	s5 =	simm.s32 @!p2 $0x0  }
0x1d: {  	s5 =	simm.s32 @p1 $0x1;
	p0 =	seq.s32 s7, s2  }
0x1e: {  	s7 =	smul.u32 @!p0 $0xF7A, s2;
	p2 =	seq.s32 @!p0 s5, $0x0  }
0x1f: {  	s9 =	smul.u32 $0xF7A, s1;
	s8 =	simm.s32 @!p0 $0x1BF5;
	p2 =	por !p2, p0  }
0x20: {  	[sflag:s8] =	ssyncset.s32 @!p0 $0xFFFFF086;
	s6 =	sadd.s32 @!p0 s3, s7;
	s7 =	simm.s32 @!p0 $0x108  }
0x21: {  	s3 =	sadd.s32 s3, s9;
	s6 =	sadd.s32 @!p0 $0x88, s6;
	s7 =	simm.s32 @p2 $0x1082  }
0x22: {  	[simem:s7], [sflag:s8] =	dma.local @!p0 [hbm:s6], $0xF7A  }
0x23: {  	s9 =	sor.u32 $0xD0000000, s2;
	s6 =	simm.s32 $0x108;
	_ =	swait.ge @!p0 [sflag:s8], $0x0  }
0x24: {  	s3 =	sadd.s32 $0x88, s3;
	s6 =	simm.s32 @!p1 $0x1082;
	[sflag:s4] =	ssyncset.s32 $0xFFFFF086  }
0x25: {  	[simem:s6], [sflag:s4] =	dma.local [hbm:s3], $0xF7A  }
0x26: {  	[smem:$0x3F9C] =	sst s1;
	(tag) =	ssettag s2;
	_ =	strace s9  }
0x27: {  	s1 =	sld [smem:$0x3FAC]  }
0x28: {  	s2 =	sld [smem:$0x3FAD]  }
0x29: {  	s4 =	sld [smem:$0x3FAF]  }
0x2a: {  	p0 =	seq.s32 s5, $0x0;
	s5 =	sld [smem:$0x3FB0]  }
0x2b: {  	s6 =	sld [smem:$0x3FB1]  }
0x2c: {  	s7 =	sld [smem:$0x3FB2]  }
0x2d: {  	s3 =	simm.s32 $0x108;
	s8 =	sld [smem:$0x3FB3]  }
0x2e: {  	s3 =	simm.s32 @!p0 $0x1082;
	s9 =	sld [smem:$0x3FB4]  }
0x2f: {  	lr =	sadd.s32 s0, s3;
	s0 =	sld [smem:$0x3FAB]  }
0x30: {  	s3 =	sld [smem:$0x3FAE]  }
0x31: {  	[smem:$0x3FB7] =	sst s10  }
0x32: {  	s10 =	sld [smem:$0x3FB5];
	_ =	sdelay $0x3  }
0x33: {  	p0 =	seq.s32 s10, $0x1;
	s10 =	sld [smem:$0x3FB7];
	_ =	sdelay $0x3  }
0x34: {  	[smem:$0x3FB7] =	sst s10  }
0x35: {  	s10 =	sld [smem:$0x3FB6];
	_ =	sdelay $0x3  }
0x36: {  	p1 =	seq.s32 s10, $0x1;
	s10 =	sld [smem:$0x3FB7];
	_ =	sdelay $0x3  }
0x37: {  	[smem:$0x3FB7] =	sst s10  }
0x38: {  	s10 =	sld [smem:$0x3FB8]  }
0x39: {  	_ = 	snop;
	(pc) =	sbr.ind lr, $3  }
0x3a: {  	_ = 	snop  }
0x3b: {  	_ = 	snop  }
0x3c: {  	p2 =	seq.s32 s10, $0x1;
	s10 =	sld [smem:$0x3FB7]  }
0x3d: {  	_ =	shalt  }
0x3e: {  	_ =	shalt  }
0x3f: {  	_ =	shalt  }
0x40: {  	_ =	shalt  }
0x41: {  	_ =	shalt  }
0x42: {  	_ =	shalt  }
0x43: {  	_ =	shalt  }
0x44: {  	_ =	shalt  }
0x45: {  	_ =	shalt  }
0x46: {  	_ =	shalt  }
0x47: {  	_ =	shalt  }
0x48: {  	_ =	shalt  }
0x49: {  	_ =	shalt  }
0x4a: {  	_ =	shalt  }
0x4b: {  	_ =	shalt  }
0x4c: {  	_ =	shalt  }
0x4d: {  	_ =	shalt  }
0x4e: {  	_ =	shalt  }
0x4f: {  	_ =	shalt  }
0x50: {  	_ =	shalt  }
0x51: {  	_ =	shalt  }
0x52: {  	_ =	shalt  }
0x53: {  	_ =	shalt  }
0x54: {  	_ =	shalt  }
0x55: {  	_ =	shalt  }
0x56: {  	_ =	shalt  }
0x57: {  	_ =	shalt  }
0x58: {  	_ =	shalt  }
0x59: {  	_ =	shalt  }
0x5a: {  	_ =	shalt  }
0x5b: {  	_ =	shalt  }
0x5c: {  	_ =	shalt  }
0x5d: {  	_ =	shalt  }
0x5e: {  	_ =	shalt  }
0x5f: {  	_ =	shalt  }
0x60: {  	_ =	shalt  }
0x61: {  	_ =	shalt  }
0x62: {  	_ =	shalt  }
0x63: {  	_ =	shalt  }
0x64: {  	_ =	shalt  }
0x65: {  	_ =	shalt  }
0x66: {  	_ =	shalt  }
0x67: {  	_ =	shalt  }
0x68: {  	_ =	shalt  }
0x69: {  	_ =	shalt  }
0x6a: {  	_ =	shalt  }
0x6b: {  	_ =	shalt  }
0x6c: {  	_ =	shalt  }
0x6d: {  	_ =	shalt  }
0x6e: {  	_ =	shalt  }
0x6f: {  	_ =	shalt  }
0x70: {  	_ =	shalt  }
0x71: {  	_ =	shalt  }
0x72: {  	_ =	shalt  }
0x73: {  	_ =	shalt  }
0x74: {  	_ =	shalt  }
0x75: {  	_ =	shalt  }
0x76: {  	_ =	shalt  }
0x77: {  	_ =	shalt  }
0x78: {  	_ =	shalt  }
0x79: {  	_ =	shalt  }
0x7a: {  	_ =	shalt  }
0x7b: {  	_ =	shalt  }
0x7c: {  	_ =	shalt  }
0x7d: {  	_ =	shalt  }
0x7e: {  	_ =	shalt  }
0x7f: {  	_ =	shalt  }
0x80: {  	_ =	shalt  }
0x81: {  	_ =	shalt  }
0x82: {  	_ =	shalt  }
0x83: {  	_ =	shalt  }
0x84: {  	_ =	shalt  }
0x85: {  	_ =	shalt  }
0x86: {  	_ =	shalt  }
0x87: {  	_ =	shalt  }
.Lfunc_end0:
.L_simem_size_0:
called_computation.1_lowered:
.L_overlay_start_0:
0x88: {  	s2 =	sld [smem:$0x3FD9]  }
0x89: {  	s3 =	sld [smem:$0x3FFE];
	_ =	sdelay $0x1  }
0x8a: {  	s1 =	srdreg.scid  }
0x8b: {  	s0 =	sand.u32 $0x1, s1  }
0x8c: {  	s17 =	sshll.u32 s0, $0xA;
	s2 =	sadd.s32 s3, s2  }
0x8d: {  	s2 =	sadd.s32 s2, s17  }
0x8e: {  	[smem:$0x3FC3] =	sst s2  }
0x8f: {  	_ = 	snop  }
0x90: {  	s2 =	sld [smem:$0x3FD0];
	(tm) =	ssettm $0x1  }
0x91: {  	s18 =	sld [smem:$0x3FFB];
	_ =	sdelay $0x3  }
0x92: {  	_ =	strace s18  }
0x93: {  	s3 =	sld [smem:$0x3FFC];
	_ =	sdelay $0x3  }
0x94: {  	_ =	strace s3  }
0x95: {  	s3 =	sld [smem:$0x3FFD];
	_ =	sdelay $0x3  }
0x96: {  	_ =	strace s3  }
0x97: {  	_ =	strace $0x8FFFFFFF  }
0x98: {  	s19 =	sld [smem:$0x3FDB];
	_ =	sdelay $0x1  }
0x99: {  	s4 =	simm.s32 $_scs_section_size  }
0x9a: {  	s5 =	simm.s32 $_size__tile_overlayer_lowered;
	s6 =	simm.s32 $_tile_overlayer_lowered  }
0x9b: {  	s22 =	simm.s32 $0x1BFF;
	s21 =	sshll.u32 s6, $0x1;
	s3 =	sadd.s32 s4, s19  }
0x9c: {  	s7 =	simm.s32 $0x0;
	s20 =	sshll.u32 s5, $0x1;
	s5 =	sadd.s32 s21, s3  }
0x9d: {  	[timem:s7], [sflag:s22] =	dma.local [hbm:s5], s20  }
0x9e: {  	_ =	swait.ge [sflag:s22], s20  }
0x9f: {  	s4 =	ssub.s32 $0x0, s20;
	[sflag:s22] =	ssyncset.done $0x0  }
0xa0: {  	[sflag:s22] =	ssyncadd.s32 s4;
	_ =	sdelay $0x1  }
0xa1: {  	s23 =	simm.s32 $0x1B8B  }
0xa2: {  	_ =	swait.ge [sflag:s23], $0x1  }
0xa3: {  	[sflag:s23] =	ssyncset.done $0x0  }
0xa4: {  	s25 =	simm.s32 $0x1B8E;
	s24 =	sld [smem:$0x3FFE];
	[sflag:s23] =	ssyncadd.s32 $0xFFFFFFFF  }
0xa5: {  	s26 =	simm.s32 $execute0_lowered;
	[smem:$0x3FD2] =	sst s25  }
0xa6: {  	s5 =	sshll.u32 s26, $0x1;
	_ =	strace $0x80000049;
	[dreg:$0x1] =	wrdreg $0xFFFFFFFF  }
0xa7: {  	s28 =	simm.s32 $_size_execute0_lowered;
	s3 =	sadd.s32 s3, s5;
	[dreg:$0x0] =	wrdreg $0x0  }
0xa8: {  	s5 =	sshll.u32 s28, $0x1;
	[dreg:$0x2] =	wrdreg s3  }
0xa9: {  	[dreg:$0x3] =	wrdreg s5  }
0xaa: {  	[dreg:$0x4] =	wrdreg $0xC0  }
0xab: {  	_ =	task [dreg:s7], $0x5FFFF  }
0xac: {  	[dreg:$0x1] =	wrdreg $0xFFFFFFFF  }
0xad: {  	[dreg:$0x0] =	wrdreg $0x60  }
0xae: {  	[dreg:$0x2] =	wrdreg s24  }
0xaf: {  	[dreg:$0x3] =	wrdreg s2  }
0xb0: {  	[dreg:$0x4] =	wrdreg $0xB8000  }
0xb1: {  	[dreg:$0x5] =	wrdreg $0x9  }
0xb2: {  	_ =	task.clear_ibuf [dreg:s7], $0x6FFFF;
	_ =	strace $0x90000049  }
0xb3: {  	s29 =	simm.s32 $0x9;
	_ =	strace $0x8000004B  }
0xb4: {  	_ =	swait.ge [sflag:s29], $0x1  }
0xb5: {  	[sflag:s29] =	ssyncadd.s32 $0xFFFFFFFF  }
0xb6: {  	_ =	strace $0x9000004B  }
0xb7: {  	_ =	sfence  }
0xb8: {  	s30 =	sld [smem:$0x0];
	_ =	sdelay $0x2  }
0xb9: {  	s31 =	sshll.u32 s1, $0xD;
	s1 =	sshrl.u32 s1, $0x2  }
0xba: {  	s3 =	sand.u32 $0x4000, s31;
	s1 =	sadd.s32 s1, s30  }
0xbb: {  	s0 =	sor.u32 s3, s0;
	s1 =	sshll.u32 s1, $0x11  }
0xbc: {  	s0 =	sor.u32 s1, s0  }
0xbd: {  	s0 =	sadd.s32 $0x8F2B, s0  }
0xbe: {  	[sflag:s0] =	ssyncadd.remote.s32 $0x1  }
0xbf: {  	_ =	sfence.sel $0xFFFF  }
0xc0: {  	[dreg:$0x0] =	wrdreg $0xFFFFFFFF;
	(pc) =	sbr.abs _section_cstart, $3  }
0xc1: {  	[dreg:$0x1] =	wrdreg $0xFFFFFFFF  }
0xc2: {  	_ =	task.clear_ibuf [dreg:s7], $0x2FFFF;
	_ =	strace $0x9FFFFFFF  }
0xc3: {  	(tm) =	ssettm $0x7FFFFFFF  }
tec
execute0_lowered:
.L_overlay_start_1:
0x0: {  	(tag) =	ssettag $0x1  }
0x1: {  	s0 =	rddreg [dreg:$0x0]  }
0x2: {  	s3 =	rddreg [dreg:$0x1]  }
0x3: {  	s1 =	rddreg [dreg:$0x2];
	s2 =	simm.s32 $0x0;
	s6 =	srdreg.scid  }
0x4: {  	s12 =	stileid.u32;
	s14 =	simm.s32 $0x7;
	s15 =	simm.s32 $0x1400  }
0x5: {  	s16 =	simm.s32 $0x60;
	s17 =	simm.s32 $0x2800;
	s18 =	simm.s32 $0x80  }
0x6: {  	s19 =	simm.s32 $0x5800;
	s20 =	simm.s32 $0x1;
	s21 =	simm.s32 $0x100  }
0x7: {  	s28 =	simm.s32 $0x5;
	s29 =	simm.s32 $0x3;
	s30 =	simm.s32 $0x1500  }
0x8: {  	s31 =	simm.s32 $0x200;
	[smem:$0x7FF] =	sst s2;
	s4 =	sadd.s32 $0x1C00, s0  }
0x9: {  	s5 =	sadd.s32 $0x10C00, s0;
	s7 =	sand.u32 $0x1, s6;
	s8 =	smul.u32 $0x4F000, s12  }
0xa: {  	s6 =	sadd.s32 $0x38C00, s0;
	s9 =	smul.u32 $0x2780, s12;
	s26 =	sshll.u32 s12, $0x6  }
0xb: {  	_ =	strace $0x8000004A;
	s22 =	ssub.s32 $0x2, s7;
	s11 =	smul.u32 $0x27800, s7  }
0xc: {  	p0 =	seq.s32 s7, $0x1;
	s10 =	sshrl.u32 s22, $0x1;
	s8 =	sshrl.u32 s8, $0x2  }
0xd: {  	s24 =	sadd.s32 s5, s9;
	s0 =	ssub.s32 s22, s10;
	s23 =	sadd.s32 s8, s1  }
0xe: {  	[dreg:$0x4] =	wrdreg s24;
	s8 =	smul.u32 $0x3, s12;
	s25 =	sadd.s32 s9, s11  }
.Ltmp0:
0xf: {  	s9 =	sadd.s32 s6, s9;
	s12 =	sor.u32 $0x1C07, s26;
	(pc) =	sbr.rel .LBB2_1-.Ltmp0, $4  }
0x10: {  	s22 =	simm.s32 $0x8800;
	s24 =	simm.s32 $0x2;
	s26 =	simm.s32 $0x180  }
0x11: {  	[dreg:$0x5] =	wrdreg s9;
	s3 =	sadd.s32 s3, s25;
	s0 =	smax.u32 s0, $0x1  }
0x12: {  	s13 =	sshrl.u32 s23, $0x3;
	s23 =	simm.s32 $0x4;
	[dreg:$0x6] =	wrdreg s3  }
0x13: {  	s25 =	simm.s32 $0x1480;
	[dreg:$0x7] =	wrdreg s0;
	s0 =	simm.s32 $0x6  }
.LBB2_12:
0x14: {  	_ =	swait.ge [sflag:s0], $0x3000  }
0x15: {  	[sflag:s0] =	ssyncset.done $0x0  }
0x16: {  	[sflag:s0] =	ssyncadd.s32 $0xFFFFD000  }
0x17: {  	[bflag:$0x0] =	sbarrier.arrive $0xFFFF  }
0x18: {  	s3 =	rddreg [dreg:$0x6]  }
0x19: {  	[hbm:s3], [sflag:s12] =	dma.local [spmem:s13], $0x2780  }
0x1a: {  	_ =	swait.ge [sflag:s14], $0x2780  }
0x1b: {  	s2 =	sadd.s32 $0x1, s2;
	s11 =	rddreg [dreg:$0x7]  }
0x1c: {  	p1 =	sne.s32 s2, s11  }
.Ltmp1:
0x1d: {  	_ = 	snop;
	(pc) =	sbr.rel @!p1 .LBB2_13-.Ltmp1, $3  }
0x1e: {  	_ =	sdelay $0x1  }
0x1f: {  	[sflag:s14] =	ssyncset.done $0x0  }
0x20: {  	[sflag:s14] =	ssyncadd.s32 $0xFFFFD880  }
.LBB2_1:
.Ltmp2:
0x21: {  	(pc) =	sbr.rel @!p0 .LBB2_2-.Ltmp2, $1  }
0x22: {  	_ =	sdelay $0x3  }
0x23: {  	s3 =	rddreg [dreg:$0x5]  }
0x24: {  	[spmem:s13], [sflag:s12] =	dma.local [hbm:s3], $0x2780  }
.Ltmp3:
0x25: {  	_ =	swait.ge [sflag:s14], $0x2780;
	(pc) =	sbr.rel .LBB2_8-.Ltmp3, $4  }
0x26: {  	[sflag:s14] =	ssyncset.done $0x0  }
0x27: {  	[sflag:s14] =	ssyncadd.s32 $0xFFFFD880  }
0x28: {  	[bflag:$0x0] =	sbarrier.arrive $0xFFFF  }
0x29: {  	s7 =	simm.s32 $0x0;
	s3 =	simm.s32 $0x0  }
.LBB2_11:
0x2a: {  	_ =	swait.ge [sflag:s28], $0x3000;
	s7 =	sadd.s32 $0x1, s7  }
0x2b: {  	[sflag:s28] =	ssyncset.done $0x0;
	p1 =	sne.s32 s7, $0x3  }
.Ltmp4:
0x2c: {  	[sflag:s28] =	ssyncadd.s32 $0xFFFFD000;
	(pc) =	sbr.rel @!p1 .LBB2_12-.Ltmp4, $4  }
0x2d: {  	_ =	swait.ge [sflag:s29], $0x3000  }
0x2e: {  	[sflag:s29] =	ssyncset.done $0x0  }
0x2f: {  	s9 =	sadd.s32 $0x1680, s10;
	[sflag:s29] =	ssyncadd.s32 $0xFFFFD000  }
0x30: {  	[spmem:s1] =	stream.indirect.scatter.add.f32 [tilespmem:s22], [sflag:$0x6], $0x80, s9, s16, $0xb8;
	[tilespmem:$0x1F400] =	vst v63  }
.LBB2_8:
0x31: {  	p1 =	seq.s32 s7, $0x0  }
0x32: {  	s10 =	sadd.s32 s8, s7;
	s9 =	simm.s32 @!p1 $0x6  }
0x33: {  	s10 =	smul.u32 $0x500, s10;
	_ =	swait.ge @!p1 [sflag:s9], $0x3000  }
0x34: {  	[sflag:s9] =	ssyncset.done @!p1 $0x0  }
0x35: {  	s11 =	sadd.s32 s4, s10;
	[sflag:s9] =	ssyncadd.s32 @!p1 $0xFFFFD000  }
0x36: {  	[tilespmem:s3], [sflag:$0x7] =	stream.linear.gather [hbm4b:s11+s3], $0x1200, $0x38;
	[tilespmem:$0x1F400] =	vst v63  }
0x37: {  	s9 =	sadd.s32 $0x280, s11  }
0x38: {  	[tilespmem:s15], [sflag:$0x7] =	stream.linear.gather [hbm4b:s9+s3], $0x1200, $0x38;
	[tilespmem:$0x1F400] =	vst v63  }
0x39: {  	_ =	swait.ge [sflag:s14], $0x2400  }
0x3a: {  	[sflag:s14] =	ssyncset.done $0x0  }
0x3b: {  	[sflag:s14] =	ssyncadd.s32 $0xFFFFDC00  }
0x3c: {  	[tilespmem:s17], [sflag:$0x1] =	stream.indirect.gather [hbm4b:s6+s16], $0x80, s3, s16, $0xb8;
	[tilespmem:$0x1F400] =	vst v63  }
0x3d: {  	_ = 	snop  }
0x3e: {  	[tilespmem:s19], [sflag:$0x2] =	stream.indirect.gather [hbm4b:s6+s16], $0x80, s18, s16, $0xb8;
	[tilespmem:$0x1F400] =	vst v63  }
0x3f: {  	_ =	swait.ge [sflag:s20], $0x3000  }
0x40: {  	[sflag:s20] =	ssyncset.done $0x0  }
0x41: {  	[sflag:s20] =	ssyncadd.s32 $0xFFFFD000  }
0x42: {  	[spmem:s1] =	stream.indirect.scatter.add.f32 [tilespmem:s17], [sflag:$0x4], $0x80, s15, s16, $0xb8;
	[tilespmem:$0x1F400] =	vst v63  }
0x43: {  	_ = 	snop  }
0x44: {  	[tilespmem:s22], [sflag:$0x3] =	stream.indirect.gather [hbm4b:s6+s16], $0x80, s21, s16, $0xb8;
	[tilespmem:$0x1F400] =	vst v63  }
0x45: {  	_ =	swait.ge [sflag:s23], $0x3000  }
0x46: {  	[sflag:s23] =	ssyncset.done $0x0  }
0x47: {  	[sflag:s23] =	ssyncadd.s32 $0xFFFFD000  }
0x48: {  	_ =	swait.ge [sflag:s24], $0x3000  }
0x49: {  	[sflag:s24] =	ssyncset.done $0x0  }
0x4a: {  	[sflag:s24] =	ssyncadd.s32 $0xFFFFD000  }
0x4b: {  	[spmem:s1] =	stream.indirect.scatter.add.f32 [tilespmem:s19], [sflag:$0x5], $0x80, s25, s16, $0xb8;
	[tilespmem:$0x1F400] =	vst v63  }
0x4c: {  	_ = 	snop  }
0x4d: {  	[tilespmem:s17], [sflag:$0x1] =	stream.indirect.gather [hbm4b:s6+s16], $0x80, s26, s16, $0xb8;
	[tilespmem:$0x1F400] =	vst v63  }
0x4e: {  	_ =	swait.ge [sflag:s28], $0x3000  }
0x4f: {  	[sflag:s28] =	ssyncset.done $0x0  }
0x50: {  	[sflag:s28] =	ssyncadd.s32 $0xFFFFD000  }
0x51: {  	_ =	swait.ge [sflag:s29], $0x3000  }
0x52: {  	[sflag:s29] =	ssyncset.done $0x0  }
0x53: {  	[sflag:s29] =	ssyncadd.s32 $0xFFFFD000  }
0x54: {  	[spmem:s1] =	stream.indirect.scatter.add.f32 [tilespmem:s22], [sflag:$0x6], $0x80, s30, s16, $0xb8;
	[tilespmem:$0x1F400] =	vst v63  }
0x55: {  	s9 =	simm.s32 $0x0  }
0x56: {  	[tilespmem:s19], [sflag:$0x2] =	stream.indirect.gather [hbm4b:s6+s16], $0x80, s31, s16, $0xb8;
	[tilespmem:$0x1F400] =	vst v63  }
.LBB2_9:
0x57: {  	_ =	swait.ge [sflag:s0], $0x3000  }
0x58: {  	[sflag:s0] =	ssyncset.done $0x0  }
0x59: {  	[sflag:s0] =	ssyncadd.s32 $0xFFFFD000  }
0x5a: {  	_ =	swait.ge [sflag:s20], $0x3000  }
0x5b: {  	s10 =	sshra.s32 s9, $0x2;
	[sflag:s20] =	ssyncset.done $0x0  }
0x5c: {  	s11 =	sadd.s32 $0x1580, s10;
	[sflag:s20] =	ssyncadd.s32 $0xFFFFD000  }
0x5d: {  	[spmem:s1] =	stream.indirect.scatter.add.f32 [tilespmem:s17], [sflag:$0x4], $0x80, s11, s16, $0xb8;
	[tilespmem:$0x1F400] =	vst v63  }
0x5e: {  	s11 =	sadd.s32 $0x280, s10  }
0x5f: {  	[tilespmem:s22], [sflag:$0x3] =	stream.indirect.gather [hbm4b:s6+s16], $0x80, s11, s16, $0xb8;
	[tilespmem:$0x1F400] =	vst v63  }
0x60: {  	_ =	swait.ge [sflag:s23], $0x3000  }
0x61: {  	p1 =	seq.s32 s9, $0x3C00;
	[sflag:s23] =	ssyncset.done $0x0  }
.Ltmp5:
0x62: {  	[sflag:s23] =	ssyncadd.s32 $0xFFFFD000;
	(pc) =	sbr.rel @p1 .LBB2_11-.Ltmp5, $4  }
0x63: {  	_ =	swait.ge [sflag:s24], $0x3000  }
0x64: {  	[sflag:s24] =	ssyncset.done $0x0  }
0x65: {  	s11 =	sadd.s32 $0x1600, s10;
	[sflag:s24] =	ssyncadd.s32 $0xFFFFD000  }
0x66: {  	[spmem:s1] =	stream.indirect.scatter.add.f32 [tilespmem:s19], [sflag:$0x5], $0x80, s11, s16, $0xb8;
	[tilespmem:$0x1F400] =	vst v63  }
0x67: {  	s11 =	sadd.s32 $0x300, s10  }
0x68: {  	[tilespmem:s17], [sflag:$0x1] =	stream.indirect.gather [hbm4b:s6+s16], $0x80, s11, s16, $0xb8;
	[tilespmem:$0x1F400] =	vst v63  }
0x69: {  	_ =	swait.ge [sflag:s28], $0x3000  }
0x6a: {  	[sflag:s28] =	ssyncset.done $0x0  }
0x6b: {  	[sflag:s28] =	ssyncadd.s32 $0xFFFFD000  }
0x6c: {  	_ =	swait.ge [sflag:s29], $0x3000  }
.Ltmp6:
0x6d: {  	[sflag:s29] =	ssyncset.done $0x0;
	(pc) =	sbr.rel .LBB2_9-.Ltmp6, $4  }
0x6e: {  	s11 =	sadd.s32 $0x1680, s10;
	[sflag:s29] =	ssyncadd.s32 $0xFFFFD000  }
0x6f: {  	[spmem:s1] =	stream.indirect.scatter.add.f32 [tilespmem:s22], [sflag:$0x6], $0x80, s11, s16, $0xb8;
	[tilespmem:$0x1F400] =	vst v63  }
0x70: {  	s9 =	sadd.s32 $0x600, s9;
	s11 =	sadd.s32 $0x380, s10  }
0x71: {  	[tilespmem:s19], [sflag:$0x2] =	stream.indirect.gather [hbm4b:s6+s16], $0x80, s11, s16, $0xb8;
	[tilespmem:$0x1F400] =	vst v63  }
.LBB2_2:
0x72: {  	s3 =	rddreg [dreg:$0x4]  }
0x73: {  	[spmem:s13], [sflag:s12] =	dma.local [hbm:s3], $0x2780  }
.Ltmp7:
0x74: {  	_ =	swait.ge [sflag:s14], $0x2780;
	(pc) =	sbr.rel .LBB2_3-.Ltmp7, $4  }
0x75: {  	[sflag:s14] =	ssyncset.done $0x0  }
0x76: {  	[sflag:s14] =	ssyncadd.s32 $0xFFFFD880  }
0x77: {  	[bflag:$0x0] =	sbarrier.arrive $0xFFFF  }
0x78: {  	s7 =	simm.s32 $0x0;
	s3 =	simm.s32 $0x0  }
.LBB2_6:
0x79: {  	_ =	swait.ge [sflag:s28], $0x3000;
	s7 =	sadd.s32 $0x1, s7  }
0x7a: {  	[sflag:s28] =	ssyncset.done $0x0;
	p1 =	seq.s32 s7, $0x3  }
.Ltmp8:
0x7b: {  	[sflag:s28] =	ssyncadd.s32 $0xFFFFD000;
	(pc) =	sbr.rel @p1 .LBB2_12-.Ltmp8, $4  }
0x7c: {  	_ =	swait.ge [sflag:s29], $0x3000  }
0x7d: {  	[sflag:s29] =	ssyncset.done $0x0  }
0x7e: {  	s9 =	sadd.s32 $0x1680, s10;
	[sflag:s29] =	ssyncadd.s32 $0xFFFFD000  }
0x7f: {  	[spmem:s1] =	stream.indirect.scatter.add.f32 [tilespmem:s22], [sflag:$0x6], $0x80, s9, s16, $0xb8;
	[tilespmem:$0x1F400] =	vst v63  }
.LBB2_3:
0x80: {  	p1 =	seq.s32 s7, $0x0  }
0x81: {  	s10 =	sadd.s32 s8, s7;
	s9 =	simm.s32 @!p1 $0x6  }
0x82: {  	s10 =	smul.u32 $0x500, s10;
	_ =	swait.ge @!p1 [sflag:s9], $0x3000  }
0x83: {  	[sflag:s9] =	ssyncset.done @!p1 $0x0  }
0x84: {  	s11 =	sadd.s32 s4, s10;
	[sflag:s9] =	ssyncadd.s32 @!p1 $0xFFFFD000  }
0x85: {  	[tilespmem:s3], [sflag:$0x7] =	stream.linear.gather [hbm4b:s11+s3], $0x1200, $0x38;
	[tilespmem:$0x1F400] =	vst v63  }
0x86: {  	s9 =	sadd.s32 $0x280, s11  }
0x87: {  	[tilespmem:s15], [sflag:$0x7] =	stream.linear.gather [hbm4b:s9+s3], $0x1200, $0x38;
	[tilespmem:$0x1F400] =	vst v63  }
0x88: {  	_ =	swait.ge [sflag:s14], $0x2400  }
0x89: {  	[sflag:s14] =	ssyncset.done $0x0  }
0x8a: {  	[sflag:s14] =	ssyncadd.s32 $0xFFFFDC00  }
0x8b: {  	[tilespmem:s17], [sflag:$0x1] =	stream.indirect.gather [hbm4b:s5+s16], $0x80, s3, s16, $0xb8;
	[tilespmem:$0x1F400] =	vst v63  }
0x8c: {  	_ = 	snop  }
0x8d: {  	[tilespmem:s19], [sflag:$0x2] =	stream.indirect.gather [hbm4b:s5+s16], $0x80, s18, s16, $0xb8;
	[tilespmem:$0x1F400] =	vst v63  }
0x8e: {  	_ =	swait.ge [sflag:s20], $0x3000  }
0x8f: {  	[sflag:s20] =	ssyncset.done $0x0  }
0x90: {  	[sflag:s20] =	ssyncadd.s32 $0xFFFFD000  }
0x91: {  	[spmem:s1] =	stream.indirect.scatter.add.f32 [tilespmem:s17], [sflag:$0x4], $0x80, s15, s16, $0xb8;
	[tilespmem:$0x1F400] =	vst v63  }
0x92: {  	_ = 	snop  }
0x93: {  	[tilespmem:s22], [sflag:$0x3] =	stream.indirect.gather [hbm4b:s5+s16], $0x80, s21, s16, $0xb8;
	[tilespmem:$0x1F400] =	vst v63  }
0x94: {  	_ =	swait.ge [sflag:s23], $0x3000  }
0x95: {  	[sflag:s23] =	ssyncset.done $0x0  }
0x96: {  	[sflag:s23] =	ssyncadd.s32 $0xFFFFD000  }
0x97: {  	_ =	swait.ge [sflag:s24], $0x3000  }
0x98: {  	[sflag:s24] =	ssyncset.done $0x0  }
0x99: {  	[sflag:s24] =	ssyncadd.s32 $0xFFFFD000  }
0x9a: {  	[spmem:s1] =	stream.indirect.scatter.add.f32 [tilespmem:s19], [sflag:$0x5], $0x80, s25, s16, $0xb8;
	[tilespmem:$0x1F400] =	vst v63  }
0x9b: {  	_ = 	snop  }
0x9c: {  	[tilespmem:s17], [sflag:$0x1] =	stream.indirect.gather [hbm4b:s5+s16], $0x80, s26, s16, $0xb8;
	[tilespmem:$0x1F400] =	vst v63  }
0x9d: {  	_ =	swait.ge [sflag:s28], $0x3000  }
0x9e: {  	[sflag:s28] =	ssyncset.done $0x0  }
0x9f: {  	[sflag:s28] =	ssyncadd.s32 $0xFFFFD000  }
0xa0: {  	_ =	swait.ge [sflag:s29], $0x3000  }
0xa1: {  	[sflag:s29] =	ssyncset.done $0x0  }
0xa2: {  	[sflag:s29] =	ssyncadd.s32 $0xFFFFD000  }
0xa3: {  	[spmem:s1] =	stream.indirect.scatter.add.f32 [tilespmem:s22], [sflag:$0x6], $0x80, s30, s16, $0xb8;
	[tilespmem:$0x1F400] =	vst v63  }
0xa4: {  	s9 =	simm.s32 $0x0  }
0xa5: {  	[tilespmem:s19], [sflag:$0x2] =	stream.indirect.gather [hbm4b:s5+s16], $0x80, s31, s16, $0xb8;
	[tilespmem:$0x1F400] =	vst v63  }
.LBB2_4:
0xa6: {  	_ =	swait.ge [sflag:s0], $0x3000  }
0xa7: {  	[sflag:s0] =	ssyncset.done $0x0  }
0xa8: {  	[sflag:s0] =	ssyncadd.s32 $0xFFFFD000  }
0xa9: {  	_ =	swait.ge [sflag:s20], $0x3000  }
0xaa: {  	s10 =	sshra.s32 s9, $0x2;
	[sflag:s20] =	ssyncset.done $0x0  }
0xab: {  	s11 =	sadd.s32 $0x1580, s10;
	[sflag:s20] =	ssyncadd.s32 $0xFFFFD000  }
0xac: {  	[spmem:s1] =	stream.indirect.scatter.add.f32 [tilespmem:s17], [sflag:$0x4], $0x80, s11, s16, $0xb8;
	[tilespmem:$0x1F400] =	vst v63  }
0xad: {  	s11 =	sadd.s32 $0x280, s10  }
0xae: {  	[tilespmem:s22], [sflag:$0x3] =	stream.indirect.gather [hbm4b:s5+s16], $0x80, s11, s16, $0xb8;
	[tilespmem:$0x1F400] =	vst v63  }
0xaf: {  	_ =	swait.ge [sflag:s23], $0x3000  }
0xb0: {  	p1 =	seq.s32 s9, $0x3C00;
	[sflag:s23] =	ssyncset.done $0x0  }
.Ltmp9:
0xb1: {  	[sflag:s23] =	ssyncadd.s32 $0xFFFFD000;
	(pc) =	sbr.rel @p1 .LBB2_6-.Ltmp9, $4  }
0xb2: {  	_ =	swait.ge [sflag:s24], $0x3000  }
0xb3: {  	[sflag:s24] =	ssyncset.done $0x0  }
0xb4: {  	s11 =	sadd.s32 $0x1600, s10;
	[sflag:s24] =	ssyncadd.s32 $0xFFFFD000  }
0xb5: {  	[spmem:s1] =	stream.indirect.scatter.add.f32 [tilespmem:s19], [sflag:$0x5], $0x80, s11, s16, $0xb8;
	[tilespmem:$0x1F400] =	vst v63  }
0xb6: {  	s11 =	sadd.s32 $0x300, s10  }
0xb7: {  	[tilespmem:s17], [sflag:$0x1] =	stream.indirect.gather [hbm4b:s5+s16], $0x80, s11, s16, $0xb8;
	[tilespmem:$0x1F400] =	vst v63  }
0xb8: {  	_ =	swait.ge [sflag:s28], $0x3000  }
0xb9: {  	[sflag:s28] =	ssyncset.done $0x0  }
0xba: {  	[sflag:s28] =	ssyncadd.s32 $0xFFFFD000  }
0xbb: {  	_ =	swait.ge [sflag:s29], $0x3000  }
.Ltmp10:
0xbc: {  	[sflag:s29] =	ssyncset.done $0x0;
	(pc) =	sbr.rel .LBB2_4-.Ltmp10, $4  }
0xbd: {  	s11 =	sadd.s32 $0x1680, s10;
	[sflag:s29] =	ssyncadd.s32 $0xFFFFD000  }
0xbe: {  	[spmem:s1] =	stream.indirect.scatter.add.f32 [tilespmem:s22], [sflag:$0x6], $0x80, s11, s16, $0xb8;
	[tilespmem:$0x1F400] =	vst v63  }
0xbf: {  	s9 =	sadd.s32 $0x600, s9;
	s11 =	sadd.s32 $0x380, s10  }
0xc0: {  	[tilespmem:s19], [sflag:$0x2] =	stream.indirect.gather [hbm4b:s5+s16], $0x80, s11, s16, $0xb8;
	[tilespmem:$0x1F400] =	vst v63  }
.LBB2_13:
0xc1: {  	_ =	sfence.sel $0x180000  }
0xc2: {  	[bflag:$0x0] =	sbarrier.arrive $0xFFFF  }
0xc3: {  	_ =	strace $0x9000004A  }
0xc4: {  	s0 =	stileid.u32;
	[bflag:$0x2] =	sbarrier.arrive $0xFFFF  }
0xc5: {  	p0 =	sne.s32 s0, $0x0;
	s0 =	rddreg [dreg:$0x3]  }
0xc6: {  	s0 =	sadd.s32 @!p0 $0x100000, s0  }
0xc7: {  	[sflag:s0] =	ssyncadd.tile.s32 @!p0 $0x1;
	_ =	shalt  }
.Lfunc_end2:
_tile_overlayer_lowered:
.L_overlay_start_2:
0xc8: {  	(tag) =	ssettag $0x2  }
0xc9: {  	s0 =	rddreg [dreg:$0x0];
	s2 =	stileid.u32  }
0xca: {  	s1 =	rddreg [dreg:$0x1];
	p0 =	sne.s32 s2, $0x0  }
0xcb: {  	s3 =	rddreg [dreg:$0x2];
	[bflag:$0x3] =	sbarrier.arrive $0xFFFF;
	s2 =	simm.s32 @!p0 $0x1C07  }
0xcc: {  	[timem:s3], [sflag:s2] =	dma.local @!p0 [hbm:s0], s1  }
0xcd: {  	s0 =	simm.s32 @!p0 $0x7  }
0xce: {  	_ =	swait.ge @!p0 [sflag:s0], s1  }
0xcf: {  	s1 =	ssub.s32 @!p0 $0x0, s1;
	[sflag:s0] =	ssyncset.done @!p0 $0x0  }
0xd0: {  	[sflag:s0] =	ssyncadd.s32 @!p0 s1  }
0xd1: {  	[bflag:$0x3] =	sbarrier.arrive $0xFFFF  }
0xd2: {  	_ =	shalt  }

</sc_bundles>
